<compile_context>
chip_gen: v7x
topology: tpu7x:2x2x1
jax: 0.10.2.dev20260603
libtpu: 0.0.44.dev20260713+nightly
codegen_flags: <defaults>
</compile_context>

<pallas_src>
import functools

import jax
import jax.numpy as jnp
from jax import lax
from jax.experimental import pallas as pl
from jax.experimental.pallas import tpu as pltpu
from jax.experimental.pallas import tpu_sc as plsc

N = 10000
E = 320000
D = 128
LAYERS = 4
EPS = 1e-05
LN_EPS = 1e-05

NC = 2
NS = 16
NW = NC * NS
CHUNK = 128
SB = 8
NSB = 10
EP = NW * NSB * SB * CHUNK
ACH = 125
ANC = 80
NPAD = 10240
RPT = NPAD // NS

_mesh = plsc.VectorSubcoreMesh(core_axis_name="c", subcore_axis_name="s")



@functools.partial(
    pl.kernel,
    out_type=(
        jax.ShapeDtypeStruct((NPAD,), jnp.float32),
        jax.ShapeDtypeStruct((NPAD,), jnp.float32),
    ),
    mesh=_mesh,
    scratch_types=[
        pltpu.VMEM((NSB, SB, CHUNK), jnp.int32),
        pltpu.VMEM((CHUNK,), jnp.float32),
        pltpu.VMEM_SHARED((NPAD,), jnp.float32),
    ],
)
def _deg_kernel(dst_hbm, zeros1d_hbm, ones_hbm, d0_hbm, d1_hbm,
                idxd_v, ones_v, deg_sp):
    cid = lax.axis_index("c")
    sid = lax.axis_index("s")
    w = cid * NS + sid
    pltpu.sync_copy(zeros1d_hbm, deg_sp.at[pl.ds(sid * RPT, RPT)])
    pltpu.sync_copy(ones_hbm, ones_v)
    pltpu.sync_copy(dst_hbm.at[w], idxd_v)
    plsc.subcore_barrier()

    @pl.loop(0, NSB)
    def _(sb):
        for k in range(SB):
            pltpu.sync_copy(ones_v, deg_sp.at[idxd_v.at[sb, k]], add=True)

    plsc.subcore_barrier()

    @pl.when(jnp.logical_and(sid == 0, cid == 0))
    def _():
        pltpu.sync_copy(deg_sp, d0_hbm)

    @pl.when(jnp.logical_and(sid == 0, cid == 1))
    def _():
        pltpu.sync_copy(deg_sp, d1_hbm)


@functools.partial(
    pl.kernel,
    out_type=(
        jax.ShapeDtypeStruct((NPAD, D), jnp.float32),
        jax.ShapeDtypeStruct((NPAD, D), jnp.float32),
    ),
    mesh=_mesh,
    scratch_types=[
        pltpu.VMEM((ANC, ACH), jnp.int32),
        pltpu.VMEM((ANC, ACH), jnp.int32),
        pltpu.VMEM((ACH, D), jnp.float32),
        pltpu.VMEM_SHARED((NPAD, D), jnp.float32),
        pltpu.SemaphoreType.DMA,
    ],
)
def _agg_kernel(y_hbm, src_hbm, dst_hbm, zeros2d_hbm, z0_hbm, z1_hbm,
                idxs_v, idxd_v, rows_v, z_sp, sem):
    cid = lax.axis_index("c")
    sid = lax.axis_index("s")
    w = cid * NS + sid

    pltpu.sync_copy(zeros2d_hbm, z_sp.at[pl.ds(sid * RPT, RPT)])
    pltpu.sync_copy(src_hbm.at[w], idxs_v)
    pltpu.sync_copy(dst_hbm.at[w], idxd_v)
    plsc.subcore_barrier()

    @pl.loop(0, ANC)
    def _(j):
        pltpu.async_copy(y_hbm.at[idxs_v.at[j]], rows_v, sem).wait()
        pltpu.sync_copy(rows_v, z_sp.at[idxd_v.at[j]], add=True)

    plsc.subcore_barrier()

    @pl.when(cid == 0)
    def _():
        pltpu.sync_copy(z_sp.at[pl.ds(sid * RPT, RPT)],
                        z0_hbm.at[pl.ds(sid * RPT, RPT)])

    @pl.when(cid == 1)
    def _():
        pltpu.sync_copy(z_sp.at[pl.ds(sid * RPT, RPT)],
                        z1_hbm.at[pl.ds(sid * RPT, RPT)])



def _prep_body(degs_ref, x_ref, w_ref, y_ref, dinv_ref):
    d = degs_ref[:, 0] + degs_ref[:, 1] + 1.0
    dinv = lax.rsqrt(d)[:, None]
    dinv_ref[...] = jnp.broadcast_to(dinv, x_ref.shape)
    y_ref[...] = dinv * jnp.dot(x_ref[...], w_ref[...],
                                preferred_element_type=jnp.float32)


def _post_body(layer, z0_ref, z1_ref, y_ref, xin_ref, dinv_ref,
               b_ref, g_ref, bt_ref, wn_ref, h_ref, yn_ref):
    dinv = dinv_ref[...]
    h = dinv * (z0_ref[...] + z1_ref[...] + y_ref[...]) + b_ref[...]
    h = jnp.where(jnp.isnan(h), jnp.float32(0.0), h)
    h = jnp.where(jnp.isinf(h) & (h > 0), jnp.float32(EPS), h)
    h = jnp.where(jnp.isinf(h) & (h < 0), jnp.float32(-EPS), h)
    mu = jnp.mean(h, axis=-1, keepdims=True)
    var = jnp.mean((h - mu) ** 2, axis=-1, keepdims=True)
    h = (h - mu) / jnp.sqrt(var + LN_EPS) * g_ref[...] + bt_ref[...]
    if layer > 0:
        h = h + xin_ref[...]
    if layer < LAYERS - 1:
        h = jax.nn.relu(h)
    h_ref[...] = h
    if layer < LAYERS - 1:
        yn_ref[...] = dinv * jnp.dot(h, wn_ref[...],
                                     preferred_element_type=jnp.float32)


_BN = 1000


def _tc_prep(degs, x, w0):
    return pl.pallas_call(
        _prep_body,
        grid=(N // _BN,),
        in_specs=[
            pl.BlockSpec((_BN, 2), lambda i: (i, 0)),
            pl.BlockSpec((_BN, D), lambda i: (i, 0)),
            pl.BlockSpec((D, D), lambda i: (0, 0)),
        ],
        out_specs=[
            pl.BlockSpec((_BN, D), lambda i: (i, 0)),
            pl.BlockSpec((_BN, D), lambda i: (i, 0)),
        ],
        out_shape=[
            jax.ShapeDtypeStruct((N, D), jnp.float32),
            jax.ShapeDtypeStruct((N, D), jnp.float32),
        ],
    )(degs, x, w0)


def _tc_post(layer, z0, z1, y, xin, dinv2d, bl, gl, btl, wn):
    last = layer == LAYERS - 1
    if last:
        def body(z0r, z1r, yr, xr, dr, br, gr, btr, wr, hr):
            _post_body(layer, z0r, z1r, yr, xr, dr, br, gr, btr, wr, hr, None)
        out_specs = [pl.BlockSpec((_BN, D), lambda i: (i, 0))]
        out_shape = [jax.ShapeDtypeStruct((N, D), jnp.float32)]
    else:
        body = functools.partial(_post_body, layer)
        out_specs = [pl.BlockSpec((_BN, D), lambda i: (i, 0))] * 2
        out_shape = [jax.ShapeDtypeStruct((N, D), jnp.float32)] * 2
    res = pl.pallas_call(
        body,
        grid=(N // _BN,),
        in_specs=[
            pl.BlockSpec((_BN, D), lambda i: (i, 0)),
            pl.BlockSpec((_BN, D), lambda i: (i, 0)),
            pl.BlockSpec((_BN, D), lambda i: (i, 0)),
            pl.BlockSpec((_BN, D), lambda i: (i, 0)),
            pl.BlockSpec((_BN, D), lambda i: (i, 0)),
            pl.BlockSpec((1, D), lambda i: (0, 0)),
            pl.BlockSpec((1, D), lambda i: (0, 0)),
            pl.BlockSpec((1, D), lambda i: (0, 0)),
            pl.BlockSpec((D, D), lambda i: (0, 0)),
        ],
        out_specs=out_specs,
        out_shape=out_shape,
    )(z0, z1, y, xin, dinv2d, bl, gl, btl, wn)
    return res if not last else (res[0], None)



@jax.jit
def kernel(x, edge_index, W, b, gamma, beta):
    npad_e = EP - E
    dst_r = jnp.concatenate(
        [edge_index[1], jnp.full((npad_e,), NPAD - 1, jnp.int32)]
    ).reshape(NW, NSB, SB, CHUNK)
    src_a = edge_index[0].reshape(NW, ANC, ACH)
    dst_a = edge_index[1].reshape(NW, ANC, ACH)
    zeros1d = jnp.zeros((RPT,), jnp.float32)
    zeros2d = jnp.zeros((RPT, D), jnp.float32)
    ones_c = jnp.ones((CHUNK,), jnp.float32)

    d0, d1 = _deg_kernel(dst_r, zeros1d, ones_c)
    degs = jnp.stack([d0[:N], d1[:N]], axis=1)
    y, dinv2d = _tc_prep(degs, x, W[0])

    h = x
    for l in range(LAYERS):
        z0, z1 = _agg_kernel(y, src_a, dst_a, zeros2d)
        wn = W[l + 1] if l < LAYERS - 1 else W[0]
        h, y = _tc_post(l, z0, z1, y, h, dinv2d,
                        b[l].reshape(1, D), gamma[l].reshape(1, D),
                        beta[l].reshape(1, D), wn)
    return h

# --- scband reference (transcript-rebuilt; emitter-appended) ---
"""Pipeline reference for scband-gcnskip-backbone-8770323219001 (READ-ONLY COPY).

The authoritative reference and input builder live on the scoring server;
editing this copy changes nothing except your own understanding.
"""

import jax, jax.numpy as jnp
import numpy as np

N = 10000
E = 320000
D = 128
L = 4
EPS = 1e-05
LN_EPS = 1e-05


def setup_inputs(seed: int = 0) -> dict:
    key = jax.random.key(seed)
    ks = jax.random.split(key, 8)
    x = jax.random.normal(ks[0], (N, D), dtype=jnp.float32)
    edge_index = jax.random.randint(ks[1], (2, E), 0, N, dtype=jnp.int32)
    # GCNConv weights: xavier_normal with gain 0.5 (hidden) and 0.1 (last layer)
    std_hidden = 0.5 * np.sqrt(2.0 / (D + D))
    std_last = 0.1 * np.sqrt(2.0 / (D + D))
    Ws = []
    for i in range(L):
        s = std_last if i == L - 1 else std_hidden
        Ws.append(jax.random.normal(jax.random.fold_in(ks[2], i), (D, D), dtype=jnp.float32) * s)
    W = jnp.stack(Ws, axis=0)
    b = jnp.zeros((L, D), dtype=jnp.float32)
    gamma = jnp.ones((L, D), dtype=jnp.float32)
    beta = jnp.zeros((L, D), dtype=jnp.float32)
    return {"x": x, "edge_index": edge_index, "W": W, "b": b, "gamma": gamma, "beta": beta}


def _gcn_norm(edge_index, n):
    # add self loops, symmetric normalization (PyG gcn_norm)
    loop = jnp.arange(n, dtype=edge_index.dtype)
    src = jnp.concatenate([edge_index[0], loop])
    dst = jnp.concatenate([edge_index[1], loop])
    deg = jnp.zeros((n,), dtype=jnp.float32).at[dst].add(1.0)
    dinv = jnp.where(deg > 0, 1.0 / jnp.sqrt(deg), 0.0)
    norm = dinv[src] * dinv[dst]
    return src, dst, norm


def _layernorm(h, g, bt):
    mu = jnp.mean(h, axis=-1, keepdims=True)
    var = jnp.mean((h - mu) ** 2, axis=-1, keepdims=True)
    return (h - mu) / jnp.sqrt(var + LN_EPS) * g + bt


def reference(x, edge_index, W, b, gamma, beta):
    n = x.shape[0]
    src, dst, norm = _gcn_norm(edge_index, n)
    for i in range(L):
        xw = x @ W[i]
        msg = norm[:, None] * xw[src]
        out = jnp.zeros((n, xw.shape[1]), dtype=x.dtype).at[dst].add(msg)
        out = out + b[i]
        out = jnp.nan_to_num(out, nan=0.0, posinf=EPS, neginf=-EPS)
        out = _layernorm(out, gamma[i], beta[i])
        if i > 0 and (i % 1 == 0) and x.shape == out.shape:
            out = out + x
        if i < L - 1:
            out = jax.nn.relu(out)
        x = out
    return x

if __name__ == "__main__":
    import jax
    _d = setup_inputs()
    print(jax.jit(kernel)(*tuple(_d.values())))

</pallas_src>

<mosaic_0001>
#map = affine_map<(d0, d1) -> (0, 0)>
#map1 = affine_map<(d0, d1) -> (0, 0, 0)>
module attributes {stable_mosaic.version = 14 : i64} {
  func.func @_agg_kernel(%arg0: i32, %arg1: i32, %arg2: memref<10000x128xf32, #tpu.memory_space<hbm>>, %arg3: memref<32x80x125xi32, #tpu.memory_space<hbm>>, %arg4: memref<32x80x125xi32, #tpu.memory_space<hbm>>, %arg5: memref<640x128xf32, #tpu.memory_space<hbm>>, %arg6: memref<10240x128xf32, #tpu.memory_space<hbm>>, %arg7: memref<10240x128xf32, #tpu.memory_space<hbm>>, %arg8: memref<80x125xi32, #tpu.memory_space<vmem>>, %arg9: memref<80x125xi32, #tpu.memory_space<vmem>>, %arg10: memref<125x128xf32, #tpu.memory_space<vmem>>, %arg11: memref<10240x128xf32, #tpu.memory_space<vmem_shared>>, %arg12: memref<!tpu.dma_semaphore, #tpu.memory_space<semaphore_mem>>) attributes {dimension_semantics = [#tpu.dimension_semantics<core_parallel>, #tpu.dimension_semantics<subcore_parallel>], iteration_bounds = array<i64: 2, 16>, scalar_prefetch = 0 : i64, scratch_operands = 5 : i64, tpu.core_type = #tpu.core_type<sc_vector_subcore>, window_params = [{transform_indices = #map}, {transform_indices = #map1}, {transform_indices = #map1}, {transform_indices = #map}, {transform_indices = #map}, {transform_indices = #map}]} {
    %mul3A = arith.constant 16 : i32
    %mul3A_0 = arith.muli %arg0, %mul3A : i32
    %add3A = arith.addi %mul3A_0, %arg1 : i32
    %mul3A_1 = arith.constant 640 : i32
    %mul3A_2 = arith.muli %arg1, %mul3A_1 : i32
    "tpu.region"() ({
      %run_scoped3A = tpu.sem_alloc : memref<!tpu.dma_semaphore, #tpu.memory_space<semaphore_mem>>
      %dma_start3A = arith.constant 0 : i32
      %dma_start3A_15 = tpu.memref_slice %arg11[%mul3A_2, %dma_start3A] : memref<10240x128xf32, #tpu.memory_space<vmem_shared>> -> memref<640x128xf32, #tpu.memory_space<vmem_shared>>
      tpu.enqueue_dma source(%arg5 : memref<640x128xf32, #tpu.memory_space<hbm>>) target(%dma_start3A_15 : memref<640x128xf32, #tpu.memory_space<vmem_shared>>) target_semaphore(%run_scoped3A : memref<!tpu.dma_semaphore, #tpu.memory_space<semaphore_mem>>)
      %dma_wait3A = arith.constant 0 : i32
      %dma_wait3A_16 = tpu.memref_slice %arg11[%mul3A_2, %dma_wait3A] : memref<10240x128xf32, #tpu.memory_space<vmem_shared>> -> memref<640x128xf32, #tpu.memory_space<vmem_shared>>
      tpu.wait_dma2 semaphore(%run_scoped3A : memref<!tpu.dma_semaphore, #tpu.memory_space<semaphore_mem>>) src(%arg5 : memref<640x128xf32, #tpu.memory_space<hbm>>) dst(%dma_wait3A_16 : memref<640x128xf32, #tpu.memory_space<vmem_shared>>)
      tpu.yield
    }) : () -> ()
    "tpu.region"() ({
      %run_scoped3A = tpu.sem_alloc : memref<!tpu.dma_semaphore, #tpu.memory_space<semaphore_mem>>
      %dma_start3A = arith.constant 0 : i32
      %dma_start3A_15 = arith.constant 0 : i32
      %dma_start3A_16 = tpu.memref_slice %arg3[%add3A, %dma_start3A, %dma_start3A_15] : memref<32x80x125xi32, #tpu.memory_space<hbm>> -> memref<1x80x125xi32, #tpu.memory_space<hbm>>
      %dma_start3A_17 = tpu.memref_squeeze %dma_start3A_16 : memref<1x80x125xi32, #tpu.memory_space<hbm>> -> memref<80x125xi32, #tpu.memory_space<hbm>>
      %dma_start3A_18 = arith.constant 0 : i32
      %dma_start3A_19 = arith.constant 0 : i32
      %dma_start3A_20 = tpu.memref_slice %arg3[%add3A, %dma_start3A_18, %dma_start3A_19] : memref<32x80x125xi32, #tpu.memory_space<hbm>> -> memref<1x80x125xi32, #tpu.memory_space<hbm>>
      %dma_start3A_21 = tpu.memref_squeeze %dma_start3A_20 : memref<1x80x125xi32, #tpu.memory_space<hbm>> -> memref<80x125xi32, #tpu.memory_space<hbm>>
      tpu.enqueue_dma source(%dma_start3A_21 : memref<80x125xi32, #tpu.memory_space<hbm>>) target(%arg8 : memref<80x125xi32, #tpu.memory_space<vmem>>) target_semaphore(%run_scoped3A : memref<!tpu.dma_semaphore, #tpu.memory_space<semaphore_mem>>)
      %dma_wait3A = arith.constant 0 : i32
      %dma_wait3A_22 = arith.constant 0 : i32
      %dma_wait3A_23 = tpu.memref_slice %arg3[%add3A, %dma_wait3A, %dma_wait3A_22] : memref<32x80x125xi32, #tpu.memory_space<hbm>> -> memref<1x80x125xi32, #tpu.memory_space<hbm>>
      %dma_wait3A_24 = tpu.memref_squeeze %dma_wait3A_23 : memref<1x80x125xi32, #tpu.memory_space<hbm>> -> memref<80x125xi32, #tpu.memory_space<hbm>>
      %dma_wait3A_25 = arith.constant 0 : i32
      %dma_wait3A_26 = arith.constant 0 : i32
      %dma_wait3A_27 = tpu.memref_slice %arg3[%add3A, %dma_wait3A_25, %dma_wait3A_26] : memref<32x80x125xi32, #tpu.memory_space<hbm>> -> memref<1x80x125xi32, #tpu.memory_space<hbm>>
      %dma_wait3A_28 = tpu.memref_squeeze %dma_wait3A_27 : memref<1x80x125xi32, #tpu.memory_space<hbm>> -> memref<80x125xi32, #tpu.memory_space<hbm>>
      tpu.wait_dma2 semaphore(%run_scoped3A : memref<!tpu.dma_semaphore, #tpu.memory_space<semaphore_mem>>) src(%dma_wait3A_28 : memref<80x125xi32, #tpu.memory_space<hbm>>) dst(%arg8 : memref<80x125xi32, #tpu.memory_space<vmem>>)
      tpu.yield
    }) : () -> ()
    "tpu.region"() ({
      %run_scoped3A = tpu.sem_alloc : memref<!tpu.dma_semaphore, #tpu.memory_space<semaphore_mem>>
      %dma_start3A = arith.constant 0 : i32
      %dma_start3A_15 = arith.constant 0 : i32
      %dma_start3A_16 = tpu.memref_slice %arg4[%add3A, %dma_start3A, %dma_start3A_15] : memref<32x80x125xi32, #tpu.memory_space<hbm>> -> memref<1x80x125xi32, #tpu.memory_space<hbm>>
      %dma_start3A_17 = tpu.memref_squeeze %dma_start3A_16 : memref<1x80x125xi32, #tpu.memory_space<hbm>> -> memref<80x125xi32, #tpu.memory_space<hbm>>
      %dma_start3A_18 = arith.constant 0 : i32
      %dma_start3A_19 = arith.constant 0 : i32
      %dma_start3A_20 = tpu.memref_slice %arg4[%add3A, %dma_start3A_18, %dma_start3A_19] : memref<32x80x125xi32, #tpu.memory_space<hbm>> -> memref<1x80x125xi32, #tpu.memory_space<hbm>>
      %dma_start3A_21 = tpu.memref_squeeze %dma_start3A_20 : memref<1x80x125xi32, #tpu.memory_space<hbm>> -> memref<80x125xi32, #tpu.memory_space<hbm>>
      tpu.enqueue_dma source(%dma_start3A_21 : memref<80x125xi32, #tpu.memory_space<hbm>>) target(%arg9 : memref<80x125xi32, #tpu.memory_space<vmem>>) target_semaphore(%run_scoped3A : memref<!tpu.dma_semaphore, #tpu.memory_space<semaphore_mem>>)
      %dma_wait3A = arith.constant 0 : i32
      %dma_wait3A_22 = arith.constant 0 : i32
      %dma_wait3A_23 = tpu.memref_slice %arg4[%add3A, %dma_wait3A, %dma_wait3A_22] : memref<32x80x125xi32, #tpu.memory_space<hbm>> -> memref<1x80x125xi32, #tpu.memory_space<hbm>>
      %dma_wait3A_24 = tpu.memref_squeeze %dma_wait3A_23 : memref<1x80x125xi32, #tpu.memory_space<hbm>> -> memref<80x125xi32, #tpu.memory_space<hbm>>
      %dma_wait3A_25 = arith.constant 0 : i32
      %dma_wait3A_26 = arith.constant 0 : i32
      %dma_wait3A_27 = tpu.memref_slice %arg4[%add3A, %dma_wait3A_25, %dma_wait3A_26] : memref<32x80x125xi32, #tpu.memory_space<hbm>> -> memref<1x80x125xi32, #tpu.memory_space<hbm>>
      %dma_wait3A_28 = tpu.memref_squeeze %dma_wait3A_27 : memref<1x80x125xi32, #tpu.memory_space<hbm>> -> memref<80x125xi32, #tpu.memory_space<hbm>>
      tpu.wait_dma2 semaphore(%run_scoped3A : memref<!tpu.dma_semaphore, #tpu.memory_space<semaphore_mem>>) src(%dma_wait3A_28 : memref<80x125xi32, #tpu.memory_space<hbm>>) dst(%arg9 : memref<80x125xi32, #tpu.memory_space<vmem>>)
      tpu.yield
    }) : () -> ()
    %barrier3A = arith.constant 0 : index
    tpu.barrier barrier_id(%barrier3A)
    %scan3A = arith.constant 0 : i32
    %scan3A_3 = arith.constant 80 : i32
    %scan3A_4 = arith.addi %scan3A, %scan3A_3 : i32
    %scan3A_5 = arith.constant 1 : i32
    scf.for %scan3A_15 = %scan3A to %scan3A_4 step %scan3A_5  : i32 {
      %mul3A_16 = arith.constant 1 : i32
      %mul3A_17 = arith.muli %scan3A_15, %mul3A_16 : i32
      %add3A_18 = arith.constant 0 : i32
      %add3A_19 = arith.addi %add3A_18, %mul3A_17 : i32
      %dma_start3A = arith.constant 0 : i32
      %dma_start3A_20 = tpu.memref_slice %arg8[%add3A_19, %dma_start3A] : memref<80x125xi32, #tpu.memory_space<vmem>> -> memref<1x125xi32, #tpu.memory_space<vmem>>
      %dma_start3A_21 = tpu.memref_squeeze %dma_start3A_20 : memref<1x125xi32, #tpu.memory_space<vmem>> -> memref<125xi32, #tpu.memory_space<vmem>>
      %dma_start3A_22 = arith.constant 0 : i32
      %dma_start3A_23 = arith.constant 0 : i32
      %dma_start3A_24 = tpu.memref_slice %arg2[%dma_start3A_22, %dma_start3A_23] : memref<10000x128xf32, #tpu.memory_space<hbm>> -> memref<10000x128xf32, #tpu.memory_space<hbm>>
      tpu.enqueue_indirect_dma source(%dma_start3A_24 : memref<10000x128xf32, #tpu.memory_space<hbm>>) target(%arg10 : memref<125x128xf32, #tpu.memory_space<vmem>>) offsets(%dma_start3A_21 : memref<125xi32, #tpu.memory_space<vmem>>) semaphore(%arg12 : memref<!tpu.dma_semaphore, #tpu.memory_space<semaphore_mem>>)
      %dma_wait3A = arith.constant 0 : i32
      %dma_wait3A_25 = tpu.memref_slice %arg8[%add3A_19, %dma_wait3A] : memref<80x125xi32, #tpu.memory_space<vmem>> -> memref<1x125xi32, #tpu.memory_space<vmem>>
      %dma_wait3A_26 = tpu.memref_squeeze %dma_wait3A_25 : memref<1x125xi32, #tpu.memory_space<vmem>> -> memref<125xi32, #tpu.memory_space<vmem>>
      %dma_wait3A_27 = arith.constant 0 : i32
      %dma_wait3A_28 = arith.constant 0 : i32
      %dma_wait3A_29 = tpu.memref_slice %arg2[%dma_wait3A_27, %dma_wait3A_28] : memref<10000x128xf32, #tpu.memory_space<hbm>> -> memref<10000x128xf32, #tpu.memory_space<hbm>>
      tpu.wait_indirect_dma semaphore(%arg12 : memref<!tpu.dma_semaphore, #tpu.memory_space<semaphore_mem>>) src(%dma_wait3A_29 : memref<10000x128xf32, #tpu.memory_space<hbm>>) dst(%arg10 : memref<125x128xf32, #tpu.memory_space<vmem>>)
      "tpu.region"() ({
        %run_scoped3A = tpu.sem_alloc : memref<!tpu.dma_semaphore, #tpu.memory_space<semaphore_mem>>
        %dma_start3A_30 = arith.constant 0 : i32
        %dma_start3A_31 = tpu.memref_slice %arg9[%add3A_19, %dma_start3A_30] : memref<80x125xi32, #tpu.memory_space<vmem>> -> memref<1x125xi32, #tpu.memory_space<vmem>>
        %dma_start3A_32 = tpu.memref_squeeze %dma_start3A_31 : memref<1x125xi32, #tpu.memory_space<vmem>> -> memref<125xi32, #tpu.memory_space<vmem>>
        %dma_start3A_33 = arith.constant 0 : i32
        %dma_start3A_34 = arith.constant 0 : i32
        %dma_start3A_35 = tpu.memref_slice %arg11[%dma_start3A_33, %dma_start3A_34] : memref<10240x128xf32, #tpu.memory_space<vmem_shared>> -> memref<10240x128xf32, #tpu.memory_space<vmem_shared>>
        tpu.enqueue_indirect_dma source(%arg10 : memref<125x128xf32, #tpu.memory_space<vmem>>) target(%dma_start3A_35 : memref<10240x128xf32, #tpu.memory_space<vmem_shared>>) offsets(%dma_start3A_32 : memref<125xi32, #tpu.memory_space<vmem>>) semaphore(%run_scoped3A : memref<!tpu.dma_semaphore, #tpu.memory_space<semaphore_mem>>) {add = true}
        %dma_wait3A_36 = arith.constant 0 : i32
        %dma_wait3A_37 = tpu.memref_slice %arg9[%add3A_19, %dma_wait3A_36] : memref<80x125xi32, #tpu.memory_space<vmem>> -> memref<1x125xi32, #tpu.memory_space<vmem>>
        %dma_wait3A_38 = tpu.memref_squeeze %dma_wait3A_37 : memref<1x125xi32, #tpu.memory_space<vmem>> -> memref<125xi32, #tpu.memory_space<vmem>>
        %dma_wait3A_39 = arith.constant 0 : i32
        %dma_wait3A_40 = arith.constant 0 : i32
        %dma_wait3A_41 = tpu.memref_slice %arg11[%dma_wait3A_39, %dma_wait3A_40] : memref<10240x128xf32, #tpu.memory_space<vmem_shared>> -> memref<10240x128xf32, #tpu.memory_space<vmem_shared>>
        tpu.wait_indirect_dma semaphore(%run_scoped3A : memref<!tpu.dma_semaphore, #tpu.memory_space<semaphore_mem>>) src(%arg10 : memref<125x128xf32, #tpu.memory_space<vmem>>) dst(%dma_wait3A_41 : memref<10240x128xf32, #tpu.memory_space<vmem_shared>>)
        tpu.yield
      }) : () -> ()
    }
    %scan3A_6 = arith.constant 80 : i32
    %barrier3A_7 = arith.constant 0 : index
    tpu.barrier barrier_id(%barrier3A_7)
    %eq3A = arith.constant 0 : i32
    %eq3A_8 = arith.cmpi eq, %arg0, %eq3A : i32
    %convert_element_type3A = arith.extui %eq3A_8 : i1 to i32
    %cond3A = arith.constant 0 : i32
    %cond3A_9 = arith.cmpi ne, %convert_element_type3A, %cond3A : i32
    scf.if %cond3A_9 {
      %mul3A_15 = arith.constant 640 : i32
      %mul3A_16 = arith.muli %arg1, %mul3A_15 : i32
      %mul3A_17 = arith.constant 640 : i32
      %mul3A_18 = arith.muli %arg1, %mul3A_17 : i32
      "tpu.region"() ({
        %run_scoped3A = tpu.sem_alloc : memref<!tpu.dma_semaphore, #tpu.memory_space<semaphore_mem>>
        %dma_start3A = arith.constant 0 : i32
        %dma_start3A_19 = tpu.memref_slice %arg6[%mul3A_18, %dma_start3A] : memref<10240x128xf32, #tpu.memory_space<hbm>> -> memref<640x128xf32, #tpu.memory_space<hbm>>
        %dma_start3A_20 = arith.constant 0 : i32
        %dma_start3A_21 = tpu.memref_slice %arg11[%mul3A_16, %dma_start3A_20] : memref<10240x128xf32, #tpu.memory_space<vmem_shared>> -> memref<640x128xf32, #tpu.memory_space<vmem_shared>>
        tpu.enqueue_dma source(%dma_start3A_21 : memref<640x128xf32, #tpu.memory_space<vmem_shared>>) target(%dma_start3A_19 : memref<640x128xf32, #tpu.memory_space<hbm>>) target_semaphore(%run_scoped3A : memref<!tpu.dma_semaphore, #tpu.memory_space<semaphore_mem>>)
        %dma_wait3A = arith.constant 0 : i32
        %dma_wait3A_22 = tpu.memref_slice %arg6[%mul3A_18, %dma_wait3A] : memref<10240x128xf32, #tpu.memory_space<hbm>> -> memref<640x128xf32, #tpu.memory_space<hbm>>
        %dma_wait3A_23 = arith.constant 0 : i32
        %dma_wait3A_24 = tpu.memref_slice %arg11[%mul3A_16, %dma_wait3A_23] : memref<10240x128xf32, #tpu.memory_space<vmem_shared>> -> memref<640x128xf32, #tpu.memory_space<vmem_shared>>
        tpu.wait_dma2 semaphore(%run_scoped3A : memref<!tpu.dma_semaphore, #tpu.memory_space<semaphore_mem>>) src(%dma_wait3A_24 : memref<640x128xf32, #tpu.memory_space<vmem_shared>>) dst(%dma_wait3A_22 : memref<640x128xf32, #tpu.memory_space<hbm>>)
        tpu.yield
      }) : () -> ()
    } else {
    }
    %eq3A_10 = arith.constant 1 : i32
    %eq3A_11 = arith.cmpi eq, %arg0, %eq3A_10 : i32
    %convert_element_type3A_12 = arith.extui %eq3A_11 : i1 to i32
    %cond3A_13 = arith.constant 0 : i32
    %cond3A_14 = arith.cmpi ne, %convert_element_type3A_12, %cond3A_13 : i32
    scf.if %cond3A_14 {
      %mul3A_15 = arith.constant 640 : i32
      %mul3A_16 = arith.muli %arg1, %mul3A_15 : i32
      %mul3A_17 = arith.constant 640 : i32
      %mul3A_18 = arith.muli %arg1, %mul3A_17 : i32
      "tpu.region"() ({
        %run_scoped3A = tpu.sem_alloc : memref<!tpu.dma_semaphore, #tpu.memory_space<semaphore_mem>>
        %dma_start3A = arith.constant 0 : i32
        %dma_start3A_19 = tpu.memref_slice %arg7[%mul3A_18, %dma_start3A] : memref<10240x128xf32, #tpu.memory_space<hbm>> -> memref<640x128xf32, #tpu.memory_space<hbm>>
        %dma_start3A_20 = arith.constant 0 : i32
        %dma_start3A_21 = tpu.memref_slice %arg11[%mul3A_16, %dma_start3A_20] : memref<10240x128xf32, #tpu.memory_space<vmem_shared>> -> memref<640x128xf32, #tpu.memory_space<vmem_shared>>
        tpu.enqueue_dma source(%dma_start3A_21 : memref<640x128xf32, #tpu.memory_space<vmem_shared>>) target(%dma_start3A_19 : memref<640x128xf32, #tpu.memory_space<hbm>>) target_semaphore(%run_scoped3A : memref<!tpu.dma_semaphore, #tpu.memory_space<semaphore_mem>>)
        %dma_wait3A = arith.constant 0 : i32
        %dma_wait3A_22 = tpu.memref_slice %arg7[%mul3A_18, %dma_wait3A] : memref<10240x128xf32, #tpu.memory_space<hbm>> -> memref<640x128xf32, #tpu.memory_space<hbm>>
        %dma_wait3A_23 = arith.constant 0 : i32
        %dma_wait3A_24 = tpu.memref_slice %arg11[%mul3A_16, %dma_wait3A_23] : memref<10240x128xf32, #tpu.memory_space<vmem_shared>> -> memref<640x128xf32, #tpu.memory_space<vmem_shared>>
        tpu.wait_dma2 semaphore(%run_scoped3A : memref<!tpu.dma_semaphore, #tpu.memory_space<semaphore_mem>>) src(%dma_wait3A_24 : memref<640x128xf32, #tpu.memory_space<vmem_shared>>) dst(%dma_wait3A_22 : memref<640x128xf32, #tpu.memory_space<hbm>>)
        tpu.yield
      }) : () -> ()
    } else {
    }
    return
  }
}

#map = affine_map<(d0, d1) -> (0, 0)>
#map1 = affine_map<(d0, d1) -> (0, 0, 0)>
module attributes {stable_mosaic.version = 14 : i64} {
  func.func @_agg_kernel(%arg0: i32, %arg1: i32, %arg2: memref<10000x128xf32, #tpu.memory_space<hbm>>, %arg3: memref<32x80x125xi32, #tpu.memory_space<hbm>>, %arg4: memref<32x80x125xi32, #tpu.memory_space<hbm>>, %arg5: memref<640x128xf32, #tpu.memory_space<hbm>>, %arg6: memref<10240x128xf32, #tpu.memory_space<hbm>>, %arg7: memref<10240x128xf32, #tpu.memory_space<hbm>>, %arg8: memref<80x125xi32, #tpu.memory_space<vmem>>, %arg9: memref<80x125xi32, #tpu.memory_space<vmem>>, %arg10: memref<125x128xf32, #tpu.memory_space<vmem>>, %arg11: memref<10240x128xf32, #tpu.memory_space<vmem_shared>>, %arg12: memref<!tpu.dma_semaphore, #tpu.memory_space<semaphore_mem>>) attributes {dimension_semantics = [#tpu.dimension_semantics<core_parallel>, #tpu.dimension_semantics<subcore_parallel>], iteration_bounds = array<i64: 2, 16>, scalar_prefetch = 0 : i64, scratch_operands = 5 : i64, tpu.core_type = #tpu.core_type<sc_vector_subcore>, window_params = [{transform_indices = #map}, {transform_indices = #map1}, {transform_indices = #map1}, {transform_indices = #map}, {transform_indices = #map}, {transform_indices = #map}]} {
    %mul3A = arith.constant 16 : i32
    %mul3A_0 = arith.muli %arg0, %mul3A : i32
    %add3A = arith.addi %mul3A_0, %arg1 : i32
    %mul3A_1 = arith.constant 640 : i32
    %mul3A_2 = arith.muli %arg1, %mul3A_1 : i32
    "tpu.region"() ({
      %run_scoped3A = tpu.sem_alloc : memref<!tpu.dma_semaphore, #tpu.memory_space<semaphore_mem>>
      %dma_start3A = arith.constant 0 : i32
      %dma_start3A_15 = tpu.memref_slice %arg11[%mul3A_2, %dma_start3A] : memref<10240x128xf32, #tpu.memory_space<vmem_shared>> -> memref<640x128xf32, #tpu.memory_space<vmem_shared>>
      tpu.enqueue_dma source(%arg5 : memref<640x128xf32, #tpu.memory_space<hbm>>) target(%dma_start3A_15 : memref<640x128xf32, #tpu.memory_space<vmem_shared>>) target_semaphore(%run_scoped3A : memref<!tpu.dma_semaphore, #tpu.memory_space<semaphore_mem>>)
      %dma_wait3A = arith.constant 0 : i32
      %dma_wait3A_16 = tpu.memref_slice %arg11[%mul3A_2, %dma_wait3A] : memref<10240x128xf32, #tpu.memory_space<vmem_shared>> -> memref<640x128xf32, #tpu.memory_space<vmem_shared>>
      tpu.wait_dma2 semaphore(%run_scoped3A : memref<!tpu.dma_semaphore, #tpu.memory_space<semaphore_mem>>) src(%arg5 : memref<640x128xf32, #tpu.memory_space<hbm>>) dst(%dma_wait3A_16 : memref<640x128xf32, #tpu.memory_space<vmem_shared>>)
      tpu.yield
    }) : () -> ()
    "tpu.region"() ({
      %run_scoped3A = tpu.sem_alloc : memref<!tpu.dma_semaphore, #tpu.memory_space<semaphore_mem>>
      %dma_start3A = arith.constant 0 : i32
      %dma_start3A_15 = arith.constant 0 : i32
      %dma_start3A_16 = tpu.memref_slice %arg3[%add3A, %dma_start3A, %dma_start3A_15] : memref<32x80x125xi32, #tpu.memory_space<hbm>> -> memref<1x80x125xi32, #tpu.memory_space<hbm>>
      %dma_start3A_17 = tpu.memref_squeeze %dma_start3A_16 : memref<1x80x125xi32, #tpu.memory_space<hbm>> -> memref<80x125xi32, #tpu.memory_space<hbm>>
      %dma_start3A_18 = arith.constant 0 : i32
      %dma_start3A_19 = arith.constant 0 : i32
      %dma_start3A_20 = tpu.memref_slice %arg3[%add3A, %dma_start3A_18, %dma_start3A_19] : memref<32x80x125xi32, #tpu.memory_space<hbm>> -> memref<1x80x125xi32, #tpu.memory_space<hbm>>
      %dma_start3A_21 = tpu.memref_squeeze %dma_start3A_20 : memref<1x80x125xi32, #tpu.memory_space<hbm>> -> memref<80x125xi32, #tpu.memory_space<hbm>>
      tpu.enqueue_dma source(%dma_start3A_21 : memref<80x125xi32, #tpu.memory_space<hbm>>) target(%arg8 : memref<80x125xi32, #tpu.memory_space<vmem>>) target_semaphore(%run_scoped3A : memref<!tpu.dma_semaphore, #tpu.memory_space<semaphore_mem>>)
      %dma_wait3A = arith.constant 0 : i32
      %dma_wait3A_22 = arith.constant 0 : i32
      %dma_wait3A_23 = tpu.memref_slice %arg3[%add3A, %dma_wait3A, %dma_wait3A_22] : memref<32x80x125xi32, #tpu.memory_space<hbm>> -> memref<1x80x125xi32, #tpu.memory_space<hbm>>
      %dma_wait3A_24 = tpu.memref_squeeze %dma_wait3A_23 : memref<1x80x125xi32, #tpu.memory_space<hbm>> -> memref<80x125xi32, #tpu.memory_space<hbm>>
      %dma_wait3A_25 = arith.constant 0 : i32
      %dma_wait3A_26 = arith.constant 0 : i32
      %dma_wait3A_27 = tpu.memref_slice %arg3[%add3A, %dma_wait3A_25, %dma_wait3A_26] : memref<32x80x125xi32, #tpu.memory_space<hbm>> -> memref<1x80x125xi32, #tpu.memory_space<hbm>>
      %dma_wait3A_28 = tpu.memref_squeeze %dma_wait3A_27 : memref<1x80x125xi32, #tpu.memory_space<hbm>> -> memref<80x125xi32, #tpu.memory_space<hbm>>
      tpu.wait_dma2 semaphore(%run_scoped3A : memref<!tpu.dma_semaphore, #tpu.memory_space<semaphore_mem>>) src(%dma_wait3A_28 : memref<80x125xi32, #tpu.memory_space<hbm>>) dst(%arg8 : memref<80x125xi32, #tpu.memory_space<vmem>>)
      tpu.yield
    }) : () -> ()
    "tpu.region"() ({
      %run_scoped3A = tpu.sem_alloc : memref<!tpu.dma_semaphore, #tpu.memory_space<semaphore_mem>>
      %dma_start3A = arith.constant 0 : i32
      %dma_start3A_15 = arith.constant 0 : i32
      %dma_start3A_16 = tpu.memref_slice %arg4[%add3A, %dma_start3A, %dma_start3A_15] : memref<32x80x125xi32, #tpu.memory_space<hbm>> -> memref<1x80x125xi32, #tpu.memory_space<hbm>>
      %dma_start3A_17 = tpu.memref_squeeze %dma_start3A_16 : memref<1x80x125xi32, #tpu.memory_space<hbm>> -> memref<80x125xi32, #tpu.memory_space<hbm>>
      %dma_start3A_18 = arith.constant 0 : i32
      %dma_start3A_19 = arith.constant 0 : i32
      %dma_start3A_20 = tpu.memref_slice %arg4[%add3A, %dma_start3A_18, %dma_start3A_19] : memref<32x80x125xi32, #tpu.memory_space<hbm>> -> memref<1x80x125xi32, #tpu.memory_space<hbm>>
      %dma_start3A_21 = tpu.memref_squeeze %dma_start3A_20 : memref<1x80x125xi32, #tpu.memory_space<hbm>> -> memref<80x125xi32, #tpu.memory_space<hbm>>
      tpu.enqueue_dma source(%dma_start3A_21 : memref<80x125xi32, #tpu.memory_space<hbm>>) target(%arg9 : memref<80x125xi32, #tpu.memory_space<vmem>>) target_semaphore(%run_scoped3A : memref<!tpu.dma_semaphore, #tpu.memory_space<semaphore_mem>>)
      %dma_wait3A = arith.constant 0 : i32
      %dma_wait3A_22 = arith.constant 0 : i32
      %dma_wait3A_23 = tpu.memref_slice %arg4[%add3A, %dma_wait3A, %dma_wait3A_22] : memref<32x80x125xi32, #tpu.memory_space<hbm>> -> memref<1x80x125xi32, #tpu.memory_space<hbm>>
      %dma_wait3A_24 = tpu.memref_squeeze %dma_wait3A_23 : memref<1x80x125xi32, #tpu.memory_space<hbm>> -> memref<80x125xi32, #tpu.memory_space<hbm>>
      %dma_wait3A_25 = arith.constant 0 : i32
      %dma_wait3A_26 = arith.constant 0 : i32
      %dma_wait3A_27 = tpu.memref_slice %arg4[%add3A, %dma_wait3A_25, %dma_wait3A_26] : memref<32x80x125xi32, #tpu.memory_space<hbm>> -> memref<1x80x125xi32, #tpu.memory_space<hbm>>
      %dma_wait3A_28 = tpu.memref_squeeze %dma_wait3A_27 : memref<1x80x125xi32, #tpu.memory_space<hbm>> -> memref<80x125xi32, #tpu.memory_space<hbm>>
      tpu.wait_dma2 semaphore(%run_scoped3A : memref<!tpu.dma_semaphore, #tpu.memory_space<semaphore_mem>>) src(%dma_wait3A_28 : memref<80x125xi32, #tpu.memory_space<hbm>>) dst(%arg9 : memref<80x125xi32, #tpu.memory_space<vmem>>)
      tpu.yield
    }) : () -> ()
    %barrier3A = arith.constant 0 : index
    tpu.barrier barrier_id(%barrier3A)
    %scan3A = arith.constant 0 : i32
    %scan3A_3 = arith.constant 80 : i32
    %scan3A_4 = arith.addi %scan3A, %scan3A_3 : i32
    %scan3A_5 = arith.constant 1 : i32
    scf.for %scan3A_15 = %scan3A to %scan3A_4 step %scan3A_5  : i32 {
      %mul3A_16 = arith.constant 1 : i32
      %mul3A_17 = arith.muli %scan3A_15, %mul3A_16 : i32
      %add3A_18 = arith.constant 0 : i32
      %add3A_19 = arith.addi %add3A_18, %mul3A_17 : i32
      %dma_start3A = arith.constant 0 : i32
      %dma_start3A_20 = tpu.memref_slice %arg8[%add3A_19, %dma_start3A] : memref<80x125xi32, #tpu.memory_space<vmem>> -> memref<1x125xi32, #tpu.memory_space<vmem>>
      %dma_start3A_21 = tpu.memref_squeeze %dma_start3A_20 : memref<1x125xi32, #tpu.memory_space<vmem>> -> memref<125xi32, #tpu.memory_space<vmem>>
      %dma_start3A_22 = arith.constant 0 : i32
      %dma_start3A_23 = arith.constant 0 : i32
      %dma_start3A_24 = tpu.memref_slice %arg2[%dma_start3A_22, %dma_start3A_23] : memref<10000x128xf32, #tpu.memory_space<hbm>> -> memref<10000x128xf32, #tpu.memory_space<hbm>>
      tpu.enqueue_indirect_dma source(%dma_start3A_24 : memref<10000x128xf32, #tpu.memory_space<hbm>>) target(%arg10 : memref<125x128xf32, #tpu.memory_space<vmem>>) offsets(%dma_start3A_21 : memref<125xi32, #tpu.memory_space<vmem>>) semaphore(%arg12 : memref<!tpu.dma_semaphore, #tpu.memory_space<semaphore_mem>>)
      %dma_wait3A = arith.constant 0 : i32
      %dma_wait3A_25 = tpu.memref_slice %arg8[%add3A_19, %dma_wait3A] : memref<80x125xi32, #tpu.memory_space<vmem>> -> memref<1x125xi32, #tpu.memory_space<vmem>>
      %dma_wait3A_26 = tpu.memref_squeeze %dma_wait3A_25 : memref<1x125xi32, #tpu.memory_space<vmem>> -> memref<125xi32, #tpu.memory_space<vmem>>
      %dma_wait3A_27 = arith.constant 0 : i32
      %dma_wait3A_28 = arith.constant 0 : i32
      %dma_wait3A_29 = tpu.memref_slice %arg2[%dma_wait3A_27, %dma_wait3A_28] : memref<10000x128xf32, #tpu.memory_space<hbm>> -> memref<10000x128xf32, #tpu.memory_space<hbm>>
      tpu.wait_indirect_dma semaphore(%arg12 : memref<!tpu.dma_semaphore, #tpu.memory_space<semaphore_mem>>) src(%dma_wait3A_29 : memref<10000x128xf32, #tpu.memory_space<hbm>>) dst(%arg10 : memref<125x128xf32, #tpu.memory_space<vmem>>)
      "tpu.region"() ({
        %run_scoped3A = tpu.sem_alloc : memref<!tpu.dma_semaphore, #tpu.memory_space<semaphore_mem>>
        %dma_start3A_30 = arith.constant 0 : i32
        %dma_start3A_31 = tpu.memref_slice %arg9[%add3A_19, %dma_start3A_30] : memref<80x125xi32, #tpu.memory_space<vmem>> -> memref<1x125xi32, #tpu.memory_space<vmem>>
        %dma_start3A_32 = tpu.memref_squeeze %dma_start3A_31 : memref<1x125xi32, #tpu.memory_space<vmem>> -> memref<125xi32, #tpu.memory_space<vmem>>
        %dma_start3A_33 = arith.constant 0 : i32
        %dma_start3A_34 = arith.constant 0 : i32
        %dma_start3A_35 = tpu.memref_slice %arg11[%dma_start3A_33, %dma_start3A_34] : memref<10240x128xf32, #tpu.memory_space<vmem_shared>> -> memref<10240x128xf32, #tpu.memory_space<vmem_shared>>
        tpu.enqueue_indirect_dma source(%arg10 : memref<125x128xf32, #tpu.memory_space<vmem>>) target(%dma_start3A_35 : memref<10240x128xf32, #tpu.memory_space<vmem_shared>>) offsets(%dma_start3A_32 : memref<125xi32, #tpu.memory_space<vmem>>) semaphore(%run_scoped3A : memref<!tpu.dma_semaphore, #tpu.memory_space<semaphore_mem>>) {add = true}
        %dma_wait3A_36 = arith.constant 0 : i32
        %dma_wait3A_37 = tpu.memref_slice %arg9[%add3A_19, %dma_wait3A_36] : memref<80x125xi32, #tpu.memory_space<vmem>> -> memref<1x125xi32, #tpu.memory_space<vmem>>
        %dma_wait3A_38 = tpu.memref_squeeze %dma_wait3A_37 : memref<1x125xi32, #tpu.memory_space<vmem>> -> memref<125xi32, #tpu.memory_space<vmem>>
        %dma_wait3A_39 = arith.constant 0 : i32
        %dma_wait3A_40 = arith.constant 0 : i32
        %dma_wait3A_41 = tpu.memref_slice %arg11[%dma_wait3A_39, %dma_wait3A_40] : memref<10240x128xf32, #tpu.memory_space<vmem_shared>> -> memref<10240x128xf32, #tpu.memory_space<vmem_shared>>
        tpu.wait_indirect_dma semaphore(%run_scoped3A : memref<!tpu.dma_semaphore, #tpu.memory_space<semaphore_mem>>) src(%arg10 : memref<125x128xf32, #tpu.memory_space<vmem>>) dst(%dma_wait3A_41 : memref<10240x128xf32, #tpu.memory_space<vmem_shared>>)
        tpu.yield
      }) : () -> ()
    }
    %scan3A_6 = arith.constant 80 : i32
    %barrier3A_7 = arith.constant 0 : index
    tpu.barrier barrier_id(%barrier3A_7)
    %eq3A = arith.constant 0 : i32
    %eq3A_8 = arith.cmpi eq, %arg0, %eq3A : i32
    %convert_element_type3A = arith.extui %eq3A_8 : i1 to i32
    %cond3A = arith.constant 0 : i32
    %cond3A_9 = arith.cmpi ne, %convert_element_type3A, %cond3A : i32
    scf.if %cond3A_9 {
      %mul3A_15 = arith.constant 640 : i32
      %mul3A_16 = arith.muli %arg1, %mul3A_15 : i32
      %mul3A_17 = arith.constant 640 : i32
      %mul3A_18 = arith.muli %arg1, %mul3A_17 : i32
      "tpu.region"() ({
        %run_scoped3A = tpu.sem_alloc : memref<!tpu.dma_semaphore, #tpu.memory_space<semaphore_mem>>
        %dma_start3A = arith.constant 0 : i32
        %dma_start3A_19 = tpu.memref_slice %arg6[%mul3A_18, %dma_start3A] : memref<10240x128xf32, #tpu.memory_space<hbm>> -> memref<640x128xf32, #tpu.memory_space<hbm>>
        %dma_start3A_20 = arith.constant 0 : i32
        %dma_start3A_21 = tpu.memref_slice %arg11[%mul3A_16, %dma_start3A_20] : memref<10240x128xf32, #tpu.memory_space<vmem_shared>> -> memref<640x128xf32, #tpu.memory_space<vmem_shared>>
        tpu.enqueue_dma source(%dma_start3A_21 : memref<640x128xf32, #tpu.memory_space<vmem_shared>>) target(%dma_start3A_19 : memref<640x128xf32, #tpu.memory_space<hbm>>) target_semaphore(%run_scoped3A : memref<!tpu.dma_semaphore, #tpu.memory_space<semaphore_mem>>)
        %dma_wait3A = arith.constant 0 : i32
        %dma_wait3A_22 = tpu.memref_slice %arg6[%mul3A_18, %dma_wait3A] : memref<10240x128xf32, #tpu.memory_space<hbm>> -> memref<640x128xf32, #tpu.memory_space<hbm>>
        %dma_wait3A_23 = arith.constant 0 : i32
        %dma_wait3A_24 = tpu.memref_slice %arg11[%mul3A_16, %dma_wait3A_23] : memref<10240x128xf32, #tpu.memory_space<vmem_shared>> -> memref<640x128xf32, #tpu.memory_space<vmem_shared>>
        tpu.wait_dma2 semaphore(%run_scoped3A : memref<!tpu.dma_semaphore, #tpu.memory_space<semaphore_mem>>) src(%dma_wait3A_24 : memref<640x128xf32, #tpu.memory_space<vmem_shared>>) dst(%dma_wait3A_22 : memref<640x128xf32, #tpu.memory_space<hbm>>)
        tpu.yield
      }) : () -> ()
    } else {
    }
    %eq3A_10 = arith.constant 1 : i32
    %eq3A_11 = arith.cmpi eq, %arg0, %eq3A_10 : i32
    %convert_element_type3A_12 = arith.extui %eq3A_11 : i1 to i32
    %cond3A_13 = arith.constant 0 : i32
    %cond3A_14 = arith.cmpi ne, %convert_element_type3A_12, %cond3A_13 : i32
    scf.if %cond3A_14 {
      %mul3A_15 = arith.constant 640 : i32
      %mul3A_16 = arith.muli %arg1, %mul3A_15 : i32
      %mul3A_17 = arith.constant 640 : i32
      %mul3A_18 = arith.muli %arg1, %mul3A_17 : i32
      "tpu.region"() ({
        %run_scoped3A = tpu.sem_alloc : memref<!tpu.dma_semaphore, #tpu.memory_space<semaphore_mem>>
        %dma_start3A = arith.constant 0 : i32
        %dma_start3A_19 = tpu.memref_slice %arg7[%mul3A_18, %dma_start3A] : memref<10240x128xf32, #tpu.memory_space<hbm>> -> memref<640x128xf32, #tpu.memory_space<hbm>>
        %dma_start3A_20 = arith.constant 0 : i32
        %dma_start3A_21 = tpu.memref_slice %arg11[%mul3A_16, %dma_start3A_20] : memref<10240x128xf32, #tpu.memory_space<vmem_shared>> -> memref<640x128xf32, #tpu.memory_space<vmem_shared>>
        tpu.enqueue_dma source(%dma_start3A_21 : memref<640x128xf32, #tpu.memory_space<vmem_shared>>) target(%dma_start3A_19 : memref<640x128xf32, #tpu.memory_space<hbm>>) target_semaphore(%run_scoped3A : memref<!tpu.dma_semaphore, #tpu.memory_space<semaphore_mem>>)
        %dma_wait3A = arith.constant 0 : i32
        %dma_wait3A_22 = tpu.memref_slice %arg7[%mul3A_18, %dma_wait3A] : memref<10240x128xf32, #tpu.memory_space<hbm>> -> memref<640x128xf32, #tpu.memory_space<hbm>>
        %dma_wait3A_23 = arith.constant 0 : i32
        %dma_wait3A_24 = tpu.memref_slice %arg11[%mul3A_16, %dma_wait3A_23] : memref<10240x128xf32, #tpu.memory_space<vmem_shared>> -> memref<640x128xf32, #tpu.memory_space<vmem_shared>>
        tpu.wait_dma2 semaphore(%run_scoped3A : memref<!tpu.dma_semaphore, #tpu.memory_space<semaphore_mem>>) src(%dma_wait3A_24 : memref<640x128xf32, #tpu.memory_space<vmem_shared>>) dst(%dma_wait3A_22 : memref<640x128xf32, #tpu.memory_space<hbm>>)
        tpu.yield
      }) : () -> ()
    } else {
    }
    return
  }
}

#map = affine_map<(d0, d1) -> (0, 0, 0, 0)>
#map1 = affine_map<(d0, d1) -> (0)>
module attributes {stable_mosaic.version = 14 : i64} {
  func.func @_deg_kernel(%arg0: i32, %arg1: i32, %arg2: memref<32x10x8x128xi32, #tpu.memory_space<hbm>>, %arg3: memref<640xf32, #tpu.memory_space<hbm>>, %arg4: memref<128xf32, #tpu.memory_space<hbm>>, %arg5: memref<10240xf32, #tpu.memory_space<hbm>>, %arg6: memref<10240xf32, #tpu.memory_space<hbm>>, %arg7: memref<10x8x128xi32, #tpu.memory_space<vmem>>, %arg8: memref<128xf32, #tpu.memory_space<vmem>>, %arg9: memref<10240xf32, #tpu.memory_space<vmem_shared>>) attributes {dimension_semantics = [#tpu.dimension_semantics<core_parallel>, #tpu.dimension_semantics<subcore_parallel>], iteration_bounds = array<i64: 2, 16>, scalar_prefetch = 0 : i64, scratch_operands = 3 : i64, tpu.core_type = #tpu.core_type<sc_vector_subcore>, window_params = [{transform_indices = #map}, {transform_indices = #map1}, {transform_indices = #map1}, {transform_indices = #map1}, {transform_indices = #map1}]} {
    %mul3A = arith.constant 16 : i32
    %mul3A_0 = arith.muli %arg0, %mul3A : i32
    %add3A = arith.addi %mul3A_0, %arg1 : i32
    %mul3A_1 = arith.constant 640 : i32
    %mul3A_2 = arith.muli %arg1, %mul3A_1 : i32
    "tpu.region"() ({
      %run_scoped3A = tpu.sem_alloc : memref<!tpu.dma_semaphore, #tpu.memory_space<semaphore_mem>>
      %dma_start3A = tpu.memref_slice %arg9[%mul3A_2] : memref<10240xf32, #tpu.memory_space<vmem_shared>> -> memref<640xf32, #tpu.memory_space<vmem_shared>>
      tpu.enqueue_dma source(%arg3 : memref<640xf32, #tpu.memory_space<hbm>>) target(%dma_start3A : memref<640xf32, #tpu.memory_space<vmem_shared>>) target_semaphore(%run_scoped3A : memref<!tpu.dma_semaphore, #tpu.memory_space<semaphore_mem>>)
      %dma_wait3A = tpu.memref_slice %arg9[%mul3A_2] : memref<10240xf32, #tpu.memory_space<vmem_shared>> -> memref<640xf32, #tpu.memory_space<vmem_shared>>
      tpu.wait_dma2 semaphore(%run_scoped3A : memref<!tpu.dma_semaphore, #tpu.memory_space<semaphore_mem>>) src(%arg3 : memref<640xf32, #tpu.memory_space<hbm>>) dst(%dma_wait3A : memref<640xf32, #tpu.memory_space<vmem_shared>>)
      tpu.yield
    }) : () -> ()
    "tpu.region"() ({
      %run_scoped3A = tpu.sem_alloc : memref<!tpu.dma_semaphore, #tpu.memory_space<semaphore_mem>>
      tpu.enqueue_dma source(%arg4 : memref<128xf32, #tpu.memory_space<hbm>>) target(%arg8 : memref<128xf32, #tpu.memory_space<vmem>>) target_semaphore(%run_scoped3A : memref<!tpu.dma_semaphore, #tpu.memory_space<semaphore_mem>>)
      tpu.wait_dma2 semaphore(%run_scoped3A : memref<!tpu.dma_semaphore, #tpu.memory_space<semaphore_mem>>) src(%arg4 : memref<128xf32, #tpu.memory_space<hbm>>) dst(%arg8 : memref<128xf32, #tpu.memory_space<vmem>>)
      tpu.yield
    }) : () -> ()
    "tpu.region"() ({
      %run_scoped3A = tpu.sem_alloc : memref<!tpu.dma_semaphore, #tpu.memory_space<semaphore_mem>>
      %dma_start3A = arith.constant 0 : i32
      %dma_start3A_20 = arith.constant 0 : i32
      %dma_start3A_21 = arith.constant 0 : i32
      %dma_start3A_22 = tpu.memref_slice %arg2[%add3A, %dma_start3A, %dma_start3A_20, %dma_start3A_21] : memref<32x10x8x128xi32, #tpu.memory_space<hbm>> -> memref<1x10x8x128xi32, #tpu.memory_space<hbm>>
      %dma_start3A_23 = tpu.memref_squeeze %dma_start3A_22 : memref<1x10x8x128xi32, #tpu.memory_space<hbm>> -> memref<10x8x128xi32, #tpu.memory_space<hbm>>
      %dma_start3A_24 = arith.constant 0 : i32
      %dma_start3A_25 = arith.constant 0 : i32
      %dma_start3A_26 = arith.constant 0 : i32
      %dma_start3A_27 = tpu.memref_slice %arg2[%add3A, %dma_start3A_24, %dma_start3A_25, %dma_start3A_26] : memref<32x10x8x128xi32, #tpu.memory_space<hbm>> -> memref<1x10x8x128xi32, #tpu.memory_space<hbm>>
      %dma_start3A_28 = tpu.memref_squeeze %dma_start3A_27 : memref<1x10x8x128xi32, #tpu.memory_space<hbm>> -> memref<10x8x128xi32, #tpu.memory_space<hbm>>
      tpu.enqueue_dma source(%dma_start3A_28 : memref<10x8x128xi32, #tpu.memory_space<hbm>>) target(%arg7 : memref<10x8x128xi32, #tpu.memory_space<vmem>>) target_semaphore(%run_scoped3A : memref<!tpu.dma_semaphore, #tpu.memory_space<semaphore_mem>>)
      %dma_wait3A = arith.constant 0 : i32
      %dma_wait3A_29 = arith.constant 0 : i32
      %dma_wait3A_30 = arith.constant 0 : i32
      %dma_wait3A_31 = tpu.memref_slice %arg2[%add3A, %dma_wait3A, %dma_wait3A_29, %dma_wait3A_30] : memref<32x10x8x128xi32, #tpu.memory_space<hbm>> -> memref<1x10x8x128xi32, #tpu.memory_space<hbm>>
      %dma_wait3A_32 = tpu.memref_squeeze %dma_wait3A_31 : memref<1x10x8x128xi32, #tpu.memory_space<hbm>> -> memref<10x8x128xi32, #tpu.memory_space<hbm>>
      %dma_wait3A_33 = arith.constant 0 : i32
      %dma_wait3A_34 = arith.constant 0 : i32
      %dma_wait3A_35 = arith.constant 0 : i32
      %dma_wait3A_36 = tpu.memref_slice %arg2[%add3A, %dma_wait3A_33, %dma_wait3A_34, %dma_wait3A_35] : memref<32x10x8x128xi32, #tpu.memory_space<hbm>> -> memref<1x10x8x128xi32, #tpu.memory_space<hbm>>
      %dma_wait3A_37 = tpu.memref_squeeze %dma_wait3A_36 : memref<1x10x8x128xi32, #tpu.memory_space<hbm>> -> memref<10x8x128xi32, #tpu.memory_space<hbm>>
      tpu.wait_dma2 semaphore(%run_scoped3A : memref<!tpu.dma_semaphore, #tpu.memory_space<semaphore_mem>>) src(%dma_wait3A_37 : memref<10x8x128xi32, #tpu.memory_space<hbm>>) dst(%arg7 : memref<10x8x128xi32, #tpu.memory_space<vmem>>)
      tpu.yield
    }) : () -> ()
    %barrier3A = arith.constant 0 : index
    tpu.barrier barrier_id(%barrier3A)
    %scan3A = arith.constant 0 : i32
    %scan3A_3 = arith.constant 10 : i32
    %scan3A_4 = arith.addi %scan3A, %scan3A_3 : i32
    %scan3A_5 = arith.constant 1 : i32
    scf.for %scan3A_20 = %scan3A to %scan3A_4 step %scan3A_5  : i32 {
      %mul3A_21 = arith.constant 1 : i32
      %mul3A_22 = arith.muli %scan3A_20, %mul3A_21 : i32
      %add3A_23 = arith.constant 0 : i32
      %add3A_24 = arith.addi %add3A_23, %mul3A_22 : i32
      %run_scoped3A = arith.constant 0 : i32
      "tpu.region"() ({
        %run_scoped3A_32 = tpu.sem_alloc : memref<!tpu.dma_semaphore, #tpu.memory_space<semaphore_mem>>
        %dma_start3A = arith.constant 0 : i32
        %dma_start3A_33 = tpu.memref_slice %arg7[%add3A_24, %run_scoped3A, %dma_start3A] : memref<10x8x128xi32, #tpu.memory_space<vmem>> -> memref<1x1x128xi32, #tpu.memory_space<vmem>>
        %dma_start3A_34 = tpu.memref_squeeze %dma_start3A_33 : memref<1x1x128xi32, #tpu.memory_space<vmem>> -> memref<128xi32, #tpu.memory_space<vmem>>
        %dma_start3A_35 = arith.constant 0 : i32
        %dma_start3A_36 = tpu.memref_slice %arg9[%dma_start3A_35] : memref<10240xf32, #tpu.memory_space<vmem_shared>> -> memref<10240xf32, #tpu.memory_space<vmem_shared>>
        tpu.enqueue_indirect_dma source(%arg8 : memref<128xf32, #tpu.memory_space<vmem>>) target(%dma_start3A_36 : memref<10240xf32, #tpu.memory_space<vmem_shared>>) offsets(%dma_start3A_34 : memref<128xi32, #tpu.memory_space<vmem>>) semaphore(%run_scoped3A_32 : memref<!tpu.dma_semaphore, #tpu.memory_space<semaphore_mem>>) {add = true}
        %dma_wait3A = arith.constant 0 : i32
        %dma_wait3A_37 = tpu.memref_slice %arg7[%add3A_24, %run_scoped3A, %dma_wait3A] : memref<10x8x128xi32, #tpu.memory_space<vmem>> -> memref<1x1x128xi32, #tpu.memory_space<vmem>>
        %dma_wait3A_38 = tpu.memref_squeeze %dma_wait3A_37 : memref<1x1x128xi32, #tpu.memory_space<vmem>> -> memref<128xi32, #tpu.memory_space<vmem>>
        %dma_wait3A_39 = arith.constant 0 : i32
        %dma_wait3A_40 = tpu.memref_slice %arg9[%dma_wait3A_39] : memref<10240xf32, #tpu.memory_space<vmem_shared>> -> memref<10240xf32, #tpu.memory_space<vmem_shared>>
        tpu.wait_indirect_dma semaphore(%run_scoped3A_32 : memref<!tpu.dma_semaphore, #tpu.memory_space<semaphore_mem>>) src(%arg8 : memref<128xf32, #tpu.memory_space<vmem>>) dst(%dma_wait3A_40 : memref<10240xf32, #tpu.memory_space<vmem_shared>>)
        tpu.yield
      }) : () -> ()
      %run_scoped3A_25 = arith.constant 1 : i32
      "tpu.region"() ({
        %run_scoped3A_32 = tpu.sem_alloc : memref<!tpu.dma_semaphore, #tpu.memory_space<semaphore_mem>>
        %dma_start3A = arith.constant 0 : i32
        %dma_start3A_33 = tpu.memref_slice %arg7[%add3A_24, %run_scoped3A_25, %dma_start3A] : memref<10x8x128xi32, #tpu.memory_space<vmem>> -> memref<1x1x128xi32, #tpu.memory_space<vmem>>
        %dma_start3A_34 = tpu.memref_squeeze %dma_start3A_33 : memref<1x1x128xi32, #tpu.memory_space<vmem>> -> memref<128xi32, #tpu.memory_space<vmem>>
        %dma_start3A_35 = arith.constant 0 : i32
        %dma_start3A_36 = tpu.memref_slice %arg9[%dma_start3A_35] : memref<10240xf32, #tpu.memory_space<vmem_shared>> -> memref<10240xf32, #tpu.memory_space<vmem_shared>>
        tpu.enqueue_indirect_dma source(%arg8 : memref<128xf32, #tpu.memory_space<vmem>>) target(%dma_start3A_36 : memref<10240xf32, #tpu.memory_space<vmem_shared>>) offsets(%dma_start3A_34 : memref<128xi32, #tpu.memory_space<vmem>>) semaphore(%run_scoped3A_32 : memref<!tpu.dma_semaphore, #tpu.memory_space<semaphore_mem>>) {add = true}
        %dma_wait3A = arith.constant 0 : i32
        %dma_wait3A_37 = tpu.memref_slice %arg7[%add3A_24, %run_scoped3A_25, %dma_wait3A] : memref<10x8x128xi32, #tpu.memory_space<vmem>> -> memref<1x1x128xi32, #tpu.memory_space<vmem>>
        %dma_wait3A_38 = tpu.memref_squeeze %dma_wait3A_37 : memref<1x1x128xi32, #tpu.memory_space<vmem>> -> memref<128xi32, #tpu.memory_space<vmem>>
        %dma_wait3A_39 = arith.constant 0 : i32
        %dma_wait3A_40 = tpu.memref_slice %arg9[%dma_wait3A_39] : memref<10240xf32, #tpu.memory_space<vmem_shared>> -> memref<10240xf32, #tpu.memory_space<vmem_shared>>
        tpu.wait_indirect_dma semaphore(%run_scoped3A_32 : memref<!tpu.dma_semaphore, #tpu.memory_space<semaphore_mem>>) src(%arg8 : memref<128xf32, #tpu.memory_space<vmem>>) dst(%dma_wait3A_40 : memref<10240xf32, #tpu.memory_space<vmem_shared>>)
        tpu.yield
      }) : () -> ()
      %run_scoped3A_26 = arith.constant 2 : i32
      "tpu.region"() ({
        %run_scoped3A_32 = tpu.sem_alloc : memref<!tpu.dma_semaphore, #tpu.memory_space<semaphore_mem>>
        %dma_start3A = arith.constant 0 : i32
        %dma_start3A_33 = tpu.memref_slice %arg7[%add3A_24, %run_scoped3A_26, %dma_start3A] : memref<10x8x128xi32, #tpu.memory_space<vmem>> -> memref<1x1x128xi32, #tpu.memory_space<vmem>>
        %dma_start3A_34 = tpu.memref_squeeze %dma_start3A_33 : memref<1x1x128xi32, #tpu.memory_space<vmem>> -> memref<128xi32, #tpu.memory_space<vmem>>
        %dma_start3A_35 = arith.constant 0 : i32
        %dma_start3A_36 = tpu.memref_slice %arg9[%dma_start3A_35] : memref<10240xf32, #tpu.memory_space<vmem_shared>> -> memref<10240xf32, #tpu.memory_space<vmem_shared>>
        tpu.enqueue_indirect_dma source(%arg8 : memref<128xf32, #tpu.memory_space<vmem>>) target(%dma_start3A_36 : memref<10240xf32, #tpu.memory_space<vmem_shared>>) offsets(%dma_start3A_34 : memref<128xi32, #tpu.memory_space<vmem>>) semaphore(%run_scoped3A_32 : memref<!tpu.dma_semaphore, #tpu.memory_space<semaphore_mem>>) {add = true}
        %dma_wait3A = arith.constant 0 : i32
        %dma_wait3A_37 = tpu.memref_slice %arg7[%add3A_24, %run_scoped3A_26, %dma_wait3A] : memref<10x8x128xi32, #tpu.memory_space<vmem>> -> memref<1x1x128xi32, #tpu.memory_space<vmem>>
        %dma_wait3A_38 = tpu.memref_squeeze %dma_wait3A_37 : memref<1x1x128xi32, #tpu.memory_space<vmem>> -> memref<128xi32, #tpu.memory_space<vmem>>
        %dma_wait3A_39 = arith.constant 0 : i32
        %dma_wait3A_40 = tpu.memref_slice %arg9[%dma_wait3A_39] : memref<10240xf32, #tpu.memory_space<vmem_shared>> -> memref<10240xf32, #tpu.memory_space<vmem_shared>>
        tpu.wait_indirect_dma semaphore(%run_scoped3A_32 : memref<!tpu.dma_semaphore, #tpu.memory_space<semaphore_mem>>) src(%arg8 : memref<128xf32, #tpu.memory_space<vmem>>) dst(%dma_wait3A_40 : memref<10240xf32, #tpu.memory_space<vmem_shared>>)
        tpu.yield
      }) : () -> ()
      %run_scoped3A_27 = arith.constant 3 : i32
      "tpu.region"() ({
        %run_scoped3A_32 = tpu.sem_alloc : memref<!tpu.dma_semaphore, #tpu.memory_space<semaphore_mem>>
        %dma_start3A = arith.constant 0 : i32
        %dma_start3A_33 = tpu.memref_slice %arg7[%add3A_24, %run_scoped3A_27, %dma_start3A] : memref<10x8x128xi32, #tpu.memory_space<vmem>> -> memref<1x1x128xi32, #tpu.memory_space<vmem>>
        %dma_start3A_34 = tpu.memref_squeeze %dma_start3A_33 : memref<1x1x128xi32, #tpu.memory_space<vmem>> -> memref<128xi32, #tpu.memory_space<vmem>>
        %dma_start3A_35 = arith.constant 0 : i32
        %dma_start3A_36 = tpu.memref_slice %arg9[%dma_start3A_35] : memref<10240xf32, #tpu.memory_space<vmem_shared>> -> memref<10240xf32, #tpu.memory_space<vmem_shared>>
        tpu.enqueue_indirect_dma source(%arg8 : memref<128xf32, #tpu.memory_space<vmem>>) target(%dma_start3A_36 : memref<10240xf32, #tpu.memory_space<vmem_shared>>) offsets(%dma_start3A_34 : memref<128xi32, #tpu.memory_space<vmem>>) semaphore(%run_scoped3A_32 : memref<!tpu.dma_semaphore, #tpu.memory_space<semaphore_mem>>) {add = true}
        %dma_wait3A = arith.constant 0 : i32
        %dma_wait3A_37 = tpu.memref_slice %arg7[%add3A_24, %run_scoped3A_27, %dma_wait3A] : memref<10x8x128xi32, #tpu.memory_space<vmem>> -> memref<1x1x128xi32, #tpu.memory_space<vmem>>
        %dma_wait3A_38 = tpu.memref_squeeze %dma_wait3A_37 : memref<1x1x128xi32, #tpu.memory_space<vmem>> -> memref<128xi32, #tpu.memory_space<vmem>>
        %dma_wait3A_39 = arith.constant 0 : i32
        %dma_wait3A_40 = tpu.memref_slice %arg9[%dma_wait3A_39] : memref<10240xf32, #tpu.memory_space<vmem_shared>> -> memref<10240xf32, #tpu.memory_space<vmem_shared>>
        tpu.wait_indirect_dma semaphore(%run_scoped3A_32 : memref<!tpu.dma_semaphore, #tpu.memory_space<semaphore_mem>>) src(%arg8 : memref<128xf32, #tpu.memory_space<vmem>>) dst(%dma_wait3A_40 : memref<10240xf32, #tpu.memory_space<vmem_shared>>)
        tpu.yield
      }) : () -> ()
      %run_scoped3A_28 = arith.constant 4 : i32
      "tpu.region"() ({
        %run_scoped3A_32 = tpu.sem_alloc : memref<!tpu.dma_semaphore, #tpu.memory_space<semaphore_mem>>
        %dma_start3A = arith.constant 0 : i32
        %dma_start3A_33 = tpu.memref_slice %arg7[%add3A_24, %run_scoped3A_28, %dma_start3A] : memref<10x8x128xi32, #tpu.memory_space<vmem>> -> memref<1x1x128xi32, #tpu.memory_space<vmem>>
        %dma_start3A_34 = tpu.memref_squeeze %dma_start3A_33 : memref<1x1x128xi32, #tpu.memory_space<vmem>> -> memref<128xi32, #tpu.memory_space<vmem>>
        %dma_start3A_35 = arith.constant 0 : i32
        %dma_start3A_36 = tpu.memref_slice %arg9[%dma_start3A_35] : memref<10240xf32, #tpu.memory_space<vmem_shared>> -> memref<10240xf32, #tpu.memory_space<vmem_shared>>
        tpu.enqueue_indirect_dma source(%arg8 : memref<128xf32, #tpu.memory_space<vmem>>) target(%dma_start3A_36 : memref<10240xf32, #tpu.memory_space<vmem_shared>>) offsets(%dma_start3A_34 : memref<128xi32, #tpu.memory_space<vmem>>) semaphore(%run_scoped3A_32 : memref<!tpu.dma_semaphore, #tpu.memory_space<semaphore_mem>>) {add = true}
        %dma_wait3A = arith.constant 0 : i32
        %dma_wait3A_37 = tpu.memref_slice %arg7[%add3A_24, %run_scoped3A_28, %dma_wait3A] : memref<10x8x128xi32, #tpu.memory_space<vmem>> -> memref<1x1x128xi32, #tpu.memory_space<vmem>>
        %dma_wait3A_38 = tpu.memref_squeeze %dma_wait3A_37 : memref<1x1x128xi32, #tpu.memory_space<vmem>> -> memref<128xi32, #tpu.memory_space<vmem>>
        %dma_wait3A_39 = arith.constant 0 : i32
        %dma_wait3A_40 = tpu.memref_slice %arg9[%dma_wait3A_39] : memref<10240xf32, #tpu.memory_space<vmem_shared>> -> memref<10240xf32, #tpu.memory_space<vmem_shared>>
        tpu.wait_indirect_dma semaphore(%run_scoped3A_32 : memref<!tpu.dma_semaphore, #tpu.memory_space<semaphore_mem>>) src(%arg8 : memref<128xf32, #tpu.memory_space<vmem>>) dst(%dma_wait3A_40 : memref<10240xf32, #tpu.memory_space<vmem_shared>>)
        tpu.yield
      }) : () -> ()
      %run_scoped3A_29 = arith.constant 5 : i32
      "tpu.region"() ({
        %run_scoped3A_32 = tpu.sem_alloc : memref<!tpu.dma_semaphore, #tpu.memory_space<semaphore_mem>>
        %dma_start3A = arith.constant 0 : i32
        %dma_start3A_33 = tpu.memref_slice %arg7[%add3A_24, %run_scoped3A_29, %dma_start3A] : memref<10x8x128xi32, #tpu.memory_space<vmem>> -> memref<1x1x128xi32, #tpu.memory_space<vmem>>
        %dma_start3A_34 = tpu.memref_squeeze %dma_start3A_33 : memref<1x1x128xi32, #tpu.memory_space<vmem>> -> memref<128xi32, #tpu.memory_space<vmem>>
        %dma_start3A_35 = arith.constant 0 : i32
        %dma_start3A_36 = tpu.memref_slice %arg9[%dma_start3A_35] : memref<10240xf32, #tpu.memory_space<vmem_shared>> -> memref<10240xf32, #tpu.memory_space<vmem_shared>>
        tpu.enqueue_indirect_dma source(%arg8 : memref<128xf32, #tpu.memory_space<vmem>>) target(%dma_start3A_36 : memref<10240xf32, #tpu.memory_space<vmem_shared>>) offsets(%dma_start3A_34 : memref<128xi32, #tpu.memory_space<vmem>>) semaphore(%run_scoped3A_32 : memref<!tpu.dma_semaphore, #tpu.memory_space<semaphore_mem>>) {add = true}
        %dma_wait3A = arith.constant 0 : i32
        %dma_wait3A_37 = tpu.memref_slice %arg7[%add3A_24, %run_scoped3A_29, %dma_wait3A] : memref<10x8x128xi32, #tpu.memory_space<vmem>> -> memref<1x1x128xi32, #tpu.memory_space<vmem>>
        %dma_wait3A_38 = tpu.memref_squeeze %dma_wait3A_37 : memref<1x1x128xi32, #tpu.memory_space<vmem>> -> memref<128xi32, #tpu.memory_space<vmem>>
        %dma_wait3A_39 = arith.constant 0 : i32
        %dma_wait3A_40 = tpu.memref_slice %arg9[%dma_wait3A_39] : memref<10240xf32, #tpu.memory_space<vmem_shared>> -> memref<10240xf32, #tpu.memory_space<vmem_shared>>
        tpu.wait_indirect_dma semaphore(%run_scoped3A_32 : memref<!tpu.dma_semaphore, #tpu.memory_space<semaphore_mem>>) src(%arg8 : memref<128xf32, #tpu.memory_space<vmem>>) dst(%dma_wait3A_40 : memref<10240xf32, #tpu.memory_space<vmem_shared>>)
        tpu.yield
      }) : () -> ()
      %run_scoped3A_30 = arith.constant 6 : i32
      "tpu.region"() ({
        %run_scoped3A_32 = tpu.sem_alloc : memref<!tpu.dma_semaphore, #tpu.memory_space<semaphore_mem>>
        %dma_start3A = arith.constant 0 : i32
        %dma_start3A_33 = tpu.memref_slice %arg7[%add3A_24, %run_scoped3A_30, %dma_start3A] : memref<10x8x128xi32, #tpu.memory_space<vmem>> -> memref<1x1x128xi32, #tpu.memory_space<vmem>>
        %dma_start3A_34 = tpu.memref_squeeze %dma_start3A_33 : memref<1x1x128xi32, #tpu.memory_space<vmem>> -> memref<128xi32, #tpu.memory_space<vmem>>
        %dma_start3A_35 = arith.constant 0 : i32
        %dma_start3A_36 = tpu.memref_slice %arg9[%dma_start3A_35] : memref<10240xf32, #tpu.memory_space<vmem_shared>> -> memref<10240xf32, #tpu.memory_space<vmem_shared>>
        tpu.enqueue_indirect_dma source(%arg8 : memref<128xf32, #tpu.memory_space<vmem>>) target(%dma_start3A_36 : memref<10240xf32, #tpu.memory_space<vmem_shared>>) offsets(%dma_start3A_34 : memref<128xi32, #tpu.memory_space<vmem>>) semaphore(%run_scoped3A_32 : memref<!tpu.dma_semaphore, #tpu.memory_space<semaphore_mem>>) {add = true}
        %dma_wait3A = arith.constant 0 : i32
        %dma_wait3A_37 = tpu.memref_slice %arg7[%add3A_24, %run_scoped3A_30, %dma_wait3A] : memref<10x8x128xi32, #tpu.memory_space<vmem>> -> memref<1x1x128xi32, #tpu.memory_space<vmem>>
        %dma_wait3A_38 = tpu.memref_squeeze %dma_wait3A_37 : memref<1x1x128xi32, #tpu.memory_space<vmem>> -> memref<128xi32, #tpu.memory_space<vmem>>
        %dma_wait3A_39 = arith.constant 0 : i32
        %dma_wait3A_40 = tpu.memref_slice %arg9[%dma_wait3A_39] : memref<10240xf32, #tpu.memory_space<vmem_shared>> -> memref<10240xf32, #tpu.memory_space<vmem_shared>>
        tpu.wait_indirect_dma semaphore(%run_scoped3A_32 : memref<!tpu.dma_semaphore, #tpu.memory_space<semaphore_mem>>) src(%arg8 : memref<128xf32, #tpu.memory_space<vmem>>) dst(%dma_wait3A_40 : memref<10240xf32, #tpu.memory_space<vmem_shared>>)
        tpu.yield
      }) : () -> ()
      %run_scoped3A_31 = arith.constant 7 : i32
      "tpu.region"() ({
        %run_scoped3A_32 = tpu.sem_alloc : memref<!tpu.dma_semaphore, #tpu.memory_space<semaphore_mem>>
        %dma_start3A = arith.constant 0 : i32
        %dma_start3A_33 = tpu.memref_slice %arg7[%add3A_24, %run_scoped3A_31, %dma_start3A] : memref<10x8x128xi32, #tpu.memory_space<vmem>> -> memref<1x1x128xi32, #tpu.memory_space<vmem>>
        %dma_start3A_34 = tpu.memref_squeeze %dma_start3A_33 : memref<1x1x128xi32, #tpu.memory_space<vmem>> -> memref<128xi32, #tpu.memory_space<vmem>>
        %dma_start3A_35 = arith.constant 0 : i32
        %dma_start3A_36 = tpu.memref_slice %arg9[%dma_start3A_35] : memref<10240xf32, #tpu.memory_space<vmem_shared>> -> memref<10240xf32, #tpu.memory_space<vmem_shared>>
        tpu.enqueue_indirect_dma source(%arg8 : memref<128xf32, #tpu.memory_space<vmem>>) target(%dma_start3A_36 : memref<10240xf32, #tpu.memory_space<vmem_shared>>) offsets(%dma_start3A_34 : memref<128xi32, #tpu.memory_space<vmem>>) semaphore(%run_scoped3A_32 : memref<!tpu.dma_semaphore, #tpu.memory_space<semaphore_mem>>) {add = true}
        %dma_wait3A = arith.constant 0 : i32
        %dma_wait3A_37 = tpu.memref_slice %arg7[%add3A_24, %run_scoped3A_31, %dma_wait3A] : memref<10x8x128xi32, #tpu.memory_space<vmem>> -> memref<1x1x128xi32, #tpu.memory_space<vmem>>
        %dma_wait3A_38 = tpu.memref_squeeze %dma_wait3A_37 : memref<1x1x128xi32, #tpu.memory_space<vmem>> -> memref<128xi32, #tpu.memory_space<vmem>>
        %dma_wait3A_39 = arith.constant 0 : i32
        %dma_wait3A_40 = tpu.memref_slice %arg9[%dma_wait3A_39] : memref<10240xf32, #tpu.memory_space<vmem_shared>> -> memref<10240xf32, #tpu.memory_space<vmem_shared>>
        tpu.wait_indirect_dma semaphore(%run_scoped3A_32 : memref<!tpu.dma_semaphore, #tpu.memory_space<semaphore_mem>>) src(%arg8 : memref<128xf32, #tpu.memory_space<vmem>>) dst(%dma_wait3A_40 : memref<10240xf32, #tpu.memory_space<vmem_shared>>)
        tpu.yield
      }) : () -> ()
    }
    %scan3A_6 = arith.constant 10 : i32
    %barrier3A_7 = arith.constant 0 : index
    tpu.barrier barrier_id(%barrier3A_7)
    %eq3A = arith.constant 0 : i32
    %eq3A_8 = arith.cmpi eq, %arg1, %eq3A : i32
    %eq3A_9 = arith.constant 0 : i32
    %eq3A_10 = arith.cmpi eq, %arg0, %eq3A_9 : i32
    %and3A = arith.andi %eq3A_8, %eq3A_10 : i1
    %convert_element_type3A = arith.extui %and3A : i1 to i32
    %cond3A = arith.constant 0 : i32
    %cond3A_11 = arith.cmpi ne, %convert_element_type3A, %cond3A : i32
    scf.if %cond3A_11 {
      "tpu.region"() ({
        %run_scoped3A = tpu.sem_alloc : memref<!tpu.dma_semaphore, #tpu.memory_space<semaphore_mem>>
        tpu.enqueue_dma source(%arg9 : memref<10240xf32, #tpu.memory_space<vmem_shared>>) target(%arg5 : memref<10240xf32, #tpu.memory_space<hbm>>) target_semaphore(%run_scoped3A : memref<!tpu.dma_semaphore, #tpu.memory_space<semaphore_mem>>)
        tpu.wait_dma2 semaphore(%run_scoped3A : memref<!tpu.dma_semaphore, #tpu.memory_space<semaphore_mem>>) src(%arg9 : memref<10240xf32, #tpu.memory_space<vmem_shared>>) dst(%arg5 : memref<10240xf32, #tpu.memory_space<hbm>>)
        tpu.yield
      }) : () -> ()
    } else {
    }
    %eq3A_12 = arith.constant 0 : i32
    %eq3A_13 = arith.cmpi eq, %arg1, %eq3A_12 : i32
    %eq3A_14 = arith.constant 1 : i32
    %eq3A_15 = arith.cmpi eq, %arg0, %eq3A_14 : i32
    %and3A_16 = arith.andi %eq3A_13, %eq3A_15 : i1
    %convert_element_type3A_17 = arith.extui %and3A_16 : i1 to i32
    %cond3A_18 = arith.constant 0 : i32
    %cond3A_19 = arith.cmpi ne, %convert_element_type3A_17, %cond3A_18 : i32
    scf.if %cond3A_19 {
      "tpu.region"() ({
        %run_scoped3A = tpu.sem_alloc : memref<!tpu.dma_semaphore, #tpu.memory_space<semaphore_mem>>
        tpu.enqueue_dma source(%arg9 : memref<10240xf32, #tpu.memory_space<vmem_shared>>) target(%arg6 : memref<10240xf32, #tpu.memory_space<hbm>>) target_semaphore(%run_scoped3A : memref<!tpu.dma_semaphore, #tpu.memory_space<semaphore_mem>>)
        tpu.wait_dma2 semaphore(%run_scoped3A : memref<!tpu.dma_semaphore, #tpu.memory_space<semaphore_mem>>) src(%arg9 : memref<10240xf32, #tpu.memory_space<vmem_shared>>) dst(%arg6 : memref<10240xf32, #tpu.memory_space<hbm>>)
        tpu.yield
      }) : () -> ()
    } else {
    }
    return
  }
}

#map = affine_map<(d0, d1) -> (0, 0)>
#map1 = affine_map<(d0, d1) -> (0, 0, 0)>
module attributes {stable_mosaic.version = 14 : i64} {
  func.func @_agg_kernel(%arg0: i32, %arg1: i32, %arg2: memref<10000x128xf32, #tpu.memory_space<hbm>>, %arg3: memref<32x80x125xi32, #tpu.memory_space<hbm>>, %arg4: memref<32x80x125xi32, #tpu.memory_space<hbm>>, %arg5: memref<640x128xf32, #tpu.memory_space<hbm>>, %arg6: memref<10240x128xf32, #tpu.memory_space<hbm>>, %arg7: memref<10240x128xf32, #tpu.memory_space<hbm>>, %arg8: memref<80x125xi32, #tpu.memory_space<vmem>>, %arg9: memref<80x125xi32, #tpu.memory_space<vmem>>, %arg10: memref<125x128xf32, #tpu.memory_space<vmem>>, %arg11: memref<10240x128xf32, #tpu.memory_space<vmem_shared>>, %arg12: memref<!tpu.dma_semaphore, #tpu.memory_space<semaphore_mem>>) attributes {dimension_semantics = [#tpu.dimension_semantics<core_parallel>, #tpu.dimension_semantics<subcore_parallel>], iteration_bounds = array<i64: 2, 16>, scalar_prefetch = 0 : i64, scratch_operands = 5 : i64, tpu.core_type = #tpu.core_type<sc_vector_subcore>, window_params = [{transform_indices = #map}, {transform_indices = #map1}, {transform_indices = #map1}, {transform_indices = #map}, {transform_indices = #map}, {transform_indices = #map}]} {
    %mul3A = arith.constant 16 : i32
    %mul3A_0 = arith.muli %arg0, %mul3A : i32
    %add3A = arith.addi %mul3A_0, %arg1 : i32
    %mul3A_1 = arith.constant 640 : i32
    %mul3A_2 = arith.muli %arg1, %mul3A_1 : i32
    "tpu.region"() ({
      %run_scoped3A = tpu.sem_alloc : memref<!tpu.dma_semaphore, #tpu.memory_space<semaphore_mem>>
      %dma_start3A = arith.constant 0 : i32
      %dma_start3A_15 = tpu.memref_slice %arg11[%mul3A_2, %dma_start3A] : memref<10240x128xf32, #tpu.memory_space<vmem_shared>> -> memref<640x128xf32, #tpu.memory_space<vmem_shared>>
      tpu.enqueue_dma source(%arg5 : memref<640x128xf32, #tpu.memory_space<hbm>>) target(%dma_start3A_15 : memref<640x128xf32, #tpu.memory_space<vmem_shared>>) target_semaphore(%run_scoped3A : memref<!tpu.dma_semaphore, #tpu.memory_space<semaphore_mem>>)
      %dma_wait3A = arith.constant 0 : i32
      %dma_wait3A_16 = tpu.memref_slice %arg11[%mul3A_2, %dma_wait3A] : memref<10240x128xf32, #tpu.memory_space<vmem_shared>> -> memref<640x128xf32, #tpu.memory_space<vmem_shared>>
      tpu.wait_dma2 semaphore(%run_scoped3A : memref<!tpu.dma_semaphore, #tpu.memory_space<semaphore_mem>>) src(%arg5 : memref<640x128xf32, #tpu.memory_space<hbm>>) dst(%dma_wait3A_16 : memref<640x128xf32, #tpu.memory_space<vmem_shared>>)
      tpu.yield
    }) : () -> ()
    "tpu.region"() ({
      %run_scoped3A = tpu.sem_alloc : memref<!tpu.dma_semaphore, #tpu.memory_space<semaphore_mem>>
      %dma_start3A = arith.constant 0 : i32
      %dma_start3A_15 = arith.constant 0 : i32
      %dma_start3A_16 = tpu.memref_slice %arg3[%add3A, %dma_start3A, %dma_start3A_15] : memref<32x80x125xi32, #tpu.memory_space<hbm>> -> memref<1x80x125xi32, #tpu.memory_space<hbm>>
      %dma_start3A_17 = tpu.memref_squeeze %dma_start3A_16 : memref<1x80x125xi32, #tpu.memory_space<hbm>> -> memref<80x125xi32, #tpu.memory_space<hbm>>
      %dma_start3A_18 = arith.constant 0 : i32
      %dma_start3A_19 = arith.constant 0 : i32
      %dma_start3A_20 = tpu.memref_slice %arg3[%add3A, %dma_start3A_18, %dma_start3A_19] : memref<32x80x125xi32, #tpu.memory_space<hbm>> -> memref<1x80x125xi32, #tpu.memory_space<hbm>>
      %dma_start3A_21 = tpu.memref_squeeze %dma_start3A_20 : memref<1x80x125xi32, #tpu.memory_space<hbm>> -> memref<80x125xi32, #tpu.memory_space<hbm>>
      tpu.enqueue_dma source(%dma_start3A_21 : memref<80x125xi32, #tpu.memory_space<hbm>>) target(%arg8 : memref<80x125xi32, #tpu.memory_space<vmem>>) target_semaphore(%run_scoped3A : memref<!tpu.dma_semaphore, #tpu.memory_space<semaphore_mem>>)
      %dma_wait3A = arith.constant 0 : i32
      %dma_wait3A_22 = arith.constant 0 : i32
      %dma_wait3A_23 = tpu.memref_slice %arg3[%add3A, %dma_wait3A, %dma_wait3A_22] : memref<32x80x125xi32, #tpu.memory_space<hbm>> -> memref<1x80x125xi32, #tpu.memory_space<hbm>>
      %dma_wait3A_24 = tpu.memref_squeeze %dma_wait3A_23 : memref<1x80x125xi32, #tpu.memory_space<hbm>> -> memref<80x125xi32, #tpu.memory_space<hbm>>
      %dma_wait3A_25 = arith.constant 0 : i32
      %dma_wait3A_26 = arith.constant 0 : i32
      %dma_wait3A_27 = tpu.memref_slice %arg3[%add3A, %dma_wait3A_25, %dma_wait3A_26] : memref<32x80x125xi32, #tpu.memory_space<hbm>> -> memref<1x80x125xi32, #tpu.memory_space<hbm>>
      %dma_wait3A_28 = tpu.memref_squeeze %dma_wait3A_27 : memref<1x80x125xi32, #tpu.memory_space<hbm>> -> memref<80x125xi32, #tpu.memory_space<hbm>>
      tpu.wait_dma2 semaphore(%run_scoped3A : memref<!tpu.dma_semaphore, #tpu.memory_space<semaphore_mem>>) src(%dma_wait3A_28 : memref<80x125xi32, #tpu.memory_space<hbm>>) dst(%arg8 : memref<80x125xi32, #tpu.memory_space<vmem>>)
      tpu.yield
    }) : () -> ()
    "tpu.region"() ({
      %run_scoped3A = tpu.sem_alloc : memref<!tpu.dma_semaphore, #tpu.memory_space<semaphore_mem>>
      %dma_start3A = arith.constant 0 : i32
      %dma_start3A_15 = arith.constant 0 : i32
      %dma_start3A_16 = tpu.memref_slice %arg4[%add3A, %dma_start3A, %dma_start3A_15] : memref<32x80x125xi32, #tpu.memory_space<hbm>> -> memref<1x80x125xi32, #tpu.memory_space<hbm>>
      %dma_start3A_17 = tpu.memref_squeeze %dma_start3A_16 : memref<1x80x125xi32, #tpu.memory_space<hbm>> -> memref<80x125xi32, #tpu.memory_space<hbm>>
      %dma_start3A_18 = arith.constant 0 : i32
      %dma_start3A_19 = arith.constant 0 : i32
      %dma_start3A_20 = tpu.memref_slice %arg4[%add3A, %dma_start3A_18, %dma_start3A_19] : memref<32x80x125xi32, #tpu.memory_space<hbm>> -> memref<1x80x125xi32, #tpu.memory_space<hbm>>
      %dma_start3A_21 = tpu.memref_squeeze %dma_start3A_20 : memref<1x80x125xi32, #tpu.memory_space<hbm>> -> memref<80x125xi32, #tpu.memory_space<hbm>>
      tpu.enqueue_dma source(%dma_start3A_21 : memref<80x125xi32, #tpu.memory_space<hbm>>) target(%arg9 : memref<80x125xi32, #tpu.memory_space<vmem>>) target_semaphore(%run_scoped3A : memref<!tpu.dma_semaphore, #tpu.memory_space<semaphore_mem>>)
      %dma_wait3A = arith.constant 0 : i32
      %dma_wait3A_22 = arith.constant 0 : i32
      %dma_wait3A_23 = tpu.memref_slice %arg4[%add3A, %dma_wait3A, %dma_wait3A_22] : memref<32x80x125xi32, #tpu.memory_space<hbm>> -> memref<1x80x125xi32, #tpu.memory_space<hbm>>
      %dma_wait3A_24 = tpu.memref_squeeze %dma_wait3A_23 : memref<1x80x125xi32, #tpu.memory_space<hbm>> -> memref<80x125xi32, #tpu.memory_space<hbm>>
      %dma_wait3A_25 = arith.constant 0 : i32
      %dma_wait3A_26 = arith.constant 0 : i32
      %dma_wait3A_27 = tpu.memref_slice %arg4[%add3A, %dma_wait3A_25, %dma_wait3A_26] : memref<32x80x125xi32, #tpu.memory_space<hbm>> -> memref<1x80x125xi32, #tpu.memory_space<hbm>>
      %dma_wait3A_28 = tpu.memref_squeeze %dma_wait3A_27 : memref<1x80x125xi32, #tpu.memory_space<hbm>> -> memref<80x125xi32, #tpu.memory_space<hbm>>
      tpu.wait_dma2 semaphore(%run_scoped3A : memref<!tpu.dma_semaphore, #tpu.memory_space<semaphore_mem>>) src(%dma_wait3A_28 : memref<80x125xi32, #tpu.memory_space<hbm>>) dst(%arg9 : memref<80x125xi32, #tpu.memory_space<vmem>>)
      tpu.yield
    }) : () -> ()
    %barrier3A = arith.constant 0 : index
    tpu.barrier barrier_id(%barrier3A)
    %scan3A = arith.constant 0 : i32
    %scan3A_3 = arith.constant 80 : i32
    %scan3A_4 = arith.addi %scan3A, %scan3A_3 : i32
    %scan3A_5 = arith.constant 1 : i32
    scf.for %scan3A_15 = %scan3A to %scan3A_4 step %scan3A_5  : i32 {
      %mul3A_16 = arith.constant 1 : i32
      %mul3A_17 = arith.muli %scan3A_15, %mul3A_16 : i32
      %add3A_18 = arith.constant 0 : i32
      %add3A_19 = arith.addi %add3A_18, %mul3A_17 : i32
      %dma_start3A = arith.constant 0 : i32
      %dma_start3A_20 = tpu.memref_slice %arg8[%add3A_19, %dma_start3A] : memref<80x125xi32, #tpu.memory_space<vmem>> -> memref<1x125xi32, #tpu.memory_space<vmem>>
      %dma_start3A_21 = tpu.memref_squeeze %dma_start3A_20 : memref<1x125xi32, #tpu.memory_space<vmem>> -> memref<125xi32, #tpu.memory_space<vmem>>
      %dma_start3A_22 = arith.constant 0 : i32
      %dma_start3A_23 = arith.constant 0 : i32
      %dma_start3A_24 = tpu.memref_slice %arg2[%dma_start3A_22, %dma_start3A_23] : memref<10000x128xf32, #tpu.memory_space<hbm>> -> memref<10000x128xf32, #tpu.memory_space<hbm>>
      tpu.enqueue_indirect_dma source(%dma_start3A_24 : memref<10000x128xf32, #tpu.memory_space<hbm>>) target(%arg10 : memref<125x128xf32, #tpu.memory_space<vmem>>) offsets(%dma_start3A_21 : memref<125xi32, #tpu.memory_space<vmem>>) semaphore(%arg12 : memref<!tpu.dma_semaphore, #tpu.memory_space<semaphore_mem>>)
      %dma_wait3A = arith.constant 0 : i32
      %dma_wait3A_25 = tpu.memref_slice %arg8[%add3A_19, %dma_wait3A] : memref<80x125xi32, #tpu.memory_space<vmem>> -> memref<1x125xi32, #tpu.memory_space<vmem>>
      %dma_wait3A_26 = tpu.memref_squeeze %dma_wait3A_25 : memref<1x125xi32, #tpu.memory_space<vmem>> -> memref<125xi32, #tpu.memory_space<vmem>>
      %dma_wait3A_27 = arith.constant 0 : i32
      %dma_wait3A_28 = arith.constant 0 : i32
      %dma_wait3A_29 = tpu.memref_slice %arg2[%dma_wait3A_27, %dma_wait3A_28] : memref<10000x128xf32, #tpu.memory_space<hbm>> -> memref<10000x128xf32, #tpu.memory_space<hbm>>
      tpu.wait_indirect_dma semaphore(%arg12 : memref<!tpu.dma_semaphore, #tpu.memory_space<semaphore_mem>>) src(%dma_wait3A_29 : memref<10000x128xf32, #tpu.memory_space<hbm>>) dst(%arg10 : memref<125x128xf32, #tpu.memory_space<vmem>>)
      "tpu.region"() ({
        %run_scoped3A = tpu.sem_alloc : memref<!tpu.dma_semaphore, #tpu.memory_space<semaphore_mem>>
        %dma_start3A_30 = arith.constant 0 : i32
        %dma_start3A_31 = tpu.memref_slice %arg9[%add3A_19, %dma_start3A_30] : memref<80x125xi32, #tpu.memory_space<vmem>> -> memref<1x125xi32, #tpu.memory_space<vmem>>
        %dma_start3A_32 = tpu.memref_squeeze %dma_start3A_31 : memref<1x125xi32, #tpu.memory_space<vmem>> -> memref<125xi32, #tpu.memory_space<vmem>>
        %dma_start3A_33 = arith.constant 0 : i32
        %dma_start3A_34 = arith.constant 0 : i32
        %dma_start3A_35 = tpu.memref_slice %arg11[%dma_start3A_33, %dma_start3A_34] : memref<10240x128xf32, #tpu.memory_space<vmem_shared>> -> memref<10240x128xf32, #tpu.memory_space<vmem_shared>>
        tpu.enqueue_indirect_dma source(%arg10 : memref<125x128xf32, #tpu.memory_space<vmem>>) target(%dma_start3A_35 : memref<10240x128xf32, #tpu.memory_space<vmem_shared>>) offsets(%dma_start3A_32 : memref<125xi32, #tpu.memory_space<vmem>>) semaphore(%run_scoped3A : memref<!tpu.dma_semaphore, #tpu.memory_space<semaphore_mem>>) {add = true}
        %dma_wait3A_36 = arith.constant 0 : i32
        %dma_wait3A_37 = tpu.memref_slice %arg9[%add3A_19, %dma_wait3A_36] : memref<80x125xi32, #tpu.memory_space<vmem>> -> memref<1x125xi32, #tpu.memory_space<vmem>>
        %dma_wait3A_38 = tpu.memref_squeeze %dma_wait3A_37 : memref<1x125xi32, #tpu.memory_space<vmem>> -> memref<125xi32, #tpu.memory_space<vmem>>
        %dma_wait3A_39 = arith.constant 0 : i32
        %dma_wait3A_40 = arith.constant 0 : i32
        %dma_wait3A_41 = tpu.memref_slice %arg11[%dma_wait3A_39, %dma_wait3A_40] : memref<10240x128xf32, #tpu.memory_space<vmem_shared>> -> memref<10240x128xf32, #tpu.memory_space<vmem_shared>>
        tpu.wait_indirect_dma semaphore(%run_scoped3A : memref<!tpu.dma_semaphore, #tpu.memory_space<semaphore_mem>>) src(%arg10 : memref<125x128xf32, #tpu.memory_space<vmem>>) dst(%dma_wait3A_41 : memref<10240x128xf32, #tpu.memory_space<vmem_shared>>)
        tpu.yield
      }) : () -> ()
    }
    %scan3A_6 = arith.constant 80 : i32
    %barrier3A_7 = arith.constant 0 : index
    tpu.barrier barrier_id(%barrier3A_7)
    %eq3A = arith.constant 0 : i32
    %eq3A_8 = arith.cmpi eq, %arg0, %eq3A : i32
    %convert_element_type3A = arith.extui %eq3A_8 : i1 to i32
    %cond3A = arith.constant 0 : i32
    %cond3A_9 = arith.cmpi ne, %convert_element_type3A, %cond3A : i32
    scf.if %cond3A_9 {
      %mul3A_15 = arith.constant 640 : i32
      %mul3A_16 = arith.muli %arg1, %mul3A_15 : i32
      %mul3A_17 = arith.constant 640 : i32
      %mul3A_18 = arith.muli %arg1, %mul3A_17 : i32
      "tpu.region"() ({
        %run_scoped3A = tpu.sem_alloc : memref<!tpu.dma_semaphore, #tpu.memory_space<semaphore_mem>>
        %dma_start3A = arith.constant 0 : i32
        %dma_start3A_19 = tpu.memref_slice %arg6[%mul3A_18, %dma_start3A] : memref<10240x128xf32, #tpu.memory_space<hbm>> -> memref<640x128xf32, #tpu.memory_space<hbm>>
        %dma_start3A_20 = arith.constant 0 : i32
        %dma_start3A_21 = tpu.memref_slice %arg11[%mul3A_16, %dma_start3A_20] : memref<10240x128xf32, #tpu.memory_space<vmem_shared>> -> memref<640x128xf32, #tpu.memory_space<vmem_shared>>
        tpu.enqueue_dma source(%dma_start3A_21 : memref<640x128xf32, #tpu.memory_space<vmem_shared>>) target(%dma_start3A_19 : memref<640x128xf32, #tpu.memory_space<hbm>>) target_semaphore(%run_scoped3A : memref<!tpu.dma_semaphore, #tpu.memory_space<semaphore_mem>>)
        %dma_wait3A = arith.constant 0 : i32
        %dma_wait3A_22 = tpu.memref_slice %arg6[%mul3A_18, %dma_wait3A] : memref<10240x128xf32, #tpu.memory_space<hbm>> -> memref<640x128xf32, #tpu.memory_space<hbm>>
        %dma_wait3A_23 = arith.constant 0 : i32
        %dma_wait3A_24 = tpu.memref_slice %arg11[%mul3A_16, %dma_wait3A_23] : memref<10240x128xf32, #tpu.memory_space<vmem_shared>> -> memref<640x128xf32, #tpu.memory_space<vmem_shared>>
        tpu.wait_dma2 semaphore(%run_scoped3A : memref<!tpu.dma_semaphore, #tpu.memory_space<semaphore_mem>>) src(%dma_wait3A_24 : memref<640x128xf32, #tpu.memory_space<vmem_shared>>) dst(%dma_wait3A_22 : memref<640x128xf32, #tpu.memory_space<hbm>>)
        tpu.yield
      }) : () -> ()
    } else {
    }
    %eq3A_10 = arith.constant 1 : i32
    %eq3A_11 = arith.cmpi eq, %arg0, %eq3A_10 : i32
    %convert_element_type3A_12 = arith.extui %eq3A_11 : i1 to i32
    %cond3A_13 = arith.constant 0 : i32
    %cond3A_14 = arith.cmpi ne, %convert_element_type3A_12, %cond3A_13 : i32
    scf.if %cond3A_14 {
      %mul3A_15 = arith.constant 640 : i32
      %mul3A_16 = arith.muli %arg1, %mul3A_15 : i32
      %mul3A_17 = arith.constant 640 : i32
      %mul3A_18 = arith.muli %arg1, %mul3A_17 : i32
      "tpu.region"() ({
        %run_scoped3A = tpu.sem_alloc : memref<!tpu.dma_semaphore, #tpu.memory_space<semaphore_mem>>
        %dma_start3A = arith.constant 0 : i32
        %dma_start3A_19 = tpu.memref_slice %arg7[%mul3A_18, %dma_start3A] : memref<10240x128xf32, #tpu.memory_space<hbm>> -> memref<640x128xf32, #tpu.memory_space<hbm>>
        %dma_start3A_20 = arith.constant 0 : i32
        %dma_start3A_21 = tpu.memref_slice %arg11[%mul3A_16, %dma_start3A_20] : memref<10240x128xf32, #tpu.memory_space<vmem_shared>> -> memref<640x128xf32, #tpu.memory_space<vmem_shared>>
        tpu.enqueue_dma source(%dma_start3A_21 : memref<640x128xf32, #tpu.memory_space<vmem_shared>>) target(%dma_start3A_19 : memref<640x128xf32, #tpu.memory_space<hbm>>) target_semaphore(%run_scoped3A : memref<!tpu.dma_semaphore, #tpu.memory_space<semaphore_mem>>)
        %dma_wait3A = arith.constant 0 : i32
        %dma_wait3A_22 = tpu.memref_slice %arg7[%mul3A_18, %dma_wait3A] : memref<10240x128xf32, #tpu.memory_space<hbm>> -> memref<640x128xf32, #tpu.memory_space<hbm>>
        %dma_wait3A_23 = arith.constant 0 : i32
        %dma_wait3A_24 = tpu.memref_slice %arg11[%mul3A_16, %dma_wait3A_23] : memref<10240x128xf32, #tpu.memory_space<vmem_shared>> -> memref<640x128xf32, #tpu.memory_space<vmem_shared>>
        tpu.wait_dma2 semaphore(%run_scoped3A : memref<!tpu.dma_semaphore, #tpu.memory_space<semaphore_mem>>) src(%dma_wait3A_24 : memref<640x128xf32, #tpu.memory_space<vmem_shared>>) dst(%dma_wait3A_22 : memref<640x128xf32, #tpu.memory_space<hbm>>)
        tpu.yield
      }) : () -> ()
    } else {
    }
    return
  }
}

#map = affine_map<(d0, d1) -> (0, 0)>
#map1 = affine_map<(d0, d1) -> (0, 0, 0)>
module attributes {stable_mosaic.version = 14 : i64} {
  func.func @_agg_kernel(%arg0: i32, %arg1: i32, %arg2: memref<10000x128xf32, #tpu.memory_space<hbm>>, %arg3: memref<32x80x125xi32, #tpu.memory_space<hbm>>, %arg4: memref<32x80x125xi32, #tpu.memory_space<hbm>>, %arg5: memref<640x128xf32, #tpu.memory_space<hbm>>, %arg6: memref<10240x128xf32, #tpu.memory_space<hbm>>, %arg7: memref<10240x128xf32, #tpu.memory_space<hbm>>, %arg8: memref<80x125xi32, #tpu.memory_space<vmem>>, %arg9: memref<80x125xi32, #tpu.memory_space<vmem>>, %arg10: memref<125x128xf32, #tpu.memory_space<vmem>>, %arg11: memref<10240x128xf32, #tpu.memory_space<vmem_shared>>, %arg12: memref<!tpu.dma_semaphore, #tpu.memory_space<semaphore_mem>>) attributes {dimension_semantics = [#tpu.dimension_semantics<core_parallel>, #tpu.dimension_semantics<subcore_parallel>], iteration_bounds = array<i64: 2, 16>, scalar_prefetch = 0 : i64, scratch_operands = 5 : i64, tpu.core_type = #tpu.core_type<sc_vector_subcore>, window_params = [{transform_indices = #map}, {transform_indices = #map1}, {transform_indices = #map1}, {transform_indices = #map}, {transform_indices = #map}, {transform_indices = #map}]} {
    %mul3A = arith.constant 16 : i32
    %mul3A_0 = arith.muli %arg0, %mul3A : i32
    %add3A = arith.addi %mul3A_0, %arg1 : i32
    %mul3A_1 = arith.constant 640 : i32
    %mul3A_2 = arith.muli %arg1, %mul3A_1 : i32
    "tpu.region"() ({
      %run_scoped3A = tpu.sem_alloc : memref<!tpu.dma_semaphore, #tpu.memory_space<semaphore_mem>>
      %dma_start3A = arith.constant 0 : i32
      %dma_start3A_15 = tpu.memref_slice %arg11[%mul3A_2, %dma_start3A] : memref<10240x128xf32, #tpu.memory_space<vmem_shared>> -> memref<640x128xf32, #tpu.memory_space<vmem_shared>>
      tpu.enqueue_dma source(%arg5 : memref<640x128xf32, #tpu.memory_space<hbm>>) target(%dma_start3A_15 : memref<640x128xf32, #tpu.memory_space<vmem_shared>>) target_semaphore(%run_scoped3A : memref<!tpu.dma_semaphore, #tpu.memory_space<semaphore_mem>>)
      %dma_wait3A = arith.constant 0 : i32
      %dma_wait3A_16 = tpu.memref_slice %arg11[%mul3A_2, %dma_wait3A] : memref<10240x128xf32, #tpu.memory_space<vmem_shared>> -> memref<640x128xf32, #tpu.memory_space<vmem_shared>>
      tpu.wait_dma2 semaphore(%run_scoped3A : memref<!tpu.dma_semaphore, #tpu.memory_space<semaphore_mem>>) src(%arg5 : memref<640x128xf32, #tpu.memory_space<hbm>>) dst(%dma_wait3A_16 : memref<640x128xf32, #tpu.memory_space<vmem_shared>>)
      tpu.yield
    }) : () -> ()
    "tpu.region"() ({
      %run_scoped3A = tpu.sem_alloc : memref<!tpu.dma_semaphore, #tpu.memory_space<semaphore_mem>>
      %dma_start3A = arith.constant 0 : i32
      %dma_start3A_15 = arith.constant 0 : i32
      %dma_start3A_16 = tpu.memref_slice %arg3[%add3A, %dma_start3A, %dma_start3A_15] : memref<32x80x125xi32, #tpu.memory_space<hbm>> -> memref<1x80x125xi32, #tpu.memory_space<hbm>>
      %dma_start3A_17 = tpu.memref_squeeze %dma_start3A_16 : memref<1x80x125xi32, #tpu.memory_space<hbm>> -> memref<80x125xi32, #tpu.memory_space<hbm>>
      %dma_start3A_18 = arith.constant 0 : i32
      %dma_start3A_19 = arith.constant 0 : i32
      %dma_start3A_20 = tpu.memref_slice %arg3[%add3A, %dma_start3A_18, %dma_start3A_19] : memref<32x80x125xi32, #tpu.memory_space<hbm>> -> memref<1x80x125xi32, #tpu.memory_space<hbm>>
      %dma_start3A_21 = tpu.memref_squeeze %dma_start3A_20 : memref<1x80x125xi32, #tpu.memory_space<hbm>> -> memref<80x125xi32, #tpu.memory_space<hbm>>
      tpu.enqueue_dma source(%dma_start3A_21 : memref<80x125xi32, #tpu.memory_space<hbm>>) target(%arg8 : memref<80x125xi32, #tpu.memory_space<vmem>>) target_semaphore(%run_scoped3A : memref<!tpu.dma_semaphore, #tpu.memory_space<semaphore_mem>>)
      %dma_wait3A = arith.constant 0 : i32
      %dma_wait3A_22 = arith.constant 0 : i32
      %dma_wait3A_23 = tpu.memref_slice %arg3[%add3A, %dma_wait3A, %dma_wait3A_22] : memref<32x80x125xi32, #tpu.memory_space<hbm>> -> memref<1x80x125xi32, #tpu.memory_space<hbm>>
      %dma_wait3A_24 = tpu.memref_squeeze %dma_wait3A_23 : memref<1x80x125xi32, #tpu.memory_space<hbm>> -> memref<80x125xi32, #tpu.memory_space<hbm>>
      %dma_wait3A_25 = arith.constant 0 : i32
      %dma_wait3A_26 = arith.constant 0 : i32
      %dma_wait3A_27 = tpu.memref_slice %arg3[%add3A, %dma_wait3A_25, %dma_wait3A_26] : memref<32x80x125xi32, #tpu.memory_space<hbm>> -> memref<1x80x125xi32, #tpu.memory_space<hbm>>
      %dma_wait3A_28 = tpu.memref_squeeze %dma_wait3A_27 : memref<1x80x125xi32, #tpu.memory_space<hbm>> -> memref<80x125xi32, #tpu.memory_space<hbm>>
      tpu.wait_dma2 semaphore(%run_scoped3A : memref<!tpu.dma_semaphore, #tpu.memory_space<semaphore_mem>>) src(%dma_wait3A_28 : memref<80x125xi32, #tpu.memory_space<hbm>>) dst(%arg8 : memref<80x125xi32, #tpu.memory_space<vmem>>)
      tpu.yield
    }) : () -> ()
    "tpu.region"() ({
      %run_scoped3A = tpu.sem_alloc : memref<!tpu.dma_semaphore, #tpu.memory_space<semaphore_mem>>
      %dma_start3A = arith.constant 0 : i32
      %dma_start3A_15 = arith.constant 0 : i32
      %dma_start3A_16 = tpu.memref_slice %arg4[%add3A, %dma_start3A, %dma_start3A_15] : memref<32x80x125xi32, #tpu.memory_space<hbm>> -> memref<1x80x125xi32, #tpu.memory_space<hbm>>
      %dma_start3A_17 = tpu.memref_squeeze %dma_start3A_16 : memref<1x80x125xi32, #tpu.memory_space<hbm>> -> memref<80x125xi32, #tpu.memory_space<hbm>>
      %dma_start3A_18 = arith.constant 0 : i32
      %dma_start3A_19 = arith.constant 0 : i32
      %dma_start3A_20 = tpu.memref_slice %arg4[%add3A, %dma_start3A_18, %dma_start3A_19] : memref<32x80x125xi32, #tpu.memory_space<hbm>> -> memref<1x80x125xi32, #tpu.memory_space<hbm>>
      %dma_start3A_21 = tpu.memref_squeeze %dma_start3A_20 : memref<1x80x125xi32, #tpu.memory_space<hbm>> -> memref<80x125xi32, #tpu.memory_space<hbm>>
      tpu.enqueue_dma source(%dma_start3A_21 : memref<80x125xi32, #tpu.memory_space<hbm>>) target(%arg9 : memref<80x125xi32, #tpu.memory_space<vmem>>) target_semaphore(%run_scoped3A : memref<!tpu.dma_semaphore, #tpu.memory_space<semaphore_mem>>)
      %dma_wait3A = arith.constant 0 : i32
      %dma_wait3A_22 = arith.constant 0 : i32
      %dma_wait3A_23 = tpu.memref_slice %arg4[%add3A, %dma_wait3A, %dma_wait3A_22] : memref<32x80x125xi32, #tpu.memory_space<hbm>> -> memref<1x80x125xi32, #tpu.memory_space<hbm>>
      %dma_wait3A_24 = tpu.memref_squeeze %dma_wait3A_23 : memref<1x80x125xi32, #tpu.memory_space<hbm>> -> memref<80x125xi32, #tpu.memory_space<hbm>>
      %dma_wait3A_25 = arith.constant 0 : i32
      %dma_wait3A_26 = arith.constant 0 : i32
      %dma_wait3A_27 = tpu.memref_slice %arg4[%add3A, %dma_wait3A_25, %dma_wait3A_26] : memref<32x80x125xi32, #tpu.memory_space<hbm>> -> memref<1x80x125xi32, #tpu.memory_space<hbm>>
      %dma_wait3A_28 = tpu.memref_squeeze %dma_wait3A_27 : memref<1x80x125xi32, #tpu.memory_space<hbm>> -> memref<80x125xi32, #tpu.memory_space<hbm>>
      tpu.wait_dma2 semaphore(%run_scoped3A : memref<!tpu.dma_semaphore, #tpu.memory_space<semaphore_mem>>) src(%dma_wait3A_28 : memref<80x125xi32, #tpu.memory_space<hbm>>) dst(%arg9 : memref<80x125xi32, #tpu.memory_space<vmem>>)
      tpu.yield
    }) : () -> ()
    %barrier3A = arith.constant 0 : index
    tpu.barrier barrier_id(%barrier3A)
    %scan3A = arith.constant 0 : i32
    %scan3A_3 = arith.constant 80 : i32
    %scan3A_4 = arith.addi %scan3A, %scan3A_3 : i32
    %scan3A_5 = arith.constant 1 : i32
    scf.for %scan3A_15 = %scan3A to %scan3A_4 step %scan3A_5  : i32 {
      %mul3A_16 = arith.constant 1 : i32
      %mul3A_17 = arith.muli %scan3A_15, %mul3A_16 : i32
      %add3A_18 = arith.constant 0 : i32
      %add3A_19 = arith.addi %add3A_18, %mul3A_17 : i32
      %dma_start3A = arith.constant 0 : i32
      %dma_start3A_20 = tpu.memref_slice %arg8[%add3A_19, %dma_start3A] : memref<80x125xi32, #tpu.memory_space<vmem>> -> memref<1x125xi32, #tpu.memory_space<vmem>>
      %dma_start3A_21 = tpu.memref_squeeze %dma_start3A_20 : memref<1x125xi32, #tpu.memory_space<vmem>> -> memref<125xi32, #tpu.memory_space<vmem>>
      %dma_start3A_22 = arith.constant 0 : i32
      %dma_start3A_23 = arith.constant 0 : i32
      %dma_start3A_24 = tpu.memref_slice %arg2[%dma_start3A_22, %dma_start3A_23] : memref<10000x128xf32, #tpu.memory_space<hbm>> -> memref<10000x128xf32, #tpu.memory_space<hbm>>
      tpu.enqueue_indirect_dma source(%dma_start3A_24 : memref<10000x128xf32, #tpu.memory_space<hbm>>) target(%arg10 : memref<125x128xf32, #tpu.memory_space<vmem>>) offsets(%dma_start3A_21 : memref<125xi32, #tpu.memory_space<vmem>>) semaphore(%arg12 : memref<!tpu.dma_semaphore, #tpu.memory_space<semaphore_mem>>)
      %dma_wait3A = arith.constant 0 : i32
      %dma_wait3A_25 = tpu.memref_slice %arg8[%add3A_19, %dma_wait3A] : memref<80x125xi32, #tpu.memory_space<vmem>> -> memref<1x125xi32, #tpu.memory_space<vmem>>
      %dma_wait3A_26 = tpu.memref_squeeze %dma_wait3A_25 : memref<1x125xi32, #tpu.memory_space<vmem>> -> memref<125xi32, #tpu.memory_space<vmem>>
      %dma_wait3A_27 = arith.constant 0 : i32
      %dma_wait3A_28 = arith.constant 0 : i32
      %dma_wait3A_29 = tpu.memref_slice %arg2[%dma_wait3A_27, %dma_wait3A_28] : memref<10000x128xf32, #tpu.memory_space<hbm>> -> memref<10000x128xf32, #tpu.memory_space<hbm>>
      tpu.wait_indirect_dma semaphore(%arg12 : memref<!tpu.dma_semaphore, #tpu.memory_space<semaphore_mem>>) src(%dma_wait3A_29 : memref<10000x128xf32, #tpu.memory_space<hbm>>) dst(%arg10 : memref<125x128xf32, #tpu.memory_space<vmem>>)
      "tpu.region"() ({
        %run_scoped3A = tpu.sem_alloc : memref<!tpu.dma_semaphore, #tpu.memory_space<semaphore_mem>>
        %dma_start3A_30 = arith.constant 0 : i32
        %dma_start3A_31 = tpu.memref_slice %arg9[%add3A_19, %dma_start3A_30] : memref<80x125xi32, #tpu.memory_space<vmem>> -> memref<1x125xi32, #tpu.memory_space<vmem>>
        %dma_start3A_32 = tpu.memref_squeeze %dma_start3A_31 : memref<1x125xi32, #tpu.memory_space<vmem>> -> memref<125xi32, #tpu.memory_space<vmem>>
        %dma_start3A_33 = arith.constant 0 : i32
        %dma_start3A_34 = arith.constant 0 : i32
        %dma_start3A_35 = tpu.memref_slice %arg11[%dma_start3A_33, %dma_start3A_34] : memref<10240x128xf32, #tpu.memory_space<vmem_shared>> -> memref<10240x128xf32, #tpu.memory_space<vmem_shared>>
        tpu.enqueue_indirect_dma source(%arg10 : memref<125x128xf32, #tpu.memory_space<vmem>>) target(%dma_start3A_35 : memref<10240x128xf32, #tpu.memory_space<vmem_shared>>) offsets(%dma_start3A_32 : memref<125xi32, #tpu.memory_space<vmem>>) semaphore(%run_scoped3A : memref<!tpu.dma_semaphore, #tpu.memory_space<semaphore_mem>>) {add = true}
        %dma_wait3A_36 = arith.constant 0 : i32
        %dma_wait3A_37 = tpu.memref_slice %arg9[%add3A_19, %dma_wait3A_36] : memref<80x125xi32, #tpu.memory_space<vmem>> -> memref<1x125xi32, #tpu.memory_space<vmem>>
        %dma_wait3A_38 = tpu.memref_squeeze %dma_wait3A_37 : memref<1x125xi32, #tpu.memory_space<vmem>> -> memref<125xi32, #tpu.memory_space<vmem>>
        %dma_wait3A_39 = arith.constant 0 : i32
        %dma_wait3A_40 = arith.constant 0 : i32
        %dma_wait3A_41 = tpu.memref_slice %arg11[%dma_wait3A_39, %dma_wait3A_40] : memref<10240x128xf32, #tpu.memory_space<vmem_shared>> -> memref<10240x128xf32, #tpu.memory_space<vmem_shared>>
        tpu.wait_indirect_dma semaphore(%run_scoped3A : memref<!tpu.dma_semaphore, #tpu.memory_space<semaphore_mem>>) src(%arg10 : memref<125x128xf32, #tpu.memory_space<vmem>>) dst(%dma_wait3A_41 : memref<10240x128xf32, #tpu.memory_space<vmem_shared>>)
        tpu.yield
      }) : () -> ()
    }
    %scan3A_6 = arith.constant 80 : i32
    %barrier3A_7 = arith.constant 0 : index
    tpu.barrier barrier_id(%barrier3A_7)
    %eq3A = arith.constant 0 : i32
    %eq3A_8 = arith.cmpi eq, %arg0, %eq3A : i32
    %convert_element_type3A = arith.extui %eq3A_8 : i1 to i32
    %cond3A = arith.constant 0 : i32
    %cond3A_9 = arith.cmpi ne, %convert_element_type3A, %cond3A : i32
    scf.if %cond3A_9 {
      %mul3A_15 = arith.constant 640 : i32
      %mul3A_16 = arith.muli %arg1, %mul3A_15 : i32
      %mul3A_17 = arith.constant 640 : i32
      %mul3A_18 = arith.muli %arg1, %mul3A_17 : i32
      "tpu.region"() ({
        %run_scoped3A = tpu.sem_alloc : memref<!tpu.dma_semaphore, #tpu.memory_space<semaphore_mem>>
        %dma_start3A = arith.constant 0 : i32
        %dma_start3A_19 = tpu.memref_slice %arg6[%mul3A_18, %dma_start3A] : memref<10240x128xf32, #tpu.memory_space<hbm>> -> memref<640x128xf32, #tpu.memory_space<hbm>>
        %dma_start3A_20 = arith.constant 0 : i32
        %dma_start3A_21 = tpu.memref_slice %arg11[%mul3A_16, %dma_start3A_20] : memref<10240x128xf32, #tpu.memory_space<vmem_shared>> -> memref<640x128xf32, #tpu.memory_space<vmem_shared>>
        tpu.enqueue_dma source(%dma_start3A_21 : memref<640x128xf32, #tpu.memory_space<vmem_shared>>) target(%dma_start3A_19 : memref<640x128xf32, #tpu.memory_space<hbm>>) target_semaphore(%run_scoped3A : memref<!tpu.dma_semaphore, #tpu.memory_space<semaphore_mem>>)
        %dma_wait3A = arith.constant 0 : i32
        %dma_wait3A_22 = tpu.memref_slice %arg6[%mul3A_18, %dma_wait3A] : memref<10240x128xf32, #tpu.memory_space<hbm>> -> memref<640x128xf32, #tpu.memory_space<hbm>>
        %dma_wait3A_23 = arith.constant 0 : i32
        %dma_wait3A_24 = tpu.memref_slice %arg11[%mul3A_16, %dma_wait3A_23] : memref<10240x128xf32, #tpu.memory_space<vmem_shared>> -> memref<640x128xf32, #tpu.memory_space<vmem_shared>>
        tpu.wait_dma2 semaphore(%run_scoped3A : memref<!tpu.dma_semaphore, #tpu.memory_space<semaphore_mem>>) src(%dma_wait3A_24 : memref<640x128xf32, #tpu.memory_space<vmem_shared>>) dst(%dma_wait3A_22 : memref<640x128xf32, #tpu.memory_space<hbm>>)
        tpu.yield
      }) : () -> ()
    } else {
    }
    %eq3A_10 = arith.constant 1 : i32
    %eq3A_11 = arith.cmpi eq, %arg0, %eq3A_10 : i32
    %convert_element_type3A_12 = arith.extui %eq3A_11 : i1 to i32
    %cond3A_13 = arith.constant 0 : i32
    %cond3A_14 = arith.cmpi ne, %convert_element_type3A_12, %cond3A_13 : i32
    scf.if %cond3A_14 {
      %mul3A_15 = arith.constant 640 : i32
      %mul3A_16 = arith.muli %arg1, %mul3A_15 : i32
      %mul3A_17 = arith.constant 640 : i32
      %mul3A_18 = arith.muli %arg1, %mul3A_17 : i32
      "tpu.region"() ({
        %run_scoped3A = tpu.sem_alloc : memref<!tpu.dma_semaphore, #tpu.memory_space<semaphore_mem>>
        %dma_start3A = arith.constant 0 : i32
        %dma_start3A_19 = tpu.memref_slice %arg7[%mul3A_18, %dma_start3A] : memref<10240x128xf32, #tpu.memory_space<hbm>> -> memref<640x128xf32, #tpu.memory_space<hbm>>
        %dma_start3A_20 = arith.constant 0 : i32
        %dma_start3A_21 = tpu.memref_slice %arg11[%mul3A_16, %dma_start3A_20] : memref<10240x128xf32, #tpu.memory_space<vmem_shared>> -> memref<640x128xf32, #tpu.memory_space<vmem_shared>>
        tpu.enqueue_dma source(%dma_start3A_21 : memref<640x128xf32, #tpu.memory_space<vmem_shared>>) target(%dma_start3A_19 : memref<640x128xf32, #tpu.memory_space<hbm>>) target_semaphore(%run_scoped3A : memref<!tpu.dma_semaphore, #tpu.memory_space<semaphore_mem>>)
        %dma_wait3A = arith.constant 0 : i32
        %dma_wait3A_22 = tpu.memref_slice %arg7[%mul3A_18, %dma_wait3A] : memref<10240x128xf32, #tpu.memory_space<hbm>> -> memref<640x128xf32, #tpu.memory_space<hbm>>
        %dma_wait3A_23 = arith.constant 0 : i32
        %dma_wait3A_24 = tpu.memref_slice %arg11[%mul3A_16, %dma_wait3A_23] : memref<10240x128xf32, #tpu.memory_space<vmem_shared>> -> memref<640x128xf32, #tpu.memory_space<vmem_shared>>
        tpu.wait_dma2 semaphore(%run_scoped3A : memref<!tpu.dma_semaphore, #tpu.memory_space<semaphore_mem>>) src(%dma_wait3A_24 : memref<640x128xf32, #tpu.memory_space<vmem_shared>>) dst(%dma_wait3A_22 : memref<640x128xf32, #tpu.memory_space<hbm>>)
        tpu.yield
      }) : () -> ()
    } else {
    }
    return
  }
}

module attributes {stable_mosaic.version = 14 : i64} {
  func.func @_prep_body(%arg0: i32, %arg1: memref<1000x2xf32, #tpu.memory_space<vmem>>, %arg2: memref<1000x128xf32, #tpu.memory_space<vmem>>, %arg3: memref<128x128xf32, #tpu.memory_space<vmem>>, %arg4: memref<1000x128xf32, #tpu.memory_space<vmem>>, %arg5: memref<1000x128xf32, #tpu.memory_space<vmem>>) attributes {dimension_semantics = [#tpu.dimension_semantics<arbitrary>], iteration_bounds = array<i64: 10>, scalar_prefetch = 0 : i64, scratch_operands = 0 : i64, tpu.core_type = #tpu.core_type<tc>, window_params = [{transform_indices = @transform_0, window_bounds = array<i64: 1000, 2>}, {transform_indices = @transform_1, window_bounds = array<i64: 1000, 128>}, {pipeline_mode = #tpu.pipeline_mode<synchronous>, transform_indices = @transform_2, window_bounds = array<i64: 128, 128>}, {transform_indices = @transform_3, window_bounds = array<i64: 1000, 128>}, {transform_indices = @transform_4, window_bounds = array<i64: 1000, 128>}]} {
    %get3A = arith.constant 0 : index
    %get3A_0 = arith.constant 0 : index
    %get3A_1 = vector.load %arg1[%get3A, %get3A_0] : memref<1000x2xf32, #tpu.memory_space<vmem>>, vector<1000x1xf32>
    %get3A_2 = vector.shape_cast %get3A_1 : vector<1000x1xf32> to vector<1000xf32>
    %get3A_3 = arith.constant 0 : index
    %get3A_4 = arith.constant 1 : index
    %get3A_5 = vector.load %arg1[%get3A_3, %get3A_4] : memref<1000x2xf32, #tpu.memory_space<vmem>>, vector<1000x1xf32>
    %get3A_6 = vector.shape_cast %get3A_5 : vector<1000x1xf32> to vector<1000xf32>
    %add3A = arith.addf %get3A_2, %get3A_6 : vector<1000xf32>
    %add3A_7 = arith.constant 1.000000e+00 : f32
    %add3A_8 = vector.broadcast %add3A_7 : f32 to vector<1000xf32>
    %add3A_9 = arith.addf %add3A, %add3A_8 : vector<1000xf32>
    %rsqrt3A = math.rsqrt %add3A_9 : vector<1000xf32>
    %broadcast_in_dim3A = vector.shape_cast %rsqrt3A : vector<1000xf32> to vector<1000x1xf32>
    %broadcast_in_dim3A_10 = vector.shape_cast %broadcast_in_dim3A : vector<1000x1xf32> to vector<1000x1xf32>
    %broadcast_in_dim3A_11 = vector.broadcast %broadcast_in_dim3A_10 : vector<1000x1xf32> to vector<1000x128xf32>
    %swap3A = arith.constant 0 : index
    %swap3A_12 = arith.constant 0 : index
    %swap3A_13 = vector.load %arg5[%swap3A, %swap3A_12] : memref<1000x128xf32, #tpu.memory_space<vmem>>, vector<1000x128xf32>
    tpu.vector_store %arg5[%swap3A, %swap3A_12], %broadcast_in_dim3A_11 {strides = array<i32>} : memref<1000x128xf32, #tpu.memory_space<vmem>>, vector<1000x128xf32>,
    %get3A_14 = arith.constant 0 : index
    %get3A_15 = arith.constant 0 : index
    %get3A_16 = vector.load %arg2[%get3A_14, %get3A_15] : memref<1000x128xf32, #tpu.memory_space<vmem>>, vector<1000x128xf32>
    %get3A_17 = arith.constant 0 : index
    %get3A_18 = arith.constant 0 : index
    %get3A_19 = vector.load %arg3[%get3A_17, %get3A_18] : memref<128x128xf32, #tpu.memory_space<vmem>>, vector<128x128xf32>
    %dot_general3A = arith.constant dense<0.000000e+00> : vector<1000x128xf32>
    %dot_general3A_20 = tpu.matmul %get3A_16, %get3A_19, %dot_general3A {dimension_numbers = #tpu.dot_dimension_numbers<[1], [0], [0], [1], [0, 0, 1, 1], [], []>, transpose_lhs_hint = false} : vector<1000x128xf32>, vector<128x128xf32>, vector<1000x128xf32> -> vector<1000x128xf32>
    %mul3A = vector.broadcast %broadcast_in_dim3A : vector<1000x1xf32> to vector<1000x128xf32>
    %mul3A_21 = arith.mulf %mul3A, %dot_general3A_20 : vector<1000x128xf32>
    %swap3A_22 = arith.constant 0 : index
    %swap3A_23 = arith.constant 0 : index
    %swap3A_24 = vector.load %arg4[%swap3A_22, %swap3A_23] : memref<1000x128xf32, #tpu.memory_space<vmem>>, vector<1000x128xf32>
    tpu.vector_store %arg4[%swap3A_22, %swap3A_23], %mul3A_21 {strides = array<i32>} : memref<1000x128xf32, #tpu.memory_space<vmem>>, vector<1000x128xf32>,
    return
  }
  func.func @transform_0(%arg0: i32) -> (i32, i32) {
    %c0_i32 = arith.constant 0 : i32
    %c0_i32_0 = arith.constant 0 : i32
    return %arg0, %c0_i32 : i32, i32
  }
  func.func @transform_1(%arg0: i32) -> (i32, i32) {
    %c0_i32 = arith.constant 0 : i32
    %c0_i32_0 = arith.constant 0 : i32
    return %arg0, %c0_i32 : i32, i32
  }
  func.func @transform_2(%arg0: i32) -> (i32, i32) {
    %c0_i32 = arith.constant 0 : i32
    %c0_i32_0 = arith.constant 0 : i32
    %c0_i32_1 = arith.constant 0 : i32
    return %c0_i32, %c0_i32_0 : i32, i32
  }
  func.func @transform_3(%arg0: i32) -> (i32, i32) {
    %c0_i32 = arith.constant 0 : i32
    %c0_i32_0 = arith.constant 0 : i32
    return %arg0, %c0_i32 : i32, i32
  }
  func.func @transform_4(%arg0: i32) -> (i32, i32) {
    %c0_i32 = arith.constant 0 : i32
    %c0_i32_0 = arith.constant 0 : i32
    return %arg0, %c0_i32 : i32, i32
  }
}

module attributes {stable_mosaic.version = 14 : i64} {
  func.func @_post_body(%arg0: i32, %arg1: memref<1000x128xf32, #tpu.memory_space<vmem>>, %arg2: memref<1000x128xf32, #tpu.memory_space<vmem>>, %arg3: memref<1000x128xf32, #tpu.memory_space<vmem>>, %arg4: memref<1000x128xf32, #tpu.memory_space<vmem>>, %arg5: memref<1000x128xf32, #tpu.memory_space<vmem>>, %arg6: memref<1x128xf32, #tpu.memory_space<vmem>>, %arg7: memref<1x128xf32, #tpu.memory_space<vmem>>, %arg8: memref<1x128xf32, #tpu.memory_space<vmem>>, %arg9: memref<128x128xf32, #tpu.memory_space<vmem>>, %arg10: memref<1000x128xf32, #tpu.memory_space<vmem>>, %arg11: memref<1000x128xf32, #tpu.memory_space<vmem>>) attributes {dimension_semantics = [#tpu.dimension_semantics<arbitrary>], iteration_bounds = array<i64: 10>, scalar_prefetch = 0 : i64, scratch_operands = 0 : i64, tpu.core_type = #tpu.core_type<tc>, window_params = [{transform_indices = @transform_0, window_bounds = array<i64: 1000, 128>}, {transform_indices = @transform_1, window_bounds = array<i64: 1000, 128>}, {transform_indices = @transform_2, window_bounds = array<i64: 1000, 128>}, {transform_indices = @transform_3, window_bounds = array<i64: 1000, 128>}, {transform_indices = @transform_4, window_bounds = array<i64: 1000, 128>}, {pipeline_mode = #tpu.pipeline_mode<synchronous>, transform_indices = @transform_5, window_bounds = array<i64: 1, 128>}, {pipeline_mode = #tpu.pipeline_mode<synchronous>, transform_indices = @transform_6, window_bounds = array<i64: 1, 128>}, {pipeline_mode = #tpu.pipeline_mode<synchronous>, transform_indices = @transform_7, window_bounds = array<i64: 1, 128>}, {pipeline_mode = #tpu.pipeline_mode<synchronous>, transform_indices = @transform_8, window_bounds = array<i64: 128, 128>}, {transform_indices = @transform_9, window_bounds = array<i64: 1000, 128>}, {transform_indices = @transform_10, window_bounds = array<i64: 1000, 128>}]} {
    %get3A = arith.constant 0 : index
    %get3A_0 = arith.constant 0 : index
    %get3A_1 = vector.load %arg5[%get3A, %get3A_0] : memref<1000x128xf32, #tpu.memory_space<vmem>>, vector<1000x128xf32>
    %get3A_2 = arith.constant 0 : index
    %get3A_3 = arith.constant 0 : index
    %get3A_4 = vector.load %arg1[%get3A_2, %get3A_3] : memref<1000x128xf32, #tpu.memory_space<vmem>>, vector<1000x128xf32>
    %get3A_5 = arith.constant 0 : index
    %get3A_6 = arith.constant 0 : index
    %get3A_7 = vector.load %arg2[%get3A_5, %get3A_6] : memref<1000x128xf32, #tpu.memory_space<vmem>>, vector<1000x128xf32>
    %add3A = arith.addf %get3A_4, %get3A_7 : vector<1000x128xf32>
    %get3A_8 = arith.constant 0 : index
    %get3A_9 = arith.constant 0 : index
    %get3A_10 = vector.load %arg3[%get3A_8, %get3A_9] : memref<1000x128xf32, #tpu.memory_space<vmem>>, vector<1000x128xf32>
    %add3A_11 = arith.addf %add3A, %get3A_10 : vector<1000x128xf32>
    %mul3A = arith.mulf %get3A_1, %add3A_11 : vector<1000x128xf32>
    %get3A_12 = arith.constant 0 : index
    %get3A_13 = arith.constant 0 : index
    %get3A_14 = vector.load %arg6[%get3A_12, %get3A_13] : memref<1x128xf32, #tpu.memory_space<vmem>>, vector<1x128xf32>
    %add3A_15 = vector.broadcast %get3A_14 : vector<1x128xf32> to vector<1000x128xf32>
    %add3A_16 = arith.addf %mul3A, %add3A_15 : vector<1000x128xf32>
    %ne3A = arith.cmpf one, %add3A_16, %add3A_16 : vector<1000x128xf32>
    %jit3A = arith.constant 0.000000e+00 : f32
    %broadcast_in_dim3A = vector.broadcast %jit3A : f32 to vector<1000x128xf32>
    %select_n3A = arith.select %ne3A, %broadcast_in_dim3A, %add3A_16 : vector<1000x128xi1>, vector<1000x128xf32>
    %abs3A = math.absf %select_n3A : vector<1000x128xf32>
    %eq3A = arith.constant 0x7F800000 : f32
    %eq3A_17 = vector.broadcast %eq3A : f32 to vector<1000x128xf32>
    %eq3A_18 = arith.cmpf oeq, %abs3A, %eq3A_17 : vector<1000x128xf32>
    %gt3A = arith.constant 0.000000e+00 : f32
    %gt3A_19 = vector.broadcast %gt3A : f32 to vector<1000x128xf32>
    %gt3A_20 = arith.cmpf ogt, %select_n3A, %gt3A_19 : vector<1000x128xf32>
    %and3A = arith.andi %eq3A_18, %gt3A_20 : vector<1000x128xi1>
    %jit3A_21 = arith.constant 9.99999974E-6 : f32
    %broadcast_in_dim3A_22 = vector.broadcast %jit3A_21 : f32 to vector<1000x128xf32>
    %select_n3A_23 = arith.select %and3A, %broadcast_in_dim3A_22, %select_n3A : vector<1000x128xi1>, vector<1000x128xf32>
    %abs3A_24 = math.absf %select_n3A_23 : vector<1000x128xf32>
    %eq3A_25 = arith.constant 0x7F800000 : f32
    %eq3A_26 = vector.broadcast %eq3A_25 : f32 to vector<1000x128xf32>
    %eq3A_27 = arith.cmpf oeq, %abs3A_24, %eq3A_26 : vector<1000x128xf32>
    %lt3A = arith.constant 0.000000e+00 : f32
    %lt3A_28 = vector.broadcast %lt3A : f32 to vector<1000x128xf32>
    %lt3A_29 = arith.cmpf olt, %select_n3A_23, %lt3A_28 : vector<1000x128xf32>
    %and3A_30 = arith.andi %eq3A_27, %lt3A_29 : vector<1000x128xi1>
    %jit3A_31 = arith.constant -9.99999974E-6 : f32
    %broadcast_in_dim3A_32 = vector.broadcast %jit3A_31 : f32 to vector<1000x128xf32>
    %select_n3A_33 = arith.select %and3A_30, %broadcast_in_dim3A_32, %select_n3A_23 : vector<1000x128xi1>, vector<1000x128xf32>
    %reduce_sum3A = arith.constant dense<0.000000e+00> : vector<1000xf32>
    %reduce_sum3A_34 = vector.multi_reduction <add>, %select_n3A_33, %reduce_sum3A [1] : vector<1000x128xf32> to vector<1000xf32>
    %broadcast_in_dim3A_35 = vector.shape_cast %reduce_sum3A_34 : vector<1000xf32> to vector<1000x1xf32>
    %div3A = arith.constant 1.280000e+02 : f32
    %div3A_36 = vector.broadcast %div3A : f32 to vector<1000x1xf32>
    %div3A_37 = arith.divf %broadcast_in_dim3A_35, %div3A_36 : vector<1000x1xf32>
    %sub3A = vector.broadcast %div3A_37 : vector<1000x1xf32> to vector<1000x128xf32>
    %sub3A_38 = arith.subf %select_n3A_33, %sub3A : vector<1000x128xf32>
    %integer_pow3A = arith.mulf %sub3A_38, %sub3A_38 : vector<1000x128xf32>
    %reduce_sum3A_39 = arith.constant dense<0.000000e+00> : vector<1000xf32>
    %reduce_sum3A_40 = vector.multi_reduction <add>, %integer_pow3A, %reduce_sum3A_39 [1] : vector<1000x128xf32> to vector<1000xf32>
    %broadcast_in_dim3A_41 = vector.shape_cast %reduce_sum3A_40 : vector<1000xf32> to vector<1000x1xf32>
    %div3A_42 = arith.constant 1.280000e+02 : f32
    %div3A_43 = vector.broadcast %div3A_42 : f32 to vector<1000x1xf32>
    %div3A_44 = arith.divf %broadcast_in_dim3A_41, %div3A_43 : vector<1000x1xf32>
    %sub3A_45 = vector.broadcast %div3A_37 : vector<1000x1xf32> to vector<1000x128xf32>
    %sub3A_46 = arith.subf %select_n3A_33, %sub3A_45 : vector<1000x128xf32>
    %add3A_47 = arith.constant 9.99999974E-6 : f32
    %add3A_48 = vector.broadcast %add3A_47 : f32 to vector<1000x1xf32>
    %add3A_49 = arith.addf %div3A_44, %add3A_48 : vector<1000x1xf32>
    %sqrt3A = math.sqrt %add3A_49 : vector<1000x1xf32>
    %div3A_50 = vector.broadcast %sqrt3A : vector<1000x1xf32> to vector<1000x128xf32>
    %div3A_51 = arith.divf %sub3A_46, %div3A_50 : vector<1000x128xf32>
    %get3A_52 = arith.constant 0 : index
    %get3A_53 = arith.constant 0 : index
    %get3A_54 = vector.load %arg7[%get3A_52, %get3A_53] : memref<1x128xf32, #tpu.memory_space<vmem>>, vector<1x128xf32>
    %mul3A_55 = vector.broadcast %get3A_54 : vector<1x128xf32> to vector<1000x128xf32>
    %mul3A_56 = arith.mulf %div3A_51, %mul3A_55 : vector<1000x128xf32>
    %get3A_57 = arith.constant 0 : index
    %get3A_58 = arith.constant 0 : index
    %get3A_59 = vector.load %arg8[%get3A_57, %get3A_58] : memref<1x128xf32, #tpu.memory_space<vmem>>, vector<1x128xf32>
    %add3A_60 = vector.broadcast %get3A_59 : vector<1x128xf32> to vector<1000x128xf32>
    %add3A_61 = arith.addf %mul3A_56, %add3A_60 : vector<1000x128xf32>
    %max3A = arith.constant 0.000000e+00 : f32
    %max3A_62 = vector.broadcast %max3A : f32 to vector<1000x128xf32>
    %max3A_63 = arith.maximumf %add3A_61, %max3A_62 : vector<1000x128xf32>
    %swap3A = arith.constant 0 : index
    %swap3A_64 = arith.constant 0 : index
    %swap3A_65 = vector.load %arg10[%swap3A, %swap3A_64] : memref<1000x128xf32, #tpu.memory_space<vmem>>, vector<1000x128xf32>
    tpu.vector_store %arg10[%swap3A, %swap3A_64], %max3A_63 {strides = array<i32>} : memref<1000x128xf32, #tpu.memory_space<vmem>>, vector<1000x128xf32>,
    %get3A_66 = arith.constant 0 : index
    %get3A_67 = arith.constant 0 : index
    %get3A_68 = vector.load %arg9[%get3A_66, %get3A_67] : memref<128x128xf32, #tpu.memory_space<vmem>>, vector<128x128xf32>
    %dot_general3A = arith.constant dense<0.000000e+00> : vector<1000x128xf32>
    %dot_general3A_69 = tpu.matmul %max3A_63, %get3A_68, %dot_general3A {dimension_numbers = #tpu.dot_dimension_numbers<[1], [0], [0], [1], [0, 0, 1, 1], [], []>, transpose_lhs_hint = false} : vector<1000x128xf32>, vector<128x128xf32>, vector<1000x128xf32> -> vector<1000x128xf32>
    %mul3A_70 = arith.mulf %get3A_1, %dot_general3A_69 : vector<1000x128xf32>
    %swap3A_71 = arith.constant 0 : index
    %swap3A_72 = arith.constant 0 : index
    %swap3A_73 = vector.load %arg11[%swap3A_71, %swap3A_72] : memref<1000x128xf32, #tpu.memory_space<vmem>>, vector<1000x128xf32>
    tpu.vector_store %arg11[%swap3A_71, %swap3A_72], %mul3A_70 {strides = array<i32>} : memref<1000x128xf32, #tpu.memory_space<vmem>>, vector<1000x128xf32>,
    return
  }
  func.func @transform_0(%arg0: i32) -> (i32, i32) {
    %c0_i32 = arith.constant 0 : i32
    %c0_i32_0 = arith.constant 0 : i32
    return %arg0, %c0_i32 : i32, i32
  }
  func.func @transform_1(%arg0: i32) -> (i32, i32) {
    %c0_i32 = arith.constant 0 : i32
    %c0_i32_0 = arith.constant 0 : i32
    return %arg0, %c0_i32 : i32, i32
  }
  func.func @transform_2(%arg0: i32) -> (i32, i32) {
    %c0_i32 = arith.constant 0 : i32
    %c0_i32_0 = arith.constant 0 : i32
    return %arg0, %c0_i32 : i32, i32
  }
  func.func @transform_3(%arg0: i32) -> (i32, i32) {
    %c0_i32 = arith.constant 0 : i32
    %c0_i32_0 = arith.constant 0 : i32
    return %arg0, %c0_i32 : i32, i32
  }
  func.func @transform_4(%arg0: i32) -> (i32, i32) {
    %c0_i32 = arith.constant 0 : i32
    %c0_i32_0 = arith.constant 0 : i32
    return %arg0, %c0_i32 : i32, i32
  }
  func.func @transform_5(%arg0: i32) -> (i32, i32) {
    %c0_i32 = arith.constant 0 : i32
    %c0_i32_0 = arith.constant 0 : i32
    %c0_i32_1 = arith.constant 0 : i32
    return %c0_i32, %c0_i32_0 : i32, i32
  }
  func.func @transform_6(%arg0: i32) -> (i32, i32) {
    %c0_i32 = arith.constant 0 : i32
    %c0_i32_0 = arith.constant 0 : i32
    %c0_i32_1 = arith.constant 0 : i32
    return %c0_i32, %c0_i32_0 : i32, i32
  }
  func.func @transform_7(%arg0: i32) -> (i32, i32) {
    %c0_i32 = arith.constant 0 : i32
    %c0_i32_0 = arith.constant 0 : i32
    %c0_i32_1 = arith.constant 0 : i32
    return %c0_i32, %c0_i32_0 : i32, i32
  }
  func.func @transform_8(%arg0: i32) -> (i32, i32) {
    %c0_i32 = arith.constant 0 : i32
    %c0_i32_0 = arith.constant 0 : i32
    %c0_i32_1 = arith.constant 0 : i32
    return %c0_i32, %c0_i32_0 : i32, i32
  }
  func.func @transform_9(%arg0: i32) -> (i32, i32) {
    %c0_i32 = arith.constant 0 : i32
    %c0_i32_0 = arith.constant 0 : i32
    return %arg0, %c0_i32 : i32, i32
  }
  func.func @transform_10(%arg0: i32) -> (i32, i32) {
    %c0_i32 = arith.constant 0 : i32
    %c0_i32_0 = arith.constant 0 : i32
    return %arg0, %c0_i32 : i32, i32
  }
}

module attributes {stable_mosaic.version = 14 : i64} {
  func.func @_post_body(%arg0: i32, %arg1: memref<1000x128xf32, #tpu.memory_space<vmem>>, %arg2: memref<1000x128xf32, #tpu.memory_space<vmem>>, %arg3: memref<1000x128xf32, #tpu.memory_space<vmem>>, %arg4: memref<1000x128xf32, #tpu.memory_space<vmem>>, %arg5: memref<1000x128xf32, #tpu.memory_space<vmem>>, %arg6: memref<1x128xf32, #tpu.memory_space<vmem>>, %arg7: memref<1x128xf32, #tpu.memory_space<vmem>>, %arg8: memref<1x128xf32, #tpu.memory_space<vmem>>, %arg9: memref<128x128xf32, #tpu.memory_space<vmem>>, %arg10: memref<1000x128xf32, #tpu.memory_space<vmem>>, %arg11: memref<1000x128xf32, #tpu.memory_space<vmem>>) attributes {dimension_semantics = [#tpu.dimension_semantics<arbitrary>], iteration_bounds = array<i64: 10>, scalar_prefetch = 0 : i64, scratch_operands = 0 : i64, tpu.core_type = #tpu.core_type<tc>, window_params = [{transform_indices = @transform_0, window_bounds = array<i64: 1000, 128>}, {transform_indices = @transform_1, window_bounds = array<i64: 1000, 128>}, {transform_indices = @transform_2, window_bounds = array<i64: 1000, 128>}, {transform_indices = @transform_3, window_bounds = array<i64: 1000, 128>}, {transform_indices = @transform_4, window_bounds = array<i64: 1000, 128>}, {pipeline_mode = #tpu.pipeline_mode<synchronous>, transform_indices = @transform_5, window_bounds = array<i64: 1, 128>}, {pipeline_mode = #tpu.pipeline_mode<synchronous>, transform_indices = @transform_6, window_bounds = array<i64: 1, 128>}, {pipeline_mode = #tpu.pipeline_mode<synchronous>, transform_indices = @transform_7, window_bounds = array<i64: 1, 128>}, {pipeline_mode = #tpu.pipeline_mode<synchronous>, transform_indices = @transform_8, window_bounds = array<i64: 128, 128>}, {transform_indices = @transform_9, window_bounds = array<i64: 1000, 128>}, {transform_indices = @transform_10, window_bounds = array<i64: 1000, 128>}]} {
    %get3A = arith.constant 0 : index
    %get3A_0 = arith.constant 0 : index
    %get3A_1 = vector.load %arg5[%get3A, %get3A_0] : memref<1000x128xf32, #tpu.memory_space<vmem>>, vector<1000x128xf32>
    %get3A_2 = arith.constant 0 : index
    %get3A_3 = arith.constant 0 : index
    %get3A_4 = vector.load %arg1[%get3A_2, %get3A_3] : memref<1000x128xf32, #tpu.memory_space<vmem>>, vector<1000x128xf32>
    %get3A_5 = arith.constant 0 : index
    %get3A_6 = arith.constant 0 : index
    %get3A_7 = vector.load %arg2[%get3A_5, %get3A_6] : memref<1000x128xf32, #tpu.memory_space<vmem>>, vector<1000x128xf32>
    %add3A = arith.addf %get3A_4, %get3A_7 : vector<1000x128xf32>
    %get3A_8 = arith.constant 0 : index
    %get3A_9 = arith.constant 0 : index
    %get3A_10 = vector.load %arg3[%get3A_8, %get3A_9] : memref<1000x128xf32, #tpu.memory_space<vmem>>, vector<1000x128xf32>
    %add3A_11 = arith.addf %add3A, %get3A_10 : vector<1000x128xf32>
    %mul3A = arith.mulf %get3A_1, %add3A_11 : vector<1000x128xf32>
    %get3A_12 = arith.constant 0 : index
    %get3A_13 = arith.constant 0 : index
    %get3A_14 = vector.load %arg6[%get3A_12, %get3A_13] : memref<1x128xf32, #tpu.memory_space<vmem>>, vector<1x128xf32>
    %add3A_15 = vector.broadcast %get3A_14 : vector<1x128xf32> to vector<1000x128xf32>
    %add3A_16 = arith.addf %mul3A, %add3A_15 : vector<1000x128xf32>
    %ne3A = arith.cmpf one, %add3A_16, %add3A_16 : vector<1000x128xf32>
    %jit3A = arith.constant 0.000000e+00 : f32
    %broadcast_in_dim3A = vector.broadcast %jit3A : f32 to vector<1000x128xf32>
    %select_n3A = arith.select %ne3A, %broadcast_in_dim3A, %add3A_16 : vector<1000x128xi1>, vector<1000x128xf32>
    %abs3A = math.absf %select_n3A : vector<1000x128xf32>
    %eq3A = arith.constant 0x7F800000 : f32
    %eq3A_17 = vector.broadcast %eq3A : f32 to vector<1000x128xf32>
    %eq3A_18 = arith.cmpf oeq, %abs3A, %eq3A_17 : vector<1000x128xf32>
    %gt3A = arith.constant 0.000000e+00 : f32
    %gt3A_19 = vector.broadcast %gt3A : f32 to vector<1000x128xf32>
    %gt3A_20 = arith.cmpf ogt, %select_n3A, %gt3A_19 : vector<1000x128xf32>
    %and3A = arith.andi %eq3A_18, %gt3A_20 : vector<1000x128xi1>
    %jit3A_21 = arith.constant 9.99999974E-6 : f32
    %broadcast_in_dim3A_22 = vector.broadcast %jit3A_21 : f32 to vector<1000x128xf32>
    %select_n3A_23 = arith.select %and3A, %broadcast_in_dim3A_22, %select_n3A : vector<1000x128xi1>, vector<1000x128xf32>
    %abs3A_24 = math.absf %select_n3A_23 : vector<1000x128xf32>
    %eq3A_25 = arith.constant 0x7F800000 : f32
    %eq3A_26 = vector.broadcast %eq3A_25 : f32 to vector<1000x128xf32>
    %eq3A_27 = arith.cmpf oeq, %abs3A_24, %eq3A_26 : vector<1000x128xf32>
    %lt3A = arith.constant 0.000000e+00 : f32
    %lt3A_28 = vector.broadcast %lt3A : f32 to vector<1000x128xf32>
    %lt3A_29 = arith.cmpf olt, %select_n3A_23, %lt3A_28 : vector<1000x128xf32>
    %and3A_30 = arith.andi %eq3A_27, %lt3A_29 : vector<1000x128xi1>
    %jit3A_31 = arith.constant -9.99999974E-6 : f32
    %broadcast_in_dim3A_32 = vector.broadcast %jit3A_31 : f32 to vector<1000x128xf32>
    %select_n3A_33 = arith.select %and3A_30, %broadcast_in_dim3A_32, %select_n3A_23 : vector<1000x128xi1>, vector<1000x128xf32>
    %reduce_sum3A = arith.constant dense<0.000000e+00> : vector<1000xf32>
    %reduce_sum3A_34 = vector.multi_reduction <add>, %select_n3A_33, %reduce_sum3A [1] : vector<1000x128xf32> to vector<1000xf32>
    %broadcast_in_dim3A_35 = vector.shape_cast %reduce_sum3A_34 : vector<1000xf32> to vector<1000x1xf32>
    %div3A = arith.constant 1.280000e+02 : f32
    %div3A_36 = vector.broadcast %div3A : f32 to vector<1000x1xf32>
    %div3A_37 = arith.divf %broadcast_in_dim3A_35, %div3A_36 : vector<1000x1xf32>
    %sub3A = vector.broadcast %div3A_37 : vector<1000x1xf32> to vector<1000x128xf32>
    %sub3A_38 = arith.subf %select_n3A_33, %sub3A : vector<1000x128xf32>
    %integer_pow3A = arith.mulf %sub3A_38, %sub3A_38 : vector<1000x128xf32>
    %reduce_sum3A_39 = arith.constant dense<0.000000e+00> : vector<1000xf32>
    %reduce_sum3A_40 = vector.multi_reduction <add>, %integer_pow3A, %reduce_sum3A_39 [1] : vector<1000x128xf32> to vector<1000xf32>
    %broadcast_in_dim3A_41 = vector.shape_cast %reduce_sum3A_40 : vector<1000xf32> to vector<1000x1xf32>
    %div3A_42 = arith.constant 1.280000e+02 : f32
    %div3A_43 = vector.broadcast %div3A_42 : f32 to vector<1000x1xf32>
    %div3A_44 = arith.divf %broadcast_in_dim3A_41, %div3A_43 : vector<1000x1xf32>
    %sub3A_45 = vector.broadcast %div3A_37 : vector<1000x1xf32> to vector<1000x128xf32>
    %sub3A_46 = arith.subf %select_n3A_33, %sub3A_45 : vector<1000x128xf32>
    %add3A_47 = arith.constant 9.99999974E-6 : f32
    %add3A_48 = vector.broadcast %add3A_47 : f32 to vector<1000x1xf32>
    %add3A_49 = arith.addf %div3A_44, %add3A_48 : vector<1000x1xf32>
    %sqrt3A = math.sqrt %add3A_49 : vector<1000x1xf32>
    %div3A_50 = vector.broadcast %sqrt3A : vector<1000x1xf32> to vector<1000x128xf32>
    %div3A_51 = arith.divf %sub3A_46, %div3A_50 : vector<1000x128xf32>
    %get3A_52 = arith.constant 0 : index
    %get3A_53 = arith.constant 0 : index
    %get3A_54 = vector.load %arg7[%get3A_52, %get3A_53] : memref<1x128xf32, #tpu.memory_space<vmem>>, vector<1x128xf32>
    %mul3A_55 = vector.broadcast %get3A_54 : vector<1x128xf32> to vector<1000x128xf32>
    %mul3A_56 = arith.mulf %div3A_51, %mul3A_55 : vector<1000x128xf32>
    %get3A_57 = arith.constant 0 : index
    %get3A_58 = arith.constant 0 : index
    %get3A_59 = vector.load %arg8[%get3A_57, %get3A_58] : memref<1x128xf32, #tpu.memory_space<vmem>>, vector<1x128xf32>
    %add3A_60 = vector.broadcast %get3A_59 : vector<1x128xf32> to vector<1000x128xf32>
    %add3A_61 = arith.addf %mul3A_56, %add3A_60 : vector<1000x128xf32>
    %get3A_62 = arith.constant 0 : index
    %get3A_63 = arith.constant 0 : index
    %get3A_64 = vector.load %arg4[%get3A_62, %get3A_63] : memref<1000x128xf32, #tpu.memory_space<vmem>>, vector<1000x128xf32>
    %add3A_65 = arith.addf %add3A_61, %get3A_64 : vector<1000x128xf32>
    %max3A = arith.constant 0.000000e+00 : f32
    %max3A_66 = vector.broadcast %max3A : f32 to vector<1000x128xf32>
    %max3A_67 = arith.maximumf %add3A_65, %max3A_66 : vector<1000x128xf32>
    %swap3A = arith.constant 0 : index
    %swap3A_68 = arith.constant 0 : index
    %swap3A_69 = vector.load %arg10[%swap3A, %swap3A_68] : memref<1000x128xf32, #tpu.memory_space<vmem>>, vector<1000x128xf32>
    tpu.vector_store %arg10[%swap3A, %swap3A_68], %max3A_67 {strides = array<i32>} : memref<1000x128xf32, #tpu.memory_space<vmem>>, vector<1000x128xf32>,
    %get3A_70 = arith.constant 0 : index
    %get3A_71 = arith.constant 0 : index
    %get3A_72 = vector.load %arg9[%get3A_70, %get3A_71] : memref<128x128xf32, #tpu.memory_space<vmem>>, vector<128x128xf32>
    %dot_general3A = arith.constant dense<0.000000e+00> : vector<1000x128xf32>
    %dot_general3A_73 = tpu.matmul %max3A_67, %get3A_72, %dot_general3A {dimension_numbers = #tpu.dot_dimension_numbers<[1], [0], [0], [1], [0, 0, 1, 1], [], []>, transpose_lhs_hint = false} : vector<1000x128xf32>, vector<128x128xf32>, vector<1000x128xf32> -> vector<1000x128xf32>
    %mul3A_74 = arith.mulf %get3A_1, %dot_general3A_73 : vector<1000x128xf32>
    %swap3A_75 = arith.constant 0 : index
    %swap3A_76 = arith.constant 0 : index
    %swap3A_77 = vector.load %arg11[%swap3A_75, %swap3A_76] : memref<1000x128xf32, #tpu.memory_space<vmem>>, vector<1000x128xf32>
    tpu.vector_store %arg11[%swap3A_75, %swap3A_76], %mul3A_74 {strides = array<i32>} : memref<1000x128xf32, #tpu.memory_space<vmem>>, vector<1000x128xf32>,
    return
  }
  func.func @transform_0(%arg0: i32) -> (i32, i32) {
    %c0_i32 = arith.constant 0 : i32
    %c0_i32_0 = arith.constant 0 : i32
    return %arg0, %c0_i32 : i32, i32
  }
  func.func @transform_1(%arg0: i32) -> (i32, i32) {
    %c0_i32 = arith.constant 0 : i32
    %c0_i32_0 = arith.constant 0 : i32
    return %arg0, %c0_i32 : i32, i32
  }
  func.func @transform_2(%arg0: i32) -> (i32, i32) {
    %c0_i32 = arith.constant 0 : i32
    %c0_i32_0 = arith.constant 0 : i32
    return %arg0, %c0_i32 : i32, i32
  }
  func.func @transform_3(%arg0: i32) -> (i32, i32) {
    %c0_i32 = arith.constant 0 : i32
    %c0_i32_0 = arith.constant 0 : i32
    return %arg0, %c0_i32 : i32, i32
  }
  func.func @transform_4(%arg0: i32) -> (i32, i32) {
    %c0_i32 = arith.constant 0 : i32
    %c0_i32_0 = arith.constant 0 : i32
    return %arg0, %c0_i32 : i32, i32
  }
  func.func @transform_5(%arg0: i32) -> (i32, i32) {
    %c0_i32 = arith.constant 0 : i32
    %c0_i32_0 = arith.constant 0 : i32
    %c0_i32_1 = arith.constant 0 : i32
    return %c0_i32, %c0_i32_0 : i32, i32
  }
  func.func @transform_6(%arg0: i32) -> (i32, i32) {
    %c0_i32 = arith.constant 0 : i32
    %c0_i32_0 = arith.constant 0 : i32
    %c0_i32_1 = arith.constant 0 : i32
    return %c0_i32, %c0_i32_0 : i32, i32
  }
  func.func @transform_7(%arg0: i32) -> (i32, i32) {
    %c0_i32 = arith.constant 0 : i32
    %c0_i32_0 = arith.constant 0 : i32
    %c0_i32_1 = arith.constant 0 : i32
    return %c0_i32, %c0_i32_0 : i32, i32
  }
  func.func @transform_8(%arg0: i32) -> (i32, i32) {
    %c0_i32 = arith.constant 0 : i32
    %c0_i32_0 = arith.constant 0 : i32
    %c0_i32_1 = arith.constant 0 : i32
    return %c0_i32, %c0_i32_0 : i32, i32
  }
  func.func @transform_9(%arg0: i32) -> (i32, i32) {
    %c0_i32 = arith.constant 0 : i32
    %c0_i32_0 = arith.constant 0 : i32
    return %arg0, %c0_i32 : i32, i32
  }
  func.func @transform_10(%arg0: i32) -> (i32, i32) {
    %c0_i32 = arith.constant 0 : i32
    %c0_i32_0 = arith.constant 0 : i32
    return %arg0, %c0_i32 : i32, i32
  }
}

module attributes {stable_mosaic.version = 14 : i64} {
  func.func @body(%arg0: i32, %arg1: memref<1000x128xf32, #tpu.memory_space<vmem>>, %arg2: memref<1000x128xf32, #tpu.memory_space<vmem>>, %arg3: memref<1000x128xf32, #tpu.memory_space<vmem>>, %arg4: memref<1000x128xf32, #tpu.memory_space<vmem>>, %arg5: memref<1000x128xf32, #tpu.memory_space<vmem>>, %arg6: memref<1x128xf32, #tpu.memory_space<vmem>>, %arg7: memref<1x128xf32, #tpu.memory_space<vmem>>, %arg8: memref<1x128xf32, #tpu.memory_space<vmem>>, %arg9: memref<128x128xf32, #tpu.memory_space<vmem>>, %arg10: memref<1000x128xf32, #tpu.memory_space<vmem>>) attributes {dimension_semantics = [#tpu.dimension_semantics<arbitrary>], iteration_bounds = array<i64: 10>, scalar_prefetch = 0 : i64, scratch_operands = 0 : i64, tpu.core_type = #tpu.core_type<tc>, window_params = [{transform_indices = @transform_0, window_bounds = array<i64: 1000, 128>}, {transform_indices = @transform_1, window_bounds = array<i64: 1000, 128>}, {transform_indices = @transform_2, window_bounds = array<i64: 1000, 128>}, {transform_indices = @transform_3, window_bounds = array<i64: 1000, 128>}, {transform_indices = @transform_4, window_bounds = array<i64: 1000, 128>}, {pipeline_mode = #tpu.pipeline_mode<synchronous>, transform_indices = @transform_5, window_bounds = array<i64: 1, 128>}, {pipeline_mode = #tpu.pipeline_mode<synchronous>, transform_indices = @transform_6, window_bounds = array<i64: 1, 128>}, {pipeline_mode = #tpu.pipeline_mode<synchronous>, transform_indices = @transform_7, window_bounds = array<i64: 1, 128>}, {pipeline_mode = #tpu.pipeline_mode<synchronous>, transform_indices = @transform_8, window_bounds = array<i64: 128, 128>}, {transform_indices = @transform_9, window_bounds = array<i64: 1000, 128>}]} {
    %get3A = arith.constant 0 : index
    %get3A_0 = arith.constant 0 : index
    %get3A_1 = vector.load %arg5[%get3A, %get3A_0] : memref<1000x128xf32, #tpu.memory_space<vmem>>, vector<1000x128xf32>
    %get3A_2 = arith.constant 0 : index
    %get3A_3 = arith.constant 0 : index
    %get3A_4 = vector.load %arg1[%get3A_2, %get3A_3] : memref<1000x128xf32, #tpu.memory_space<vmem>>, vector<1000x128xf32>
    %get3A_5 = arith.constant 0 : index
    %get3A_6 = arith.constant 0 : index
    %get3A_7 = vector.load %arg2[%get3A_5, %get3A_6] : memref<1000x128xf32, #tpu.memory_space<vmem>>, vector<1000x128xf32>
    %add3A = arith.addf %get3A_4, %get3A_7 : vector<1000x128xf32>
    %get3A_8 = arith.constant 0 : index
    %get3A_9 = arith.constant 0 : index
    %get3A_10 = vector.load %arg3[%get3A_8, %get3A_9] : memref<1000x128xf32, #tpu.memory_space<vmem>>, vector<1000x128xf32>
    %add3A_11 = arith.addf %add3A, %get3A_10 : vector<1000x128xf32>
    %mul3A = arith.mulf %get3A_1, %add3A_11 : vector<1000x128xf32>
    %get3A_12 = arith.constant 0 : index
    %get3A_13 = arith.constant 0 : index
    %get3A_14 = vector.load %arg6[%get3A_12, %get3A_13] : memref<1x128xf32, #tpu.memory_space<vmem>>, vector<1x128xf32>
    %add3A_15 = vector.broadcast %get3A_14 : vector<1x128xf32> to vector<1000x128xf32>
    %add3A_16 = arith.addf %mul3A, %add3A_15 : vector<1000x128xf32>
    %ne3A = arith.cmpf one, %add3A_16, %add3A_16 : vector<1000x128xf32>
    %jit3A = arith.constant 0.000000e+00 : f32
    %broadcast_in_dim3A = vector.broadcast %jit3A : f32 to vector<1000x128xf32>
    %select_n3A = arith.select %ne3A, %broadcast_in_dim3A, %add3A_16 : vector<1000x128xi1>, vector<1000x128xf32>
    %abs3A = math.absf %select_n3A : vector<1000x128xf32>
    %eq3A = arith.constant 0x7F800000 : f32
    %eq3A_17 = vector.broadcast %eq3A : f32 to vector<1000x128xf32>
    %eq3A_18 = arith.cmpf oeq, %abs3A, %eq3A_17 : vector<1000x128xf32>
    %gt3A = arith.constant 0.000000e+00 : f32
    %gt3A_19 = vector.broadcast %gt3A : f32 to vector<1000x128xf32>
    %gt3A_20 = arith.cmpf ogt, %select_n3A, %gt3A_19 : vector<1000x128xf32>
    %and3A = arith.andi %eq3A_18, %gt3A_20 : vector<1000x128xi1>
    %jit3A_21 = arith.constant 9.99999974E-6 : f32
    %broadcast_in_dim3A_22 = vector.broadcast %jit3A_21 : f32 to vector<1000x128xf32>
    %select_n3A_23 = arith.select %and3A, %broadcast_in_dim3A_22, %select_n3A : vector<1000x128xi1>, vector<1000x128xf32>
    %abs3A_24 = math.absf %select_n3A_23 : vector<1000x128xf32>
    %eq3A_25 = arith.constant 0x7F800000 : f32
    %eq3A_26 = vector.broadcast %eq3A_25 : f32 to vector<1000x128xf32>
    %eq3A_27 = arith.cmpf oeq, %abs3A_24, %eq3A_26 : vector<1000x128xf32>
    %lt3A = arith.constant 0.000000e+00 : f32
    %lt3A_28 = vector.broadcast %lt3A : f32 to vector<1000x128xf32>
    %lt3A_29 = arith.cmpf olt, %select_n3A_23, %lt3A_28 : vector<1000x128xf32>
    %and3A_30 = arith.andi %eq3A_27, %lt3A_29 : vector<1000x128xi1>
    %jit3A_31 = arith.constant -9.99999974E-6 : f32
    %broadcast_in_dim3A_32 = vector.broadcast %jit3A_31 : f32 to vector<1000x128xf32>
    %select_n3A_33 = arith.select %and3A_30, %broadcast_in_dim3A_32, %select_n3A_23 : vector<1000x128xi1>, vector<1000x128xf32>
    %reduce_sum3A = arith.constant dense<0.000000e+00> : vector<1000xf32>
    %reduce_sum3A_34 = vector.multi_reduction <add>, %select_n3A_33, %reduce_sum3A [1] : vector<1000x128xf32> to vector<1000xf32>
    %broadcast_in_dim3A_35 = vector.shape_cast %reduce_sum3A_34 : vector<1000xf32> to vector<1000x1xf32>
    %div3A = arith.constant 1.280000e+02 : f32
    %div3A_36 = vector.broadcast %div3A : f32 to vector<1000x1xf32>
    %div3A_37 = arith.divf %broadcast_in_dim3A_35, %div3A_36 : vector<1000x1xf32>
    %sub3A = vector.broadcast %div3A_37 : vector<1000x1xf32> to vector<1000x128xf32>
    %sub3A_38 = arith.subf %select_n3A_33, %sub3A : vector<1000x128xf32>
    %integer_pow3A = arith.mulf %sub3A_38, %sub3A_38 : vector<1000x128xf32>
    %reduce_sum3A_39 = arith.constant dense<0.000000e+00> : vector<1000xf32>
    %reduce_sum3A_40 = vector.multi_reduction <add>, %integer_pow3A, %reduce_sum3A_39 [1] : vector<1000x128xf32> to vector<1000xf32>
    %broadcast_in_dim3A_41 = vector.shape_cast %reduce_sum3A_40 : vector<1000xf32> to vector<1000x1xf32>
    %div3A_42 = arith.constant 1.280000e+02 : f32
    %div3A_43 = vector.broadcast %div3A_42 : f32 to vector<1000x1xf32>
    %div3A_44 = arith.divf %broadcast_in_dim3A_41, %div3A_43 : vector<1000x1xf32>
    %sub3A_45 = vector.broadcast %div3A_37 : vector<1000x1xf32> to vector<1000x128xf32>
    %sub3A_46 = arith.subf %select_n3A_33, %sub3A_45 : vector<1000x128xf32>
    %add3A_47 = arith.constant 9.99999974E-6 : f32
    %add3A_48 = vector.broadcast %add3A_47 : f32 to vector<1000x1xf32>
    %add3A_49 = arith.addf %div3A_44, %add3A_48 : vector<1000x1xf32>
    %sqrt3A = math.sqrt %add3A_49 : vector<1000x1xf32>
    %div3A_50 = vector.broadcast %sqrt3A : vector<1000x1xf32> to vector<1000x128xf32>
    %div3A_51 = arith.divf %sub3A_46, %div3A_50 : vector<1000x128xf32>
    %get3A_52 = arith.constant 0 : index
    %get3A_53 = arith.constant 0 : index
    %get3A_54 = vector.load %arg7[%get3A_52, %get3A_53] : memref<1x128xf32, #tpu.memory_space<vmem>>, vector<1x128xf32>
    %mul3A_55 = vector.broadcast %get3A_54 : vector<1x128xf32> to vector<1000x128xf32>
    %mul3A_56 = arith.mulf %div3A_51, %mul3A_55 : vector<1000x128xf32>
    %get3A_57 = arith.constant 0 : index
    %get3A_58 = arith.constant 0 : index
    %get3A_59 = vector.load %arg8[%get3A_57, %get3A_58] : memref<1x128xf32, #tpu.memory_space<vmem>>, vector<1x128xf32>
    %add3A_60 = vector.broadcast %get3A_59 : vector<1x128xf32> to vector<1000x128xf32>
    %add3A_61 = arith.addf %mul3A_56, %add3A_60 : vector<1000x128xf32>
    %get3A_62 = arith.constant 0 : index
    %get3A_63 = arith.constant 0 : index
    %get3A_64 = vector.load %arg4[%get3A_62, %get3A_63] : memref<1000x128xf32, #tpu.memory_space<vmem>>, vector<1000x128xf32>
    %add3A_65 = arith.addf %add3A_61, %get3A_64 : vector<1000x128xf32>
    %swap3A = arith.constant 0 : index
    %swap3A_66 = arith.constant 0 : index
    %swap3A_67 = vector.load %arg10[%swap3A, %swap3A_66] : memref<1000x128xf32, #tpu.memory_space<vmem>>, vector<1000x128xf32>
    tpu.vector_store %arg10[%swap3A, %swap3A_66], %add3A_65 {strides = array<i32>} : memref<1000x128xf32, #tpu.memory_space<vmem>>, vector<1000x128xf32>,
    return
  }
  func.func @transform_0(%arg0: i32) -> (i32, i32) {
    %c0_i32 = arith.constant 0 : i32
    %c0_i32_0 = arith.constant 0 : i32
    return %arg0, %c0_i32 : i32, i32
  }
  func.func @transform_1(%arg0: i32) -> (i32, i32) {
    %c0_i32 = arith.constant 0 : i32
    %c0_i32_0 = arith.constant 0 : i32
    return %arg0, %c0_i32 : i32, i32
  }
  func.func @transform_2(%arg0: i32) -> (i32, i32) {
    %c0_i32 = arith.constant 0 : i32
    %c0_i32_0 = arith.constant 0 : i32
    return %arg0, %c0_i32 : i32, i32
  }
  func.func @transform_3(%arg0: i32) -> (i32, i32) {
    %c0_i32 = arith.constant 0 : i32
    %c0_i32_0 = arith.constant 0 : i32
    return %arg0, %c0_i32 : i32, i32
  }
  func.func @transform_4(%arg0: i32) -> (i32, i32) {
    %c0_i32 = arith.constant 0 : i32
    %c0_i32_0 = arith.constant 0 : i32
    return %arg0, %c0_i32 : i32, i32
  }
  func.func @transform_5(%arg0: i32) -> (i32, i32) {
    %c0_i32 = arith.constant 0 : i32
    %c0_i32_0 = arith.constant 0 : i32
    %c0_i32_1 = arith.constant 0 : i32
    return %c0_i32, %c0_i32_0 : i32, i32
  }
  func.func @transform_6(%arg0: i32) -> (i32, i32) {
    %c0_i32 = arith.constant 0 : i32
    %c0_i32_0 = arith.constant 0 : i32
    %c0_i32_1 = arith.constant 0 : i32
    return %c0_i32, %c0_i32_0 : i32, i32
  }
  func.func @transform_7(%arg0: i32) -> (i32, i32) {
    %c0_i32 = arith.constant 0 : i32
    %c0_i32_0 = arith.constant 0 : i32
    %c0_i32_1 = arith.constant 0 : i32
    return %c0_i32, %c0_i32_0 : i32, i32
  }
  func.func @transform_8(%arg0: i32) -> (i32, i32) {
    %c0_i32 = arith.constant 0 : i32
    %c0_i32_0 = arith.constant 0 : i32
    %c0_i32_1 = arith.constant 0 : i32
    return %c0_i32, %c0_i32_0 : i32, i32
  }
  func.func @transform_9(%arg0: i32) -> (i32, i32) {
    %c0_i32 = arith.constant 0 : i32
    %c0_i32_0 = arith.constant 0 : i32
    return %arg0, %c0_i32 : i32, i32
  }
}

</mosaic_0001>

<sc_bundles>
// kernel: kernel.12.cloned.1.call-start
scs
__scs_entry_jumppad:
0x0: {  	(pc) =	sbr.rel $0x88, $3  }
0x1: {  	(tag) =	ssettag $0x0;
	lr =	simm.s32 $0x1  }
0x2: {  	[smem:$0x3F9B] =	sst lr;
	_ =	strace $0xD0000000  }
0x3: {  	_ = 	snop  }
0x4: {  	_ = 	snop  }
0x5: {  	_ = 	snop  }
0x6: {  	_ = 	snop  }
0x7: {  	_ = 	snop  }
__scs_overlays_trampoline_lowered:
0x8: {  	[smem:$0x3FAA] =	sst s0  }
0x9: {  	[smem:$0x3FAB] =	sst s1  }
0xa: {  	[smem:$0x3FAC] =	sst s2  }
0xb: {  	[smem:$0x3FAD] =	sst s3  }
0xc: {  	[smem:$0x3FAE] =	sst s4  }
0xd: {  	[smem:$0x3FAF] =	sst s5  }
0xe: {  	[smem:$0x3FB0] =	sst s6  }
0xf: {  	[smem:$0x3FB1] =	sst s7  }
0x10: {  	[smem:$0x3FB2] =	sst s8  }
0x11: {  	[smem:$0x3FB3] =	sst s9;
	s0 =	simm.s32 @!p0 $0x0  }
0x12: {  	s1 =	sld [smem:$0x3F99];
	s0 =	simm.s32 @p0 $0x1  }
0x13: {  	[smem:$0x3FB4] =	sst s0;
	s0 =	simm.s32 @!p1 $0x0  }
0x14: {  	s2 =	sld [smem:$0x3F98];
	s0 =	simm.s32 @p1 $0x1  }
0x15: {  	[smem:$0x3FB5] =	sst s0;
	s0 =	simm.s32 @!p2 $0x0  }
0x16: {  	s3 =	sld [smem:$0x3FDB];
	s0 =	simm.s32 @p2 $0x1  }
0x17: {  	s4 =	simm.s32 $0x1BF5;
	[smem:$0x3FB7] =	sst s0  }
0x18: {  	s0 =	sld [smem:$0x3F9A];
	_ =	swait.ge [sflag:s4], $0x0  }
0x19: {  	s7 =	sld [smem:$0x3F9B]  }
0x1a: {  	s8 =	sadd.s32 $0xFFFFE003, lr  }
0x1b: {  	s9 =	sadd.s32 $0xFFFFFEF7, lr;
	s5 =	simm.s32 $0xFFFFFFFF;
	p2 =	slt.u32 s8, $0xFFFFF086  }
0x1c: {  	p1 =	slt.u32 s9, $0xF7A;
	s5 =	simm.s32 @!p2 $0x0  }
0x1d: {  	s5 =	simm.s32 @p1 $0x1;
	p0 =	seq.s32 s7, s2  }
0x1e: {  	s7 =	smul.u32 @!p0 $0xF7A, s2;
	p2 =	seq.s32 @!p0 s5, $0x0  }
0x1f: {  	s9 =	smul.u32 $0xF7A, s1;
	s8 =	simm.s32 @!p0 $0x1BF5;
	p2 =	por !p2, p0  }
0x20: {  	[sflag:s8] =	ssyncset.s32 @!p0 $0xFFFFF086;
	s6 =	sadd.s32 @!p0 s3, s7;
	s7 =	simm.s32 @!p0 $0x108  }
0x21: {  	s3 =	sadd.s32 s3, s9;
	s6 =	sadd.s32 @!p0 $0x88, s6;
	s7 =	simm.s32 @p2 $0x1082  }
0x22: {  	[simem:s7], [sflag:s8] =	dma.local @!p0 [hbm:s6], $0xF7A  }
0x23: {  	s9 =	sor.u32 $0xD0000000, s2;
	s6 =	simm.s32 $0x108;
	_ =	swait.ge @!p0 [sflag:s8], $0x0  }
0x24: {  	s3 =	sadd.s32 $0x88, s3;
	s6 =	simm.s32 @!p1 $0x1082;
	[sflag:s4] =	ssyncset.s32 $0xFFFFF086  }
0x25: {  	[simem:s6], [sflag:s4] =	dma.local [hbm:s3], $0xF7A  }
0x26: {  	[smem:$0x3F9B] =	sst s1;
	(tag) =	ssettag s2;
	_ =	strace s9  }
0x27: {  	s1 =	sld [smem:$0x3FAB]  }
0x28: {  	s2 =	sld [smem:$0x3FAC]  }
0x29: {  	s4 =	sld [smem:$0x3FAE]  }
0x2a: {  	p0 =	seq.s32 s5, $0x0;
	s5 =	sld [smem:$0x3FAF]  }
0x2b: {  	s6 =	sld [smem:$0x3FB0]  }
0x2c: {  	s7 =	sld [smem:$0x3FB1]  }
0x2d: {  	s3 =	simm.s32 $0x108;
	s8 =	sld [smem:$0x3FB2]  }
0x2e: {  	s3 =	simm.s32 @!p0 $0x1082;
	s9 =	sld [smem:$0x3FB3]  }
0x2f: {  	lr =	sadd.s32 s0, s3;
	s0 =	sld [smem:$0x3FAA]  }
0x30: {  	s3 =	sld [smem:$0x3FAD]  }
0x31: {  	[smem:$0x3FB6] =	sst s10  }
0x32: {  	s10 =	sld [smem:$0x3FB4];
	_ =	sdelay $0x3  }
0x33: {  	p0 =	seq.s32 s10, $0x1;
	s10 =	sld [smem:$0x3FB6];
	_ =	sdelay $0x3  }
0x34: {  	[smem:$0x3FB6] =	sst s10  }
0x35: {  	s10 =	sld [smem:$0x3FB5];
	_ =	sdelay $0x3  }
0x36: {  	p1 =	seq.s32 s10, $0x1;
	s10 =	sld [smem:$0x3FB6];
	_ =	sdelay $0x3  }
0x37: {  	[smem:$0x3FB6] =	sst s10  }
0x38: {  	s10 =	sld [smem:$0x3FB7]  }
0x39: {  	_ = 	snop;
	(pc) =	sbr.ind lr, $3  }
0x3a: {  	_ = 	snop  }
0x3b: {  	_ = 	snop  }
0x3c: {  	p2 =	seq.s32 s10, $0x1;
	s10 =	sld [smem:$0x3FB6]  }
0x3d: {  	_ =	shalt  }
0x3e: {  	_ =	shalt  }
0x3f: {  	_ =	shalt  }
0x40: {  	_ =	shalt  }
0x41: {  	_ =	shalt  }
0x42: {  	_ =	shalt  }
0x43: {  	_ =	shalt  }
0x44: {  	_ =	shalt  }
0x45: {  	_ =	shalt  }
0x46: {  	_ =	shalt  }
0x47: {  	_ =	shalt  }
0x48: {  	_ =	shalt  }
0x49: {  	_ =	shalt  }
0x4a: {  	_ =	shalt  }
0x4b: {  	_ =	shalt  }
0x4c: {  	_ =	shalt  }
0x4d: {  	_ =	shalt  }
0x4e: {  	_ =	shalt  }
0x4f: {  	_ =	shalt  }
0x50: {  	_ =	shalt  }
0x51: {  	_ =	shalt  }
0x52: {  	_ =	shalt  }
0x53: {  	_ =	shalt  }
0x54: {  	_ =	shalt  }
0x55: {  	_ =	shalt  }
0x56: {  	_ =	shalt  }
0x57: {  	_ =	shalt  }
0x58: {  	_ =	shalt  }
0x59: {  	_ =	shalt  }
0x5a: {  	_ =	shalt  }
0x5b: {  	_ =	shalt  }
0x5c: {  	_ =	shalt  }
0x5d: {  	_ =	shalt  }
0x5e: {  	_ =	shalt  }
0x5f: {  	_ =	shalt  }
0x60: {  	_ =	shalt  }
0x61: {  	_ =	shalt  }
0x62: {  	_ =	shalt  }
0x63: {  	_ =	shalt  }
0x64: {  	_ =	shalt  }
0x65: {  	_ =	shalt  }
0x66: {  	_ =	shalt  }
0x67: {  	_ =	shalt  }
0x68: {  	_ =	shalt  }
0x69: {  	_ =	shalt  }
0x6a: {  	_ =	shalt  }
0x6b: {  	_ =	shalt  }
0x6c: {  	_ =	shalt  }
0x6d: {  	_ =	shalt  }
0x6e: {  	_ =	shalt  }
0x6f: {  	_ =	shalt  }
0x70: {  	_ =	shalt  }
0x71: {  	_ =	shalt  }
0x72: {  	_ =	shalt  }
0x73: {  	_ =	shalt  }
0x74: {  	_ =	shalt  }
0x75: {  	_ =	shalt  }
0x76: {  	_ =	shalt  }
0x77: {  	_ =	shalt  }
0x78: {  	_ =	shalt  }
0x79: {  	_ =	shalt  }
0x7a: {  	_ =	shalt  }
0x7b: {  	_ =	shalt  }
0x7c: {  	_ =	shalt  }
0x7d: {  	_ =	shalt  }
0x7e: {  	_ =	shalt  }
0x7f: {  	_ =	shalt  }
0x80: {  	_ =	shalt  }
0x81: {  	_ =	shalt  }
0x82: {  	_ =	shalt  }
0x83: {  	_ =	shalt  }
0x84: {  	_ =	shalt  }
0x85: {  	_ =	shalt  }
0x86: {  	_ =	shalt  }
0x87: {  	_ =	shalt  }
.Lfunc_end0:
.L_simem_size_0:
called_computation_lowered:
.L_overlay_start_0:
0x88: {  	s2 =	sld [smem:$0x3FD9]  }
0x89: {  	s3 =	sld [smem:$0x3FFE];
	_ =	sdelay $0x1  }
0x8a: {  	s1 =	srdreg.scid  }
0x8b: {  	s0 =	sand.u32 $0x1, s1  }
0x8c: {  	s17 =	sshll.u32 s0, $0xA;
	s2 =	sadd.s32 s3, s2  }
0x8d: {  	s2 =	sadd.s32 s2, s17  }
0x8e: {  	[smem:$0x3FC2] =	sst s2  }
0x8f: {  	_ = 	snop  }
0x90: {  	s2 =	sld [smem:$0x3FD0];
	(tm) =	ssettm $0x1  }
0x91: {  	s18 =	sld [smem:$0x3FFB];
	_ =	sdelay $0x3  }
0x92: {  	_ =	strace s18  }
0x93: {  	s3 =	sld [smem:$0x3FFC];
	_ =	sdelay $0x3  }
0x94: {  	_ =	strace s3  }
0x95: {  	s3 =	sld [smem:$0x3FFD];
	_ =	sdelay $0x3  }
0x96: {  	_ =	strace s3  }
0x97: {  	_ =	strace $0x8FFFFFFF  }
0x98: {  	s19 =	sld [smem:$0x3FDB];
	_ =	sdelay $0x1  }
0x99: {  	s4 =	simm.s32 $_scs_section_size  }
0x9a: {  	s5 =	simm.s32 $_size__tile_overlayer_lowered;
	s6 =	simm.s32 $_tile_overlayer_lowered  }
0x9b: {  	s22 =	simm.s32 $0x1BFF;
	s21 =	sshll.u32 s6, $0x1;
	s3 =	sadd.s32 s4, s19  }
0x9c: {  	s7 =	simm.s32 $0x0;
	s20 =	sshll.u32 s5, $0x1;
	s5 =	sadd.s32 s21, s3  }
0x9d: {  	[timem:s7], [sflag:s22] =	dma.local [hbm:s5], s20  }
0x9e: {  	_ =	swait.ge [sflag:s22], s20  }
0x9f: {  	s4 =	ssub.s32 $0x0, s20;
	[sflag:s22] =	ssyncset.done $0x0  }
0xa0: {  	[sflag:s22] =	ssyncadd.s32 s4;
	_ =	sdelay $0x1  }
0xa1: {  	s23 =	simm.s32 $0x1B8B  }
0xa2: {  	_ =	swait.ge [sflag:s23], $0x1  }
0xa3: {  	[sflag:s23] =	ssyncset.done $0x0  }
0xa4: {  	s25 =	simm.s32 $0x1B8E;
	s24 =	sld [smem:$0x3FFE];
	[sflag:s23] =	ssyncadd.s32 $0xFFFFFFFF  }
0xa5: {  	s26 =	simm.s32 $execute0_lowered;
	[smem:$0x3FD2] =	sst s25  }
0xa6: {  	s5 =	sshll.u32 s26, $0x1;
	_ =	strace $0x80000046;
	[dreg:$0x1] =	wrdreg $0xFFFFFFFF  }
0xa7: {  	s28 =	simm.s32 $_size_execute0_lowered;
	s3 =	sadd.s32 s3, s5;
	[dreg:$0x0] =	wrdreg $0x0  }
0xa8: {  	s5 =	sshll.u32 s28, $0x1;
	[dreg:$0x2] =	wrdreg s3  }
0xa9: {  	[dreg:$0x3] =	wrdreg s5  }
0xaa: {  	[dreg:$0x4] =	wrdreg $0xC0  }
0xab: {  	_ =	task [dreg:s7], $0x5FFFF  }
0xac: {  	[dreg:$0x1] =	wrdreg $0xFFFFFFFF  }
0xad: {  	[dreg:$0x0] =	wrdreg $0x60  }
0xae: {  	[dreg:$0x2] =	wrdreg s2  }
0xaf: {  	[dreg:$0x3] =	wrdreg s24  }
0xb0: {  	[dreg:$0x4] =	wrdreg $0x28800  }
0xb1: {  	[dreg:$0x5] =	wrdreg $0x9  }
0xb2: {  	_ =	task.clear_ibuf [dreg:s7], $0x6FFFF;
	_ =	strace $0x90000046  }
0xb3: {  	s29 =	simm.s32 $0x9;
	_ =	strace $0x80000048  }
0xb4: {  	_ =	swait.ge [sflag:s29], $0x1  }
0xb5: {  	[sflag:s29] =	ssyncadd.s32 $0xFFFFFFFF  }
0xb6: {  	_ =	strace $0x90000048  }
0xb7: {  	_ =	sfence  }
0xb8: {  	s30 =	sld [smem:$0x0];
	_ =	sdelay $0x2  }
0xb9: {  	s31 =	sshll.u32 s1, $0xD;
	s1 =	sshrl.u32 s1, $0x2  }
0xba: {  	s3 =	sand.u32 $0x4000, s31;
	s1 =	sadd.s32 s1, s30  }
0xbb: {  	s0 =	sor.u32 s3, s0;
	s1 =	sshll.u32 s1, $0x11  }
0xbc: {  	s0 =	sor.u32 s1, s0  }
0xbd: {  	s0 =	sadd.s32 $0x8F2B, s0  }
0xbe: {  	[sflag:s0] =	ssyncadd.remote.s32 $0x1  }
0xbf: {  	_ =	sfence.sel $0xFFFF  }
0xc0: {  	[dreg:$0x0] =	wrdreg $0xFFFFFFFF;
	(pc) =	sbr.abs _section_cstart, $3  }
0xc1: {  	[dreg:$0x1] =	wrdreg $0xFFFFFFFF  }
0xc2: {  	_ =	task.clear_ibuf [dreg:s7], $0x2FFFF;
	_ =	strace $0x9FFFFFFF  }
0xc3: {  	(tm) =	ssettm $0x7FFFFFFF  }
tec
execute0_lowered:
.L_overlay_start_1:
0x0: {  	(tag) =	ssettag $0x1  }
0x1: {  	s9 =	rddreg [dreg:$0x0]  }
0x2: {  	s7 =	rddreg [dreg:$0x1]  }
0x3: {  	s1 =	rddreg [dreg:$0x2]  }
0x4: {  	s0 =	rddreg [dreg:$0x3]  }
0x5: {  	s2 =	simm.s32 $0x0;
	s3 =	srdreg.scid;
	s17 =	simm.s32 $0x0  }
0x6: {  	[smem:$0x7FF] =	sst s2;
	s4 =	sadd.s32 $0x6200, s7;
	s10 =	sand.u32 $0x1, s3  }
0x7: {  	s5 =	sadd.s32 $0x6000, s7;
	s3 =	stileid.u32;
	s6 =	sadd.s32 $0x6400, s7  }
0x8: {  	s7 =	sadd.s32 $0x6A00, s7;
	_ =	strace $0x80000047;
	s8 =	ssub.s32 $0x2, s10  }
0x9: {  	s12 =	smul.u32 $0xA00, s3;
	s31 =	sshll.u32 s10, $0x4;
	s13 =	sshll.u32 s3, $0x6  }
0xa: {  	p0 =	seq.s32 s3, $0x0;
	p1 =	seq.s32 s10, $0x1;
	s15 =	sor.u32 s10, s3  }
0xb: {  	s11 =	sshrl.u32 s8, $0x1;
	p0 =	por !p0, !p1;
	p1 =	sne.s32 s15, $0x0  }
0xc: {  	s11 =	ssub.s32 s8, s11;
	s12 =	sshrl.u32 s12, $0x2;
	s8 =	sor.u32 s3, s31  }
0xd: {  	p0 =	por !p0, !p0;
	s15 =	sshrl.u32 @!p1 s1, $0x3;
	s14 =	smul.u32 $0x500, s8  }
0xe: {  	s12 =	sadd.s32 s12, s1;
	s8 =	sor.u32 $0x1C01, s13;
	s10 =	smax.u32 s11, $0x1  }
0xf: {  	s13 =	simm.s32 $0x2800;
	s16 =	sshrl.u32 @p0 s1, $0x3;
	s11 =	sshrl.u32 s12, $0x3  }
0x10: {  	s12 =	simm.s32 $0x1;
	s9 =	sadd.s32 s9, s14;
	s14 =	simm.s32 $0x80  }
.LBB2_1:
0x11: {  	[spmem:s11], [sflag:s8] =	dma.local [hbm:s4], $0x50  }
0x12: {  	_ =	swait.ge [sflag:s12], $0x50  }
0x13: {  	[sflag:s12] =	ssyncset.done $0x0  }
0x14: {  	[sflag:s12] =	ssyncadd.s32 $0xFFFFFFB0  }
0x15: {  	[tilespmem:s13], [sflag:$0x1] =	stream.linear.gather [hbm4b:s5+s2], $0x80, $0x38;
	[tilespmem:$0x2B00] =	vst v63  }
0x16: {  	_ =	swait.ge [sflag:s12], $0x80  }
0x17: {  	[sflag:s12] =	ssyncset.done $0x0  }
0x18: {  	[sflag:s12] =	ssyncadd.s32 $0xFFFFFF80  }
0x19: {  	[tilespmem:s2], [sflag:$0x1] =	stream.linear.gather [hbm4b:s9+s2], $0x2800, $0x38;
	[tilespmem:$0x2B00] =	vst v63  }
0x1a: {  	_ =	swait.ge [sflag:s12], $0x2800  }
0x1b: {  	[sflag:s12] =	ssyncset.done $0x0  }
0x1c: {  	[sflag:s12] =	ssyncadd.s32 $0xFFFFD800  }
0x1d: {  	s18 =	simm.s32 $0x0;
	[bflag:$0x0] =	sbarrier.arrive $0xFFFF  }
0x1e: {  	[spmem:s1] =	stream.indirect.scatter.add.f32 [tilespmem:s13], [sflag:$0x1], $0x1, s18, s14, $0xb8;
	[tilespmem:$0x2B00] =	vst v63  }
0x1f: {  	_ =	swait.ge [sflag:s12], $0x80  }
0x20: {  	[sflag:s12] =	ssyncset.done $0x0  }
0x21: {  	s24 =	simm.s32 $0x80;
	[sflag:s12] =	ssyncadd.s32 $0xFFFFFF80  }
0x22: {  	[spmem:s1] =	stream.indirect.scatter.add.f32 [tilespmem:s13], [sflag:$0x1], $0x1, s24, s14, $0xb8;
	[tilespmem:$0x2B00] =	vst v63  }
0x23: {  	_ =	swait.ge [sflag:s12], $0x80  }
0x24: {  	[sflag:s12] =	ssyncset.done $0x0  }
0x25: {  	s25 =	simm.s32 $0x100;
	[sflag:s12] =	ssyncadd.s32 $0xFFFFFF80  }
0x26: {  	[spmem:s1] =	stream.indirect.scatter.add.f32 [tilespmem:s13], [sflag:$0x1], $0x1, s25, s14, $0xb8;
	[tilespmem:$0x2B00] =	vst v63  }
0x27: {  	_ =	swait.ge [sflag:s12], $0x80  }
0x28: {  	[sflag:s12] =	ssyncset.done $0x0  }
0x29: {  	s26 =	simm.s32 $0x180;
	[sflag:s12] =	ssyncadd.s32 $0xFFFFFF80  }
0x2a: {  	[spmem:s1] =	stream.indirect.scatter.add.f32 [tilespmem:s13], [sflag:$0x1], $0x1, s26, s14, $0xb8;
	[tilespmem:$0x2B00] =	vst v63  }
0x2b: {  	_ =	swait.ge [sflag:s12], $0x80  }
0x2c: {  	[sflag:s12] =	ssyncset.done $0x0  }
0x2d: {  	s28 =	simm.s32 $0x200;
	[sflag:s12] =	ssyncadd.s32 $0xFFFFFF80  }
0x2e: {  	[spmem:s1] =	stream.indirect.scatter.add.f32 [tilespmem:s13], [sflag:$0x1], $0x1, s28, s14, $0xb8;
	[tilespmem:$0x2B00] =	vst v63  }
0x2f: {  	_ =	swait.ge [sflag:s12], $0x80  }
0x30: {  	[sflag:s12] =	ssyncset.done $0x0  }
0x31: {  	s29 =	simm.s32 $0x280;
	[sflag:s12] =	ssyncadd.s32 $0xFFFFFF80  }
0x32: {  	[spmem:s1] =	stream.indirect.scatter.add.f32 [tilespmem:s13], [sflag:$0x1], $0x1, s29, s14, $0xb8;
	[tilespmem:$0x2B00] =	vst v63  }
0x33: {  	_ =	swait.ge [sflag:s12], $0x80  }
0x34: {  	[sflag:s12] =	ssyncset.done $0x0  }
0x35: {  	s30 =	simm.s32 $0x300;
	[sflag:s12] =	ssyncadd.s32 $0xFFFFFF80  }
0x36: {  	[spmem:s1] =	stream.indirect.scatter.add.f32 [tilespmem:s13], [sflag:$0x1], $0x1, s30, s14, $0xb8;
	[tilespmem:$0x2B00] =	vst v63  }
0x37: {  	_ =	swait.ge [sflag:s12], $0x80  }
0x38: {  	[sflag:s12] =	ssyncset.done $0x0  }
0x39: {  	s31 =	simm.s32 $0x380;
	[sflag:s12] =	ssyncadd.s32 $0xFFFFFF80  }
0x3a: {  	[spmem:s1] =	stream.indirect.scatter.add.f32 [tilespmem:s13], [sflag:$0x1], $0x1, s31, s14, $0xb8;
	[tilespmem:$0x2B00] =	vst v63  }
0x3b: {  	_ =	swait.ge [sflag:s12], $0x80  }
0x3c: {  	s21 =	simm.s32 $0x2000;
	s18 =	simm.s32 $0x1000;
	[sflag:s12] =	ssyncset.done $0x0  }
.LBB2_2:
0x3d: {  	s20 =	sshra.s32 s18, $0x2  }
0x3e: {  	[sflag:s12] =	ssyncadd.s32 $0xFFFFFF80;
	s18 =	smov.u32 s21;
	s19 =	sadd.s32 $0x1000, s21  }
0x3f: {  	[spmem:s1] =	stream.indirect.scatter.add.f32 [tilespmem:s13], [sflag:$0x1], $0x1, s20, s14, $0xb8;
	[tilespmem:$0x2B00] =	vst v63  }
0x40: {  	p2 =	sne.s32 s21, $0x9000;
	_ =	swait.ge [sflag:s12], $0x80  }
0x41: {  	[sflag:s12] =	ssyncset.done $0x0  }
0x42: {  	s21 =	sadd.s32 $0x80, s20;
	[sflag:s12] =	ssyncadd.s32 $0xFFFFFF80  }
0x43: {  	[spmem:s1] =	stream.indirect.scatter.add.f32 [tilespmem:s13], [sflag:$0x1], $0x1, s21, s14, $0xb8;
	[tilespmem:$0x2B00] =	vst v63  }
0x44: {  	_ =	swait.ge [sflag:s12], $0x80  }
0x45: {  	[sflag:s12] =	ssyncset.done $0x0  }
0x46: {  	s21 =	sadd.s32 $0x100, s20;
	[sflag:s12] =	ssyncadd.s32 $0xFFFFFF80  }
0x47: {  	[spmem:s1] =	stream.indirect.scatter.add.f32 [tilespmem:s13], [sflag:$0x1], $0x1, s21, s14, $0xb8;
	[tilespmem:$0x2B00] =	vst v63  }
0x48: {  	_ =	swait.ge [sflag:s12], $0x80  }
0x49: {  	[sflag:s12] =	ssyncset.done $0x0  }
0x4a: {  	s21 =	sadd.s32 $0x180, s20;
	[sflag:s12] =	ssyncadd.s32 $0xFFFFFF80  }
0x4b: {  	[spmem:s1] =	stream.indirect.scatter.add.f32 [tilespmem:s13], [sflag:$0x1], $0x1, s21, s14, $0xb8;
	[tilespmem:$0x2B00] =	vst v63  }
0x4c: {  	_ =	swait.ge [sflag:s12], $0x80  }
0x4d: {  	[sflag:s12] =	ssyncset.done $0x0  }
0x4e: {  	s21 =	sadd.s32 $0x200, s20;
	[sflag:s12] =	ssyncadd.s32 $0xFFFFFF80  }
0x4f: {  	[spmem:s1] =	stream.indirect.scatter.add.f32 [tilespmem:s13], [sflag:$0x1], $0x1, s21, s14, $0xb8;
	[tilespmem:$0x2B00] =	vst v63  }
0x50: {  	_ =	swait.ge [sflag:s12], $0x80  }
0x51: {  	[sflag:s12] =	ssyncset.done $0x0  }
0x52: {  	s21 =	sadd.s32 $0x280, s20;
	[sflag:s12] =	ssyncadd.s32 $0xFFFFFF80  }
0x53: {  	[spmem:s1] =	stream.indirect.scatter.add.f32 [tilespmem:s13], [sflag:$0x1], $0x1, s21, s14, $0xb8;
	[tilespmem:$0x2B00] =	vst v63  }
0x54: {  	_ =	swait.ge [sflag:s12], $0x80  }
0x55: {  	[sflag:s12] =	ssyncset.done $0x0  }
0x56: {  	s21 =	sadd.s32 $0x300, s20;
	[sflag:s12] =	ssyncadd.s32 $0xFFFFFF80  }
0x57: {  	[spmem:s1] =	stream.indirect.scatter.add.f32 [tilespmem:s13], [sflag:$0x1], $0x1, s21, s14, $0xb8;
	[tilespmem:$0x2B00] =	vst v63  }
0x58: {  	_ =	swait.ge [sflag:s12], $0x80  }
.Ltmp0:
0x59: {  	[sflag:s12] =	ssyncset.done $0x0;
	(pc) =	sbr.rel @p2 .LBB2_2-.Ltmp0, $4  }
0x5a: {  	s20 =	sadd.s32 $0x380, s20;
	[sflag:s12] =	ssyncadd.s32 $0xFFFFFF80  }
0x5b: {  	[spmem:s1] =	stream.indirect.scatter.add.f32 [tilespmem:s13], [sflag:$0x1], $0x1, s20, s14, $0xb8;
	[tilespmem:$0x2B00] =	vst v63  }
0x5c: {  	_ =	swait.ge [sflag:s12], $0x80  }
0x5d: {  	s21 =	smov.u32 s19;
	[sflag:s12] =	ssyncset.done $0x0  }
0x5e: {  	s18 =	sshra.s32 s18, $0x2;
	[sflag:s12] =	ssyncadd.s32 $0xFFFFFF80  }
0x5f: {  	[spmem:s1] =	stream.indirect.scatter.add.f32 [tilespmem:s13], [sflag:$0x1], $0x1, s18, s14, $0xb8;
	[tilespmem:$0x2B00] =	vst v63  }
0x60: {  	_ =	swait.ge [sflag:s12], $0x80  }
0x61: {  	[sflag:s12] =	ssyncset.done $0x0  }
0x62: {  	s19 =	sadd.s32 $0x80, s18;
	[sflag:s12] =	ssyncadd.s32 $0xFFFFFF80  }
0x63: {  	[spmem:s1] =	stream.indirect.scatter.add.f32 [tilespmem:s13], [sflag:$0x1], $0x1, s19, s14, $0xb8;
	[tilespmem:$0x2B00] =	vst v63  }
0x64: {  	_ =	swait.ge [sflag:s12], $0x80  }
0x65: {  	[sflag:s12] =	ssyncset.done $0x0  }
0x66: {  	s26 =	sadd.s32 $0x100, s18;
	[sflag:s12] =	ssyncadd.s32 $0xFFFFFF80  }
0x67: {  	[spmem:s1] =	stream.indirect.scatter.add.f32 [tilespmem:s13], [sflag:$0x1], $0x1, s26, s14, $0xb8;
	[tilespmem:$0x2B00] =	vst v63  }
0x68: {  	_ =	swait.ge [sflag:s12], $0x80  }
0x69: {  	[sflag:s12] =	ssyncset.done $0x0  }
0x6a: {  	s28 =	sadd.s32 $0x180, s18;
	[sflag:s12] =	ssyncadd.s32 $0xFFFFFF80  }
0x6b: {  	[spmem:s1] =	stream.indirect.scatter.add.f32 [tilespmem:s13], [sflag:$0x1], $0x1, s28, s14, $0xb8;
	[tilespmem:$0x2B00] =	vst v63  }
0x6c: {  	_ =	swait.ge [sflag:s12], $0x80  }
0x6d: {  	[sflag:s12] =	ssyncset.done $0x0  }
0x6e: {  	s29 =	sadd.s32 $0x200, s18;
	[sflag:s12] =	ssyncadd.s32 $0xFFFFFF80  }
0x6f: {  	[spmem:s1] =	stream.indirect.scatter.add.f32 [tilespmem:s13], [sflag:$0x1], $0x1, s29, s14, $0xb8;
	[tilespmem:$0x2B00] =	vst v63  }
0x70: {  	_ =	swait.ge [sflag:s12], $0x80  }
0x71: {  	[sflag:s12] =	ssyncset.done $0x0  }
0x72: {  	s30 =	sadd.s32 $0x280, s18;
	[sflag:s12] =	ssyncadd.s32 $0xFFFFFF80  }
0x73: {  	[spmem:s1] =	stream.indirect.scatter.add.f32 [tilespmem:s13], [sflag:$0x1], $0x1, s30, s14, $0xb8;
	[tilespmem:$0x2B00] =	vst v63  }
0x74: {  	_ =	swait.ge [sflag:s12], $0x80  }
0x75: {  	[sflag:s12] =	ssyncset.done $0x0  }
0x76: {  	s31 =	sadd.s32 $0x300, s18;
	[sflag:s12] =	ssyncadd.s32 $0xFFFFFF80  }
0x77: {  	[spmem:s1] =	stream.indirect.scatter.add.f32 [tilespmem:s13], [sflag:$0x1], $0x1, s31, s14, $0xb8;
	[tilespmem:$0x2B00] =	vst v63  }
0x78: {  	_ =	swait.ge [sflag:s12], $0x80  }
0x79: {  	[sflag:s12] =	ssyncset.done $0x0  }
0x7a: {  	s18 =	sadd.s32 $0x380, s18;
	[sflag:s12] =	ssyncadd.s32 $0xFFFFFF80  }
0x7b: {  	[spmem:s1] =	stream.indirect.scatter.add.f32 [tilespmem:s13], [sflag:$0x1], $0x1, s18, s14, $0xb8;
	[tilespmem:$0x2B00] =	vst v63  }
0x7c: {  	_ =	swait.ge [sflag:s12], $0x80  }
0x7d: {  	[sflag:s12] =	ssyncset.done $0x0  }
0x7e: {  	[sflag:s12] =	ssyncadd.s32 $0xFFFFFF80  }
0x7f: {  	s18 =	simm.s32 @!p1 $0x1;
	[bflag:$0x0] =	sbarrier.arrive $0xFFFF  }
0x80: {  	[hbm:s6], [sflag:s8] =	dma.local @!p1 [spmem:s15], $0x500  }
0x81: {  	s17 =	sadd.s32 $0x1, s17;
	_ =	swait.ge @!p1 [sflag:s18], $0x500  }
0x82: {  	p2 =	sne.s32 s17, s10;
	[sflag:s18] =	ssyncset.done @!p1 $0x0  }
.Ltmp1:
0x83: {  	[sflag:s18] =	ssyncadd.s32 @!p1 $0xFFFFFB00;
	s18 =	simm.s32 @p0 $0x1;
	(pc) =	sbr.rel @p2 .LBB2_1-.Ltmp1, $4  }
0x84: {  	[hbm:s7], [sflag:s8] =	dma.local @p0 [spmem:s16], $0x500  }
0x85: {  	_ =	swait.ge @p0 [sflag:s18], $0x500  }
0x86: {  	[sflag:s18] =	ssyncset.done @p0 $0x0  }
0x87: {  	[sflag:s18] =	ssyncadd.s32 @p0 $0xFFFFFB00  }
0x88: {  	_ =	sfence.sel $0x180000  }
0x89: {  	[bflag:$0x0] =	sbarrier.arrive $0xFFFF  }
0x8a: {  	p0 =	sne.s32 s3, $0x0;
	_ =	strace $0x90000047  }
0x8b: {  	s0 =	sadd.s32 @!p0 $0x100000, s0;
	[bflag:$0x2] =	sbarrier.arrive $0xFFFF  }
0x8c: {  	[sflag:s0] =	ssyncadd.tile.s32 @!p0 $0x1;
	_ =	shalt  }
.Lfunc_end2:
_tile_overlayer_lowered:
.L_overlay_start_2:
0x8d: {  	(tag) =	ssettag $0x2  }
0x8e: {  	s0 =	rddreg [dreg:$0x0];
	s2 =	stileid.u32  }
0x8f: {  	s1 =	rddreg [dreg:$0x1];
	p0 =	sne.s32 s2, $0x0  }
0x90: {  	s3 =	rddreg [dreg:$0x2];
	[bflag:$0x3] =	sbarrier.arrive $0xFFFF;
	s2 =	simm.s32 @!p0 $0x1C01  }
0x91: {  	[timem:s3], [sflag:s2] =	dma.local @!p0 [hbm:s0], s1  }
0x92: {  	s0 =	simm.s32 @!p0 $0x1  }
0x93: {  	_ =	swait.ge @!p0 [sflag:s0], s1  }
0x94: {  	s1 =	ssub.s32 @!p0 $0x0, s1;
	[sflag:s0] =	ssyncset.done @!p0 $0x0  }
0x95: {  	[sflag:s0] =	ssyncadd.s32 @!p0 s1  }
0x96: {  	[bflag:$0x3] =	sbarrier.arrive $0xFFFF  }
0x97: {  	_ =	shalt  }

// kernel: kernel.15.cloned.1.call-start
scs
__scs_entry_jumppad:
0x0: {  	(pc) =	sbr.rel $0x88, $3  }
0x1: {  	(tag) =	ssettag $0x0;
	lr =	simm.s32 $0x1  }
0x2: {  	[smem:$0x3F9B] =	sst lr;
	_ =	strace $0xD0000000  }
0x3: {  	_ = 	snop  }
0x4: {  	_ = 	snop  }
0x5: {  	_ = 	snop  }
0x6: {  	_ = 	snop  }
0x7: {  	_ = 	snop  }
__scs_overlays_trampoline_lowered:
0x8: {  	[smem:$0x3FAA] =	sst s0  }
0x9: {  	[smem:$0x3FAB] =	sst s1  }
0xa: {  	[smem:$0x3FAC] =	sst s2  }
0xb: {  	[smem:$0x3FAD] =	sst s3  }
0xc: {  	[smem:$0x3FAE] =	sst s4  }
0xd: {  	[smem:$0x3FAF] =	sst s5  }
0xe: {  	[smem:$0x3FB0] =	sst s6  }
0xf: {  	[smem:$0x3FB1] =	sst s7  }
0x10: {  	[smem:$0x3FB2] =	sst s8  }
0x11: {  	[smem:$0x3FB3] =	sst s9;
	s0 =	simm.s32 @!p0 $0x0  }
0x12: {  	s1 =	sld [smem:$0x3F99];
	s0 =	simm.s32 @p0 $0x1  }
0x13: {  	[smem:$0x3FB4] =	sst s0;
	s0 =	simm.s32 @!p1 $0x0  }
0x14: {  	s2 =	sld [smem:$0x3F98];
	s0 =	simm.s32 @p1 $0x1  }
0x15: {  	[smem:$0x3FB5] =	sst s0;
	s0 =	simm.s32 @!p2 $0x0  }
0x16: {  	s3 =	sld [smem:$0x3FDB];
	s0 =	simm.s32 @p2 $0x1  }
0x17: {  	s4 =	simm.s32 $0x1BF5;
	[smem:$0x3FB7] =	sst s0  }
0x18: {  	s0 =	sld [smem:$0x3F9A];
	_ =	swait.ge [sflag:s4], $0x0  }
0x19: {  	s7 =	sld [smem:$0x3F9B]  }
0x1a: {  	s8 =	sadd.s32 $0xFFFFE003, lr  }
0x1b: {  	s9 =	sadd.s32 $0xFFFFFEF7, lr;
	s5 =	simm.s32 $0xFFFFFFFF;
	p2 =	slt.u32 s8, $0xFFFFF086  }
0x1c: {  	p1 =	slt.u32 s9, $0xF7A;
	s5 =	simm.s32 @!p2 $0x0  }
0x1d: {  	s5 =	simm.s32 @p1 $0x1;
	p0 =	seq.s32 s7, s2  }
0x1e: {  	s7 =	smul.u32 @!p0 $0xF7A, s2;
	p2 =	seq.s32 @!p0 s5, $0x0  }
0x1f: {  	s9 =	smul.u32 $0xF7A, s1;
	s8 =	simm.s32 @!p0 $0x1BF5;
	p2 =	por !p2, p0  }
0x20: {  	[sflag:s8] =	ssyncset.s32 @!p0 $0xFFFFF086;
	s6 =	sadd.s32 @!p0 s3, s7;
	s7 =	simm.s32 @!p0 $0x108  }
0x21: {  	s3 =	sadd.s32 s3, s9;
	s6 =	sadd.s32 @!p0 $0x88, s6;
	s7 =	simm.s32 @p2 $0x1082  }
0x22: {  	[simem:s7], [sflag:s8] =	dma.local @!p0 [hbm:s6], $0xF7A  }
0x23: {  	s9 =	sor.u32 $0xD0000000, s2;
	s6 =	simm.s32 $0x108;
	_ =	swait.ge @!p0 [sflag:s8], $0x0  }
0x24: {  	s3 =	sadd.s32 $0x88, s3;
	s6 =	simm.s32 @!p1 $0x1082;
	[sflag:s4] =	ssyncset.s32 $0xFFFFF086  }
0x25: {  	[simem:s6], [sflag:s4] =	dma.local [hbm:s3], $0xF7A  }
0x26: {  	[smem:$0x3F9B] =	sst s1;
	(tag) =	ssettag s2;
	_ =	strace s9  }
0x27: {  	s1 =	sld [smem:$0x3FAB]  }
0x28: {  	s2 =	sld [smem:$0x3FAC]  }
0x29: {  	s4 =	sld [smem:$0x3FAE]  }
0x2a: {  	p0 =	seq.s32 s5, $0x0;
	s5 =	sld [smem:$0x3FAF]  }
0x2b: {  	s6 =	sld [smem:$0x3FB0]  }
0x2c: {  	s7 =	sld [smem:$0x3FB1]  }
0x2d: {  	s3 =	simm.s32 $0x108;
	s8 =	sld [smem:$0x3FB2]  }
0x2e: {  	s3 =	simm.s32 @!p0 $0x1082;
	s9 =	sld [smem:$0x3FB3]  }
0x2f: {  	lr =	sadd.s32 s0, s3;
	s0 =	sld [smem:$0x3FAA]  }
0x30: {  	s3 =	sld [smem:$0x3FAD]  }
0x31: {  	[smem:$0x3FB6] =	sst s10  }
0x32: {  	s10 =	sld [smem:$0x3FB4];
	_ =	sdelay $0x3  }
0x33: {  	p0 =	seq.s32 s10, $0x1;
	s10 =	sld [smem:$0x3FB6];
	_ =	sdelay $0x3  }
0x34: {  	[smem:$0x3FB6] =	sst s10  }
0x35: {  	s10 =	sld [smem:$0x3FB5];
	_ =	sdelay $0x3  }
0x36: {  	p1 =	seq.s32 s10, $0x1;
	s10 =	sld [smem:$0x3FB6];
	_ =	sdelay $0x3  }
0x37: {  	[smem:$0x3FB6] =	sst s10  }
0x38: {  	s10 =	sld [smem:$0x3FB7]  }
0x39: {  	_ = 	snop;
	(pc) =	sbr.ind lr, $3  }
0x3a: {  	_ = 	snop  }
0x3b: {  	_ = 	snop  }
0x3c: {  	p2 =	seq.s32 s10, $0x1;
	s10 =	sld [smem:$0x3FB6]  }
0x3d: {  	_ =	shalt  }
0x3e: {  	_ =	shalt  }
0x3f: {  	_ =	shalt  }
0x40: {  	_ =	shalt  }
0x41: {  	_ =	shalt  }
0x42: {  	_ =	shalt  }
0x43: {  	_ =	shalt  }
0x44: {  	_ =	shalt  }
0x45: {  	_ =	shalt  }
0x46: {  	_ =	shalt  }
0x47: {  	_ =	shalt  }
0x48: {  	_ =	shalt  }
0x49: {  	_ =	shalt  }
0x4a: {  	_ =	shalt  }
0x4b: {  	_ =	shalt  }
0x4c: {  	_ =	shalt  }
0x4d: {  	_ =	shalt  }
0x4e: {  	_ =	shalt  }
0x4f: {  	_ =	shalt  }
0x50: {  	_ =	shalt  }
0x51: {  	_ =	shalt  }
0x52: {  	_ =	shalt  }
0x53: {  	_ =	shalt  }
0x54: {  	_ =	shalt  }
0x55: {  	_ =	shalt  }
0x56: {  	_ =	shalt  }
0x57: {  	_ =	shalt  }
0x58: {  	_ =	shalt  }
0x59: {  	_ =	shalt  }
0x5a: {  	_ =	shalt  }
0x5b: {  	_ =	shalt  }
0x5c: {  	_ =	shalt  }
0x5d: {  	_ =	shalt  }
0x5e: {  	_ =	shalt  }
0x5f: {  	_ =	shalt  }
0x60: {  	_ =	shalt  }
0x61: {  	_ =	shalt  }
0x62: {  	_ =	shalt  }
0x63: {  	_ =	shalt  }
0x64: {  	_ =	shalt  }
0x65: {  	_ =	shalt  }
0x66: {  	_ =	shalt  }
0x67: {  	_ =	shalt  }
0x68: {  	_ =	shalt  }
0x69: {  	_ =	shalt  }
0x6a: {  	_ =	shalt  }
0x6b: {  	_ =	shalt  }
0x6c: {  	_ =	shalt  }
0x6d: {  	_ =	shalt  }
0x6e: {  	_ =	shalt  }
0x6f: {  	_ =	shalt  }
0x70: {  	_ =	shalt  }
0x71: {  	_ =	shalt  }
0x72: {  	_ =	shalt  }
0x73: {  	_ =	shalt  }
0x74: {  	_ =	shalt  }
0x75: {  	_ =	shalt  }
0x76: {  	_ =	shalt  }
0x77: {  	_ =	shalt  }
0x78: {  	_ =	shalt  }
0x79: {  	_ =	shalt  }
0x7a: {  	_ =	shalt  }
0x7b: {  	_ =	shalt  }
0x7c: {  	_ =	shalt  }
0x7d: {  	_ =	shalt  }
0x7e: {  	_ =	shalt  }
0x7f: {  	_ =	shalt  }
0x80: {  	_ =	shalt  }
0x81: {  	_ =	shalt  }
0x82: {  	_ =	shalt  }
0x83: {  	_ =	shalt  }
0x84: {  	_ =	shalt  }
0x85: {  	_ =	shalt  }
0x86: {  	_ =	shalt  }
0x87: {  	_ =	shalt  }
.Lfunc_end0:
.L_simem_size_0:
called_computation.1_lowered:
.L_overlay_start_0:
0x88: {  	s2 =	sld [smem:$0x3FD9]  }
0x89: {  	s3 =	sld [smem:$0x3FFE];
	_ =	sdelay $0x1  }
0x8a: {  	s1 =	srdreg.scid  }
0x8b: {  	s0 =	sand.u32 $0x1, s1  }
0x8c: {  	s17 =	sshll.u32 s0, $0xA;
	s2 =	sadd.s32 s3, s2  }
0x8d: {  	s2 =	sadd.s32 s2, s17  }
0x8e: {  	[smem:$0x3FC2] =	sst s2  }
0x8f: {  	_ = 	snop  }
0x90: {  	s2 =	sld [smem:$0x3FD0];
	(tm) =	ssettm $0x1  }
0x91: {  	s18 =	sld [smem:$0x3FFB];
	_ =	sdelay $0x3  }
0x92: {  	_ =	strace s18  }
0x93: {  	s3 =	sld [smem:$0x3FFC];
	_ =	sdelay $0x3  }
0x94: {  	_ =	strace s3  }
0x95: {  	s3 =	sld [smem:$0x3FFD];
	_ =	sdelay $0x3  }
0x96: {  	_ =	strace s3  }
0x97: {  	_ =	strace $0x8FFFFFFF  }
0x98: {  	s19 =	sld [smem:$0x3FDB];
	_ =	sdelay $0x1  }
0x99: {  	s4 =	simm.s32 $_scs_section_size  }
0x9a: {  	s5 =	simm.s32 $_size__tile_overlayer_lowered;
	s6 =	simm.s32 $_tile_overlayer_lowered  }
0x9b: {  	s22 =	simm.s32 $0x1BFF;
	s21 =	sshll.u32 s6, $0x1;
	s3 =	sadd.s32 s4, s19  }
0x9c: {  	s7 =	simm.s32 $0x0;
	s20 =	sshll.u32 s5, $0x1;
	s5 =	sadd.s32 s21, s3  }
0x9d: {  	[timem:s7], [sflag:s22] =	dma.local [hbm:s5], s20  }
0x9e: {  	_ =	swait.ge [sflag:s22], s20  }
0x9f: {  	s4 =	ssub.s32 $0x0, s20;
	[sflag:s22] =	ssyncset.done $0x0  }
0xa0: {  	[sflag:s22] =	ssyncadd.s32 s4;
	_ =	sdelay $0x1  }
0xa1: {  	s23 =	simm.s32 $0x1B8B  }
0xa2: {  	_ =	swait.ge [sflag:s23], $0x1  }
0xa3: {  	[sflag:s23] =	ssyncset.done $0x0  }
0xa4: {  	s25 =	simm.s32 $0x1B8E;
	s24 =	sld [smem:$0x3FFE];
	[sflag:s23] =	ssyncadd.s32 $0xFFFFFFFF  }
0xa5: {  	s26 =	simm.s32 $execute0_lowered;
	[smem:$0x3FD2] =	sst s25  }
0xa6: {  	s5 =	sshll.u32 s26, $0x1;
	_ =	strace $0x80000049;
	[dreg:$0x1] =	wrdreg $0xFFFFFFFF  }
0xa7: {  	s28 =	simm.s32 $_size_execute0_lowered;
	s3 =	sadd.s32 s3, s5;
	[dreg:$0x0] =	wrdreg $0x0  }
0xa8: {  	s5 =	sshll.u32 s28, $0x1;
	[dreg:$0x2] =	wrdreg s3  }
0xa9: {  	[dreg:$0x3] =	wrdreg s5  }
0xaa: {  	[dreg:$0x4] =	wrdreg $0xC0  }
0xab: {  	_ =	task [dreg:s7], $0x5FFFF  }
0xac: {  	[dreg:$0x1] =	wrdreg $0xFFFFFFFF  }
0xad: {  	[dreg:$0x0] =	wrdreg $0x60  }
0xae: {  	[dreg:$0x2] =	wrdreg s2  }
0xaf: {  	[dreg:$0x3] =	wrdreg s24  }
0xb0: {  	[dreg:$0x4] =	wrdreg $0x90000  }
0xb1: {  	[dreg:$0x5] =	wrdreg $0x9  }
0xb2: {  	_ =	task.clear_ibuf [dreg:s7], $0x6FFFF;
	_ =	strace $0x90000049  }
0xb3: {  	s29 =	simm.s32 $0x9;
	_ =	strace $0x8000004B  }
0xb4: {  	_ =	swait.ge [sflag:s29], $0x1  }
0xb5: {  	[sflag:s29] =	ssyncadd.s32 $0xFFFFFFFF  }
0xb6: {  	_ =	strace $0x9000004B  }
0xb7: {  	_ =	sfence  }
0xb8: {  	s30 =	sld [smem:$0x0];
	_ =	sdelay $0x2  }
0xb9: {  	s31 =	sshll.u32 s1, $0xD;
	s1 =	sshrl.u32 s1, $0x2  }
0xba: {  	s3 =	sand.u32 $0x4000, s31;
	s1 =	sadd.s32 s1, s30  }
0xbb: {  	s0 =	sor.u32 s3, s0;
	s1 =	sshll.u32 s1, $0x11  }
0xbc: {  	s0 =	sor.u32 s1, s0  }
0xbd: {  	s0 =	sadd.s32 $0x8F2B, s0  }
0xbe: {  	[sflag:s0] =	ssyncadd.remote.s32 $0x1  }
0xbf: {  	_ =	sfence.sel $0xFFFF  }
0xc0: {  	[dreg:$0x0] =	wrdreg $0xFFFFFFFF;
	(pc) =	sbr.abs _section_cstart, $3  }
0xc1: {  	[dreg:$0x1] =	wrdreg $0xFFFFFFFF  }
0xc2: {  	_ =	task.clear_ibuf [dreg:s7], $0x2FFFF;
	_ =	strace $0x9FFFFFFF  }
0xc3: {  	(tm) =	ssettm $0x7FFFFFFF  }
tec
execute0_lowered:
.L_overlay_start_1:
0x0: {  	(tag) =	ssettag $0x1  }
0x1: {  	s1 =	rddreg [dreg:$0x0]  }
0x2: {  	s0 =	srdreg.scid;
	s9 =	rddreg [dreg:$0x1]  }
0x3: {  	s3 =	rddreg [dreg:$0x2];
	s4 =	simm.s32 $0x0;
	s13 =	simm.s32 $0x6CA00  }
0x4: {  	s15 =	simm.s32 $0x5000;
	s16 =	simm.s32 $0x1;
	s17 =	simm.s32 $0x0  }
0x5: {  	s6 =	sand.u32 $0x1, s0;
	s0 =	stileid.u32;
	[smem:$0x7FF] =	sst s4  }
0x6: {  	s2 =	sshll.u32 s6, $0x4;
	s7 =	smul.u32 $0x50000, s0;
	s8 =	ssub.s32 $0x2, s6  }
0x7: {  	s30 =	sshll.u32 s0, $0x6;
	p0 =	seq.s32 s6, $0x1;
	s14 =	smul.u32 $0x2800, s0  }
0x8: {  	s5 =	sor.u32 s0, s2;
	s2 =	rddreg [dreg:$0x3];
	_ =	strace $0x8000004A  }
0x9: {  	s11 =	sshrl.u32 s8, $0x1;
	s6 =	sor.u32 $0x1C02, s30;
	s13 =	simm.s32 @!p0 $0x44A00  }
0xa: {  	s5 =	smul.u32 $0x500, s5;
	s7 =	sshrl.u32 s7, $0x2;
	s11 =	ssub.s32 s8, s11  }
0xb: {  	s31 =	sadd.s32 s13, s9;
	s13 =	simm.s32 $0x2800;
	s12 =	sadd.s32 s7, s3  }
0xc: {  	s10 =	sadd.s32 s5, s9;
	s5 =	sadd.s32 $0x42200, s9;
	s9 =	smax.u32 s11, $0x1  }
0xd: {  	s11 =	sshrl.u32 s12, $0x3;
	s12 =	simm.s32 $0x2;
	s7 =	sadd.s32 $0x11000, s10  }
0xe: {  	s8 =	sadd.s32 $0x7000, s10;
	s10 =	sadd.s32 s31, s14;
	s14 =	simm.s32 $0x7D  }
.LBB2_1:
0xf: {  	[spmem:s11], [sflag:s6] =	dma.local [hbm:s5], $0x2800  }
0x10: {  	_ =	swait.ge [sflag:s12], $0x2800  }
0x11: {  	[sflag:s12] =	ssyncset.done $0x0  }
0x12: {  	[sflag:s12] =	ssyncadd.s32 $0xFFFFD800  }
0x13: {  	[tilespmem:s4], [sflag:$0x2] =	stream.linear.gather [hbm4b:s7+s4], $0x2800, $0x38;
	[tilespmem:$0x1D000] =	vst v63  }
0x14: {  	_ =	swait.ge [sflag:s12], $0x2800  }
0x15: {  	[sflag:s12] =	ssyncset.done $0x0  }
0x16: {  	[sflag:s12] =	ssyncadd.s32 $0xFFFFD800  }
0x17: {  	[tilespmem:s13], [sflag:$0x2] =	stream.linear.gather [hbm4b:s8+s4], $0x2800, $0x38;
	[tilespmem:$0x1D000] =	vst v63  }
0x18: {  	_ =	swait.ge [sflag:s12], $0x2800  }
0x19: {  	[sflag:s12] =	ssyncset.done $0x0  }
0x1a: {  	[sflag:s12] =	ssyncadd.s32 $0xFFFFD800  }
0x1b: {  	s18 =	simm.s32 $0x0;
	[bflag:$0x0] =	sbarrier.arrive $0xFFFF  }
0x1c: {  	[tilespmem:s15], [sflag:$0x1] =	stream.indirect.gather [hbm4b:s1+s14], $0x80, s18, s14, $0xb8;
	[tilespmem:$0x1D000] =	vst v63  }
0x1d: {  	_ =	swait.ge [sflag:s16], $0x3E80  }
0x1e: {  	[sflag:s16] =	ssyncset.done $0x0  }
0x1f: {  	s31 =	simm.s32 $0x2800;
	[sflag:s16] =	ssyncadd.s32 $0xFFFFC180  }
0x20: {  	[spmem:s3] =	stream.indirect.scatter.add.f32 [tilespmem:s15], [sflag:$0x2], $0x80, s31, s14, $0xb8;
	[tilespmem:$0x1D000] =	vst v63  }
0x21: {  	_ =	swait.ge [sflag:s12], $0x3E80  }
0x22: {  	s19 =	simm.s32 $0x400;
	s18 =	simm.s32 $0x200;
	[sflag:s12] =	ssyncset.done $0x0  }
.LBB2_2:
0x23: {  	s20 =	sshra.s32 s18, $0x2  }
0x24: {  	[sflag:s12] =	ssyncadd.s32 $0xFFFFC180;
	s18 =	smov.u32 s19;
	s21 =	sadd.s32 $0x200, s19  }
0x25: {  	[tilespmem:s15], [sflag:$0x1] =	stream.indirect.gather [hbm4b:s1+s14], $0x80, s20, s14, $0xb8;
	[tilespmem:$0x1D000] =	vst v63  }
0x26: {  	p0 =	sne.s32 s19, $0x9E00;
	_ =	swait.ge [sflag:s16], $0x3E80  }
.Ltmp0:
0x27: {  	[sflag:s16] =	ssyncset.done $0x0;
	(pc) =	sbr.rel @p0 .LBB2_2-.Ltmp0, $4  }
0x28: {  	s19 =	sadd.s32 $0x2800, s20;
	[sflag:s16] =	ssyncadd.s32 $0xFFFFC180  }
0x29: {  	[spmem:s3] =	stream.indirect.scatter.add.f32 [tilespmem:s15], [sflag:$0x2], $0x80, s19, s14, $0xb8;
	[tilespmem:$0x1D000] =	vst v63  }
0x2a: {  	_ =	swait.ge [sflag:s12], $0x3E80  }
0x2b: {  	s19 =	smov.u32 s21;
	[sflag:s12] =	ssyncset.done $0x0  }
0x2c: {  	s18 =	sshra.s32 s18, $0x2;
	[sflag:s12] =	ssyncadd.s32 $0xFFFFC180  }
0x2d: {  	[tilespmem:s15], [sflag:$0x1] =	stream.indirect.gather [hbm4b:s1+s14], $0x80, s18, s14, $0xb8;
	[tilespmem:$0x1D000] =	vst v63  }
0x2e: {  	_ =	swait.ge [sflag:s16], $0x3E80  }
0x2f: {  	[sflag:s16] =	ssyncset.done $0x0  }
0x30: {  	s18 =	sadd.s32 $0x2800, s18;
	[sflag:s16] =	ssyncadd.s32 $0xFFFFC180  }
0x31: {  	[spmem:s3] =	stream.indirect.scatter.add.f32 [tilespmem:s15], [sflag:$0x2], $0x80, s18, s14, $0xb8;
	[tilespmem:$0x1D000] =	vst v63  }
0x32: {  	_ =	swait.ge [sflag:s12], $0x3E80  }
0x33: {  	s17 =	sadd.s32 $0x1, s17;
	[sflag:s12] =	ssyncset.done $0x0  }
0x34: {  	p0 =	sne.s32 s17, s9;
	[sflag:s12] =	ssyncadd.s32 $0xFFFFC180  }
.Ltmp1:
0x35: {  	[bflag:$0x0] =	sbarrier.arrive $0xFFFF;
	(pc) =	sbr.rel @p0 .LBB2_1-.Ltmp1, $4  }
0x36: {  	[hbm:s10], [sflag:s6] =	dma.local [spmem:s11], $0x2800  }
0x37: {  	_ =	swait.ge [sflag:s12], $0x2800  }
0x38: {  	[sflag:s12] =	ssyncset.done $0x0  }
0x39: {  	[sflag:s12] =	ssyncadd.s32 $0xFFFFD800  }
0x3a: {  	_ =	sfence.sel $0x180000  }
0x3b: {  	[bflag:$0x0] =	sbarrier.arrive $0xFFFF  }
0x3c: {  	p0 =	sne.s32 s0, $0x0;
	_ =	strace $0x9000004A  }
0x3d: {  	s0 =	sadd.s32 @!p0 $0x100000, s2;
	[bflag:$0x2] =	sbarrier.arrive $0xFFFF  }
0x3e: {  	[sflag:s0] =	ssyncadd.tile.s32 @!p0 $0x1;
	_ =	shalt  }
.Lfunc_end2:
_tile_overlayer_lowered:
.L_overlay_start_2:
0x3f: {  	(tag) =	ssettag $0x2  }
0x40: {  	s0 =	rddreg [dreg:$0x0];
	s2 =	stileid.u32  }
0x41: {  	s1 =	rddreg [dreg:$0x1];
	p0 =	sne.s32 s2, $0x0  }
0x42: {  	s3 =	rddreg [dreg:$0x2];
	[bflag:$0x3] =	sbarrier.arrive $0xFFFF;
	s2 =	simm.s32 @!p0 $0x1C02  }
0x43: {  	[timem:s3], [sflag:s2] =	dma.local @!p0 [hbm:s0], s1  }
0x44: {  	s0 =	simm.s32 @!p0 $0x2  }
0x45: {  	_ =	swait.ge @!p0 [sflag:s0], s1  }
0x46: {  	s1 =	ssub.s32 @!p0 $0x0, s1;
	[sflag:s0] =	ssyncset.done @!p0 $0x0  }
0x47: {  	[sflag:s0] =	ssyncadd.s32 @!p0 s1  }
0x48: {  	[bflag:$0x3] =	sbarrier.arrive $0xFFFF  }
0x49: {  	_ =	shalt  }

// kernel: kernel.18.cloned.1.call-start
scs
__scs_entry_jumppad:
0x0: {  	(pc) =	sbr.rel $0x88, $3  }
0x1: {  	(tag) =	ssettag $0x0;
	lr =	simm.s32 $0x1  }
0x2: {  	[smem:$0x3F9B] =	sst lr;
	_ =	strace $0xD0000000  }
0x3: {  	_ = 	snop  }
0x4: {  	_ = 	snop  }
0x5: {  	_ = 	snop  }
0x6: {  	_ = 	snop  }
0x7: {  	_ = 	snop  }
__scs_overlays_trampoline_lowered:
0x8: {  	[smem:$0x3FAA] =	sst s0  }
0x9: {  	[smem:$0x3FAB] =	sst s1  }
0xa: {  	[smem:$0x3FAC] =	sst s2  }
0xb: {  	[smem:$0x3FAD] =	sst s3  }
0xc: {  	[smem:$0x3FAE] =	sst s4  }
0xd: {  	[smem:$0x3FAF] =	sst s5  }
0xe: {  	[smem:$0x3FB0] =	sst s6  }
0xf: {  	[smem:$0x3FB1] =	sst s7  }
0x10: {  	[smem:$0x3FB2] =	sst s8  }
0x11: {  	[smem:$0x3FB3] =	sst s9;
	s0 =	simm.s32 @!p0 $0x0  }
0x12: {  	s1 =	sld [smem:$0x3F99];
	s0 =	simm.s32 @p0 $0x1  }
0x13: {  	[smem:$0x3FB4] =	sst s0;
	s0 =	simm.s32 @!p1 $0x0  }
0x14: {  	s2 =	sld [smem:$0x3F98];
	s0 =	simm.s32 @p1 $0x1  }
0x15: {  	[smem:$0x3FB5] =	sst s0;
	s0 =	simm.s32 @!p2 $0x0  }
0x16: {  	s3 =	sld [smem:$0x3FDB];
	s0 =	simm.s32 @p2 $0x1  }
0x17: {  	s4 =	simm.s32 $0x1BF5;
	[smem:$0x3FB7] =	sst s0  }
0x18: {  	s0 =	sld [smem:$0x3F9A];
	_ =	swait.ge [sflag:s4], $0x0  }
0x19: {  	s7 =	sld [smem:$0x3F9B]  }
0x1a: {  	s8 =	sadd.s32 $0xFFFFE003, lr  }
0x1b: {  	s9 =	sadd.s32 $0xFFFFFEF7, lr;
	s5 =	simm.s32 $0xFFFFFFFF;
	p2 =	slt.u32 s8, $0xFFFFF086  }
0x1c: {  	p1 =	slt.u32 s9, $0xF7A;
	s5 =	simm.s32 @!p2 $0x0  }
0x1d: {  	s5 =	simm.s32 @p1 $0x1;
	p0 =	seq.s32 s7, s2  }
0x1e: {  	s7 =	smul.u32 @!p0 $0xF7A, s2;
	p2 =	seq.s32 @!p0 s5, $0x0  }
0x1f: {  	s9 =	smul.u32 $0xF7A, s1;
	s8 =	simm.s32 @!p0 $0x1BF5;
	p2 =	por !p2, p0  }
0x20: {  	[sflag:s8] =	ssyncset.s32 @!p0 $0xFFFFF086;
	s6 =	sadd.s32 @!p0 s3, s7;
	s7 =	simm.s32 @!p0 $0x108  }
0x21: {  	s3 =	sadd.s32 s3, s9;
	s6 =	sadd.s32 @!p0 $0x88, s6;
	s7 =	simm.s32 @p2 $0x1082  }
0x22: {  	[simem:s7], [sflag:s8] =	dma.local @!p0 [hbm:s6], $0xF7A  }
0x23: {  	s9 =	sor.u32 $0xD0000000, s2;
	s6 =	simm.s32 $0x108;
	_ =	swait.ge @!p0 [sflag:s8], $0x0  }
0x24: {  	s3 =	sadd.s32 $0x88, s3;
	s6 =	simm.s32 @!p1 $0x1082;
	[sflag:s4] =	ssyncset.s32 $0xFFFFF086  }
0x25: {  	[simem:s6], [sflag:s4] =	dma.local [hbm:s3], $0xF7A  }
0x26: {  	[smem:$0x3F9B] =	sst s1;
	(tag) =	ssettag s2;
	_ =	strace s9  }
0x27: {  	s1 =	sld [smem:$0x3FAB]  }
0x28: {  	s2 =	sld [smem:$0x3FAC]  }
0x29: {  	s4 =	sld [smem:$0x3FAE]  }
0x2a: {  	p0 =	seq.s32 s5, $0x0;
	s5 =	sld [smem:$0x3FAF]  }
0x2b: {  	s6 =	sld [smem:$0x3FB0]  }
0x2c: {  	s7 =	sld [smem:$0x3FB1]  }
0x2d: {  	s3 =	simm.s32 $0x108;
	s8 =	sld [smem:$0x3FB2]  }
0x2e: {  	s3 =	simm.s32 @!p0 $0x1082;
	s9 =	sld [smem:$0x3FB3]  }
0x2f: {  	lr =	sadd.s32 s0, s3;
	s0 =	sld [smem:$0x3FAA]  }
0x30: {  	s3 =	sld [smem:$0x3FAD]  }
0x31: {  	[smem:$0x3FB6] =	sst s10  }
0x32: {  	s10 =	sld [smem:$0x3FB4];
	_ =	sdelay $0x3  }
0x33: {  	p0 =	seq.s32 s10, $0x1;
	s10 =	sld [smem:$0x3FB6];
	_ =	sdelay $0x3  }
0x34: {  	[smem:$0x3FB6] =	sst s10  }
0x35: {  	s10 =	sld [smem:$0x3FB5];
	_ =	sdelay $0x3  }
0x36: {  	p1 =	seq.s32 s10, $0x1;
	s10 =	sld [smem:$0x3FB6];
	_ =	sdelay $0x3  }
0x37: {  	[smem:$0x3FB6] =	sst s10  }
0x38: {  	s10 =	sld [smem:$0x3FB7]  }
0x39: {  	_ = 	snop;
	(pc) =	sbr.ind lr, $3  }
0x3a: {  	_ = 	snop  }
0x3b: {  	_ = 	snop  }
0x3c: {  	p2 =	seq.s32 s10, $0x1;
	s10 =	sld [smem:$0x3FB6]  }
0x3d: {  	_ =	shalt  }
0x3e: {  	_ =	shalt  }
0x3f: {  	_ =	shalt  }
0x40: {  	_ =	shalt  }
0x41: {  	_ =	shalt  }
0x42: {  	_ =	shalt  }
0x43: {  	_ =	shalt  }
0x44: {  	_ =	shalt  }
0x45: {  	_ =	shalt  }
0x46: {  	_ =	shalt  }
0x47: {  	_ =	shalt  }
0x48: {  	_ =	shalt  }
0x49: {  	_ =	shalt  }
0x4a: {  	_ =	shalt  }
0x4b: {  	_ =	shalt  }
0x4c: {  	_ =	shalt  }
0x4d: {  	_ =	shalt  }
0x4e: {  	_ =	shalt  }
0x4f: {  	_ =	shalt  }
0x50: {  	_ =	shalt  }
0x51: {  	_ =	shalt  }
0x52: {  	_ =	shalt  }
0x53: {  	_ =	shalt  }
0x54: {  	_ =	shalt  }
0x55: {  	_ =	shalt  }
0x56: {  	_ =	shalt  }
0x57: {  	_ =	shalt  }
0x58: {  	_ =	shalt  }
0x59: {  	_ =	shalt  }
0x5a: {  	_ =	shalt  }
0x5b: {  	_ =	shalt  }
0x5c: {  	_ =	shalt  }
0x5d: {  	_ =	shalt  }
0x5e: {  	_ =	shalt  }
0x5f: {  	_ =	shalt  }
0x60: {  	_ =	shalt  }
0x61: {  	_ =	shalt  }
0x62: {  	_ =	shalt  }
0x63: {  	_ =	shalt  }
0x64: {  	_ =	shalt  }
0x65: {  	_ =	shalt  }
0x66: {  	_ =	shalt  }
0x67: {  	_ =	shalt  }
0x68: {  	_ =	shalt  }
0x69: {  	_ =	shalt  }
0x6a: {  	_ =	shalt  }
0x6b: {  	_ =	shalt  }
0x6c: {  	_ =	shalt  }
0x6d: {  	_ =	shalt  }
0x6e: {  	_ =	shalt  }
0x6f: {  	_ =	shalt  }
0x70: {  	_ =	shalt  }
0x71: {  	_ =	shalt  }
0x72: {  	_ =	shalt  }
0x73: {  	_ =	shalt  }
0x74: {  	_ =	shalt  }
0x75: {  	_ =	shalt  }
0x76: {  	_ =	shalt  }
0x77: {  	_ =	shalt  }
0x78: {  	_ =	shalt  }
0x79: {  	_ =	shalt  }
0x7a: {  	_ =	shalt  }
0x7b: {  	_ =	shalt  }
0x7c: {  	_ =	shalt  }
0x7d: {  	_ =	shalt  }
0x7e: {  	_ =	shalt  }
0x7f: {  	_ =	shalt  }
0x80: {  	_ =	shalt  }
0x81: {  	_ =	shalt  }
0x82: {  	_ =	shalt  }
0x83: {  	_ =	shalt  }
0x84: {  	_ =	shalt  }
0x85: {  	_ =	shalt  }
0x86: {  	_ =	shalt  }
0x87: {  	_ =	shalt  }
.Lfunc_end0:
.L_simem_size_0:
called_computation.2_lowered:
.L_overlay_start_0:
0x88: {  	s2 =	sld [smem:$0x3FD9]  }
0x89: {  	s3 =	sld [smem:$0x3FFE];
	_ =	sdelay $0x1  }
0x8a: {  	s1 =	srdreg.scid  }
0x8b: {  	s0 =	sand.u32 $0x1, s1  }
0x8c: {  	s17 =	sshll.u32 s0, $0xA;
	s2 =	sadd.s32 s3, s2  }
0x8d: {  	s2 =	sadd.s32 s2, s17  }
0x8e: {  	[smem:$0x3FC2] =	sst s2  }
0x8f: {  	_ = 	snop  }
0x90: {  	s2 =	sld [smem:$0x3FD0];
	(tm) =	ssettm $0x1  }
0x91: {  	s18 =	sld [smem:$0x3FFB];
	_ =	sdelay $0x3  }
0x92: {  	_ =	strace s18  }
0x93: {  	s3 =	sld [smem:$0x3FFC];
	_ =	sdelay $0x3  }
0x94: {  	_ =	strace s3  }
0x95: {  	s3 =	sld [smem:$0x3FFD];
	_ =	sdelay $0x3  }
0x96: {  	_ =	strace s3  }
0x97: {  	_ =	strace $0x8FFFFFFF  }
0x98: {  	s19 =	sld [smem:$0x3FDB];
	_ =	sdelay $0x1  }
0x99: {  	s4 =	simm.s32 $_scs_section_size  }
0x9a: {  	s5 =	simm.s32 $_size__tile_overlayer_lowered;
	s6 =	simm.s32 $_tile_overlayer_lowered  }
0x9b: {  	s22 =	simm.s32 $0x1BFF;
	s21 =	sshll.u32 s6, $0x1;
	s3 =	sadd.s32 s4, s19  }
0x9c: {  	s7 =	simm.s32 $0x0;
	s20 =	sshll.u32 s5, $0x1;
	s5 =	sadd.s32 s21, s3  }
0x9d: {  	[timem:s7], [sflag:s22] =	dma.local [hbm:s5], s20  }
0x9e: {  	_ =	swait.ge [sflag:s22], s20  }
0x9f: {  	s4 =	ssub.s32 $0x0, s20;
	[sflag:s22] =	ssyncset.done $0x0  }
0xa0: {  	[sflag:s22] =	ssyncadd.s32 s4;
	_ =	sdelay $0x1  }
0xa1: {  	s23 =	simm.s32 $0x1B8B  }
0xa2: {  	_ =	swait.ge [sflag:s23], $0x1  }
0xa3: {  	[sflag:s23] =	ssyncset.done $0x0  }
0xa4: {  	s25 =	simm.s32 $0x1B8E;
	s24 =	sld [smem:$0x3FFE];
	[sflag:s23] =	ssyncadd.s32 $0xFFFFFFFF  }
0xa5: {  	s26 =	simm.s32 $execute0_lowered;
	[smem:$0x3FD2] =	sst s25  }
0xa6: {  	s5 =	sshll.u32 s26, $0x1;
	_ =	strace $0x8000004C;
	[dreg:$0x1] =	wrdreg $0xFFFFFFFF  }
0xa7: {  	s28 =	simm.s32 $_size_execute0_lowered;
	s3 =	sadd.s32 s3, s5;
	[dreg:$0x0] =	wrdreg $0x0  }
0xa8: {  	s5 =	sshll.u32 s28, $0x1;
	[dreg:$0x2] =	wrdreg s3  }
0xa9: {  	[dreg:$0x3] =	wrdreg s5  }
0xaa: {  	[dreg:$0x4] =	wrdreg $0xC0  }
0xab: {  	_ =	task [dreg:s7], $0x5FFFF  }
0xac: {  	[dreg:$0x1] =	wrdreg $0xFFFFFFFF  }
0xad: {  	[dreg:$0x0] =	wrdreg $0x60  }
0xae: {  	[dreg:$0x2] =	wrdreg s2  }
0xaf: {  	[dreg:$0x3] =	wrdreg s24  }
0xb0: {  	[dreg:$0x4] =	wrdreg $0x90000  }
0xb1: {  	[dreg:$0x5] =	wrdreg $0x9  }
0xb2: {  	_ =	task.clear_ibuf [dreg:s7], $0x6FFFF;
	_ =	strace $0x9000004C  }
0xb3: {  	s29 =	simm.s32 $0x9;
	_ =	strace $0x8000004E  }
0xb4: {  	_ =	swait.ge [sflag:s29], $0x1  }
0xb5: {  	[sflag:s29] =	ssyncadd.s32 $0xFFFFFFFF  }
0xb6: {  	_ =	strace $0x9000004E  }
0xb7: {  	_ =	sfence  }
0xb8: {  	s30 =	sld [smem:$0x0];
	_ =	sdelay $0x2  }
0xb9: {  	s31 =	sshll.u32 s1, $0xD;
	s1 =	sshrl.u32 s1, $0x2  }
0xba: {  	s3 =	sand.u32 $0x4000, s31;
	s1 =	sadd.s32 s1, s30  }
0xbb: {  	s0 =	sor.u32 s3, s0;
	s1 =	sshll.u32 s1, $0x11  }
0xbc: {  	s0 =	sor.u32 s1, s0  }
0xbd: {  	s0 =	sadd.s32 $0x8F2B, s0  }
0xbe: {  	[sflag:s0] =	ssyncadd.remote.s32 $0x1  }
0xbf: {  	_ =	sfence.sel $0xFFFF  }
0xc0: {  	[dreg:$0x0] =	wrdreg $0xFFFFFFFF;
	(pc) =	sbr.abs _section_cstart, $3  }
0xc1: {  	[dreg:$0x1] =	wrdreg $0xFFFFFFFF  }
0xc2: {  	_ =	task.clear_ibuf [dreg:s7], $0x2FFFF;
	_ =	strace $0x9FFFFFFF  }
0xc3: {  	(tm) =	ssettm $0x7FFFFFFF  }
tec
execute0_lowered:
.L_overlay_start_1:
0x0: {  	(tag) =	ssettag $0x1  }
0x1: {  	s1 =	rddreg [dreg:$0x0]  }
0x2: {  	s0 =	srdreg.scid;
	s9 =	rddreg [dreg:$0x1]  }
0x3: {  	s3 =	rddreg [dreg:$0x2];
	s4 =	simm.s32 $0x0;
	s13 =	simm.s32 $0x6CA00  }
0x4: {  	s15 =	simm.s32 $0x5000;
	s16 =	simm.s32 $0x1;
	s17 =	simm.s32 $0x0  }
0x5: {  	s6 =	sand.u32 $0x1, s0;
	s0 =	stileid.u32;
	[smem:$0x7FF] =	sst s4  }
0x6: {  	s2 =	sshll.u32 s6, $0x4;
	s7 =	smul.u32 $0x50000, s0;
	s8 =	ssub.s32 $0x2, s6  }
0x7: {  	s30 =	sshll.u32 s0, $0x6;
	p0 =	seq.s32 s6, $0x1;
	s14 =	smul.u32 $0x2800, s0  }
0x8: {  	s5 =	sor.u32 s0, s2;
	s2 =	rddreg [dreg:$0x3];
	_ =	strace $0x8000004D  }
0x9: {  	s11 =	sshrl.u32 s8, $0x1;
	s6 =	sor.u32 $0x1C02, s30;
	s13 =	simm.s32 @!p0 $0x44A00  }
0xa: {  	s5 =	smul.u32 $0x500, s5;
	s7 =	sshrl.u32 s7, $0x2;
	s11 =	ssub.s32 s8, s11  }
0xb: {  	s31 =	sadd.s32 s13, s9;
	s13 =	simm.s32 $0x2800;
	s12 =	sadd.s32 s7, s3  }
0xc: {  	s10 =	sadd.s32 s5, s9;
	s5 =	sadd.s32 $0x42200, s9;
	s9 =	smax.u32 s11, $0x1  }
0xd: {  	s11 =	sshrl.u32 s12, $0x3;
	s12 =	simm.s32 $0x2;
	s7 =	sadd.s32 $0x11000, s10  }
0xe: {  	s8 =	sadd.s32 $0x7000, s10;
	s10 =	sadd.s32 s31, s14;
	s14 =	simm.s32 $0x7D  }
.LBB2_1:
0xf: {  	[spmem:s11], [sflag:s6] =	dma.local [hbm:s5], $0x2800  }
0x10: {  	_ =	swait.ge [sflag:s12], $0x2800  }
0x11: {  	[sflag:s12] =	ssyncset.done $0x0  }
0x12: {  	[sflag:s12] =	ssyncadd.s32 $0xFFFFD800  }
0x13: {  	[tilespmem:s4], [sflag:$0x2] =	stream.linear.gather [hbm4b:s7+s4], $0x2800, $0x38;
	[tilespmem:$0x1D000] =	vst v63  }
0x14: {  	_ =	swait.ge [sflag:s12], $0x2800  }
0x15: {  	[sflag:s12] =	ssyncset.done $0x0  }
0x16: {  	[sflag:s12] =	ssyncadd.s32 $0xFFFFD800  }
0x17: {  	[tilespmem:s13], [sflag:$0x2] =	stream.linear.gather [hbm4b:s8+s4], $0x2800, $0x38;
	[tilespmem:$0x1D000] =	vst v63  }
0x18: {  	_ =	swait.ge [sflag:s12], $0x2800  }
0x19: {  	[sflag:s12] =	ssyncset.done $0x0  }
0x1a: {  	[sflag:s12] =	ssyncadd.s32 $0xFFFFD800  }
0x1b: {  	s18 =	simm.s32 $0x0;
	[bflag:$0x0] =	sbarrier.arrive $0xFFFF  }
0x1c: {  	[tilespmem:s15], [sflag:$0x1] =	stream.indirect.gather [hbm4b:s1+s14], $0x80, s18, s14, $0xb8;
	[tilespmem:$0x1D000] =	vst v63  }
0x1d: {  	_ =	swait.ge [sflag:s16], $0x3E80  }
0x1e: {  	[sflag:s16] =	ssyncset.done $0x0  }
0x1f: {  	s31 =	simm.s32 $0x2800;
	[sflag:s16] =	ssyncadd.s32 $0xFFFFC180  }
0x20: {  	[spmem:s3] =	stream.indirect.scatter.add.f32 [tilespmem:s15], [sflag:$0x2], $0x80, s31, s14, $0xb8;
	[tilespmem:$0x1D000] =	vst v63  }
0x21: {  	_ =	swait.ge [sflag:s12], $0x3E80  }
0x22: {  	s19 =	simm.s32 $0x400;
	s18 =	simm.s32 $0x200;
	[sflag:s12] =	ssyncset.done $0x0  }
.LBB2_2:
0x23: {  	s20 =	sshra.s32 s18, $0x2  }
0x24: {  	[sflag:s12] =	ssyncadd.s32 $0xFFFFC180;
	s18 =	smov.u32 s19;
	s21 =	sadd.s32 $0x200, s19  }
0x25: {  	[tilespmem:s15], [sflag:$0x1] =	stream.indirect.gather [hbm4b:s1+s14], $0x80, s20, s14, $0xb8;
	[tilespmem:$0x1D000] =	vst v63  }
0x26: {  	p0 =	sne.s32 s19, $0x9E00;
	_ =	swait.ge [sflag:s16], $0x3E80  }
.Ltmp0:
0x27: {  	[sflag:s16] =	ssyncset.done $0x0;
	(pc) =	sbr.rel @p0 .LBB2_2-.Ltmp0, $4  }
0x28: {  	s19 =	sadd.s32 $0x2800, s20;
	[sflag:s16] =	ssyncadd.s32 $0xFFFFC180  }
0x29: {  	[spmem:s3] =	stream.indirect.scatter.add.f32 [tilespmem:s15], [sflag:$0x2], $0x80, s19, s14, $0xb8;
	[tilespmem:$0x1D000] =	vst v63  }
0x2a: {  	_ =	swait.ge [sflag:s12], $0x3E80  }
0x2b: {  	s19 =	smov.u32 s21;
	[sflag:s12] =	ssyncset.done $0x0  }
0x2c: {  	s18 =	sshra.s32 s18, $0x2;
	[sflag:s12] =	ssyncadd.s32 $0xFFFFC180  }
0x2d: {  	[tilespmem:s15], [sflag:$0x1] =	stream.indirect.gather [hbm4b:s1+s14], $0x80, s18, s14, $0xb8;
	[tilespmem:$0x1D000] =	vst v63  }
0x2e: {  	_ =	swait.ge [sflag:s16], $0x3E80  }
0x2f: {  	[sflag:s16] =	ssyncset.done $0x0  }
0x30: {  	s18 =	sadd.s32 $0x2800, s18;
	[sflag:s16] =	ssyncadd.s32 $0xFFFFC180  }
0x31: {  	[spmem:s3] =	stream.indirect.scatter.add.f32 [tilespmem:s15], [sflag:$0x2], $0x80, s18, s14, $0xb8;
	[tilespmem:$0x1D000] =	vst v63  }
0x32: {  	_ =	swait.ge [sflag:s12], $0x3E80  }
0x33: {  	s17 =	sadd.s32 $0x1, s17;
	[sflag:s12] =	ssyncset.done $0x0  }
0x34: {  	p0 =	sne.s32 s17, s9;
	[sflag:s12] =	ssyncadd.s32 $0xFFFFC180  }
.Ltmp1:
0x35: {  	[bflag:$0x0] =	sbarrier.arrive $0xFFFF;
	(pc) =	sbr.rel @p0 .LBB2_1-.Ltmp1, $4  }
0x36: {  	[hbm:s10], [sflag:s6] =	dma.local [spmem:s11], $0x2800  }
0x37: {  	_ =	swait.ge [sflag:s12], $0x2800  }
0x38: {  	[sflag:s12] =	ssyncset.done $0x0  }
0x39: {  	[sflag:s12] =	ssyncadd.s32 $0xFFFFD800  }
0x3a: {  	_ =	sfence.sel $0x180000  }
0x3b: {  	[bflag:$0x0] =	sbarrier.arrive $0xFFFF  }
0x3c: {  	p0 =	sne.s32 s0, $0x0;
	_ =	strace $0x9000004D  }
0x3d: {  	s0 =	sadd.s32 @!p0 $0x100000, s2;
	[bflag:$0x2] =	sbarrier.arrive $0xFFFF  }
0x3e: {  	[sflag:s0] =	ssyncadd.tile.s32 @!p0 $0x1;
	_ =	shalt  }
.Lfunc_end2:
_tile_overlayer_lowered:
.L_overlay_start_2:
0x3f: {  	(tag) =	ssettag $0x2  }
0x40: {  	s0 =	rddreg [dreg:$0x0];
	s2 =	stileid.u32  }
0x41: {  	s1 =	rddreg [dreg:$0x1];
	p0 =	sne.s32 s2, $0x0  }
0x42: {  	s3 =	rddreg [dreg:$0x2];
	[bflag:$0x3] =	sbarrier.arrive $0xFFFF;
	s2 =	simm.s32 @!p0 $0x1C02  }
0x43: {  	[timem:s3], [sflag:s2] =	dma.local @!p0 [hbm:s0], s1  }
0x44: {  	s0 =	simm.s32 @!p0 $0x2  }
0x45: {  	_ =	swait.ge @!p0 [sflag:s0], s1  }
0x46: {  	s1 =	ssub.s32 @!p0 $0x0, s1;
	[sflag:s0] =	ssyncset.done @!p0 $0x0  }
0x47: {  	[sflag:s0] =	ssyncadd.s32 @!p0 s1  }
0x48: {  	[bflag:$0x3] =	sbarrier.arrive $0xFFFF  }
0x49: {  	_ =	shalt  }

// kernel: kernel.21.cloned.1.call-start
scs
__scs_entry_jumppad:
0x0: {  	(pc) =	sbr.rel $0x88, $3  }
0x1: {  	(tag) =	ssettag $0x0;
	lr =	simm.s32 $0x1  }
0x2: {  	[smem:$0x3F9B] =	sst lr;
	_ =	strace $0xD0000000  }
0x3: {  	_ = 	snop  }
0x4: {  	_ = 	snop  }
0x5: {  	_ = 	snop  }
0x6: {  	_ = 	snop  }
0x7: {  	_ = 	snop  }
__scs_overlays_trampoline_lowered:
0x8: {  	[smem:$0x3FAA] =	sst s0  }
0x9: {  	[smem:$0x3FAB] =	sst s1  }
0xa: {  	[smem:$0x3FAC] =	sst s2  }
0xb: {  	[smem:$0x3FAD] =	sst s3  }
0xc: {  	[smem:$0x3FAE] =	sst s4  }
0xd: {  	[smem:$0x3FAF] =	sst s5  }
0xe: {  	[smem:$0x3FB0] =	sst s6  }
0xf: {  	[smem:$0x3FB1] =	sst s7  }
0x10: {  	[smem:$0x3FB2] =	sst s8  }
0x11: {  	[smem:$0x3FB3] =	sst s9;
	s0 =	simm.s32 @!p0 $0x0  }
0x12: {  	s1 =	sld [smem:$0x3F99];
	s0 =	simm.s32 @p0 $0x1  }
0x13: {  	[smem:$0x3FB4] =	sst s0;
	s0 =	simm.s32 @!p1 $0x0  }
0x14: {  	s2 =	sld [smem:$0x3F98];
	s0 =	simm.s32 @p1 $0x1  }
0x15: {  	[smem:$0x3FB5] =	sst s0;
	s0 =	simm.s32 @!p2 $0x0  }
0x16: {  	s3 =	sld [smem:$0x3FDB];
	s0 =	simm.s32 @p2 $0x1  }
0x17: {  	s4 =	simm.s32 $0x1BF5;
	[smem:$0x3FB7] =	sst s0  }
0x18: {  	s0 =	sld [smem:$0x3F9A];
	_ =	swait.ge [sflag:s4], $0x0  }
0x19: {  	s7 =	sld [smem:$0x3F9B]  }
0x1a: {  	s8 =	sadd.s32 $0xFFFFE003, lr  }
0x1b: {  	s9 =	sadd.s32 $0xFFFFFEF7, lr;
	s5 =	simm.s32 $0xFFFFFFFF;
	p2 =	slt.u32 s8, $0xFFFFF086  }
0x1c: {  	p1 =	slt.u32 s9, $0xF7A;
	s5 =	simm.s32 @!p2 $0x0  }
0x1d: {  	s5 =	simm.s32 @p1 $0x1;
	p0 =	seq.s32 s7, s2  }
0x1e: {  	s7 =	smul.u32 @!p0 $0xF7A, s2;
	p2 =	seq.s32 @!p0 s5, $0x0  }
0x1f: {  	s9 =	smul.u32 $0xF7A, s1;
	s8 =	simm.s32 @!p0 $0x1BF5;
	p2 =	por !p2, p0  }
0x20: {  	[sflag:s8] =	ssyncset.s32 @!p0 $0xFFFFF086;
	s6 =	sadd.s32 @!p0 s3, s7;
	s7 =	simm.s32 @!p0 $0x108  }
0x21: {  	s3 =	sadd.s32 s3, s9;
	s6 =	sadd.s32 @!p0 $0x88, s6;
	s7 =	simm.s32 @p2 $0x1082  }
0x22: {  	[simem:s7], [sflag:s8] =	dma.local @!p0 [hbm:s6], $0xF7A  }
0x23: {  	s9 =	sor.u32 $0xD0000000, s2;
	s6 =	simm.s32 $0x108;
	_ =	swait.ge @!p0 [sflag:s8], $0x0  }
0x24: {  	s3 =	sadd.s32 $0x88, s3;
	s6 =	simm.s32 @!p1 $0x1082;
	[sflag:s4] =	ssyncset.s32 $0xFFFFF086  }
0x25: {  	[simem:s6], [sflag:s4] =	dma.local [hbm:s3], $0xF7A  }
0x26: {  	[smem:$0x3F9B] =	sst s1;
	(tag) =	ssettag s2;
	_ =	strace s9  }
0x27: {  	s1 =	sld [smem:$0x3FAB]  }
0x28: {  	s2 =	sld [smem:$0x3FAC]  }
0x29: {  	s4 =	sld [smem:$0x3FAE]  }
0x2a: {  	p0 =	seq.s32 s5, $0x0;
	s5 =	sld [smem:$0x3FAF]  }
0x2b: {  	s6 =	sld [smem:$0x3FB0]  }
0x2c: {  	s7 =	sld [smem:$0x3FB1]  }
0x2d: {  	s3 =	simm.s32 $0x108;
	s8 =	sld [smem:$0x3FB2]  }
0x2e: {  	s3 =	simm.s32 @!p0 $0x1082;
	s9 =	sld [smem:$0x3FB3]  }
0x2f: {  	lr =	sadd.s32 s0, s3;
	s0 =	sld [smem:$0x3FAA]  }
0x30: {  	s3 =	sld [smem:$0x3FAD]  }
0x31: {  	[smem:$0x3FB6] =	sst s10  }
0x32: {  	s10 =	sld [smem:$0x3FB4];
	_ =	sdelay $0x3  }
0x33: {  	p0 =	seq.s32 s10, $0x1;
	s10 =	sld [smem:$0x3FB6];
	_ =	sdelay $0x3  }
0x34: {  	[smem:$0x3FB6] =	sst s10  }
0x35: {  	s10 =	sld [smem:$0x3FB5];
	_ =	sdelay $0x3  }
0x36: {  	p1 =	seq.s32 s10, $0x1;
	s10 =	sld [smem:$0x3FB6];
	_ =	sdelay $0x3  }
0x37: {  	[smem:$0x3FB6] =	sst s10  }
0x38: {  	s10 =	sld [smem:$0x3FB7]  }
0x39: {  	_ = 	snop;
	(pc) =	sbr.ind lr, $3  }
0x3a: {  	_ = 	snop  }
0x3b: {  	_ = 	snop  }
0x3c: {  	p2 =	seq.s32 s10, $0x1;
	s10 =	sld [smem:$0x3FB6]  }
0x3d: {  	_ =	shalt  }
0x3e: {  	_ =	shalt  }
0x3f: {  	_ =	shalt  }
0x40: {  	_ =	shalt  }
0x41: {  	_ =	shalt  }
0x42: {  	_ =	shalt  }
0x43: {  	_ =	shalt  }
0x44: {  	_ =	shalt  }
0x45: {  	_ =	shalt  }
0x46: {  	_ =	shalt  }
0x47: {  	_ =	shalt  }
0x48: {  	_ =	shalt  }
0x49: {  	_ =	shalt  }
0x4a: {  	_ =	shalt  }
0x4b: {  	_ =	shalt  }
0x4c: {  	_ =	shalt  }
0x4d: {  	_ =	shalt  }
0x4e: {  	_ =	shalt  }
0x4f: {  	_ =	shalt  }
0x50: {  	_ =	shalt  }
0x51: {  	_ =	shalt  }
0x52: {  	_ =	shalt  }
0x53: {  	_ =	shalt  }
0x54: {  	_ =	shalt  }
0x55: {  	_ =	shalt  }
0x56: {  	_ =	shalt  }
0x57: {  	_ =	shalt  }
0x58: {  	_ =	shalt  }
0x59: {  	_ =	shalt  }
0x5a: {  	_ =	shalt  }
0x5b: {  	_ =	shalt  }
0x5c: {  	_ =	shalt  }
0x5d: {  	_ =	shalt  }
0x5e: {  	_ =	shalt  }
0x5f: {  	_ =	shalt  }
0x60: {  	_ =	shalt  }
0x61: {  	_ =	shalt  }
0x62: {  	_ =	shalt  }
0x63: {  	_ =	shalt  }
0x64: {  	_ =	shalt  }
0x65: {  	_ =	shalt  }
0x66: {  	_ =	shalt  }
0x67: {  	_ =	shalt  }
0x68: {  	_ =	shalt  }
0x69: {  	_ =	shalt  }
0x6a: {  	_ =	shalt  }
0x6b: {  	_ =	shalt  }
0x6c: {  	_ =	shalt  }
0x6d: {  	_ =	shalt  }
0x6e: {  	_ =	shalt  }
0x6f: {  	_ =	shalt  }
0x70: {  	_ =	shalt  }
0x71: {  	_ =	shalt  }
0x72: {  	_ =	shalt  }
0x73: {  	_ =	shalt  }
0x74: {  	_ =	shalt  }
0x75: {  	_ =	shalt  }
0x76: {  	_ =	shalt  }
0x77: {  	_ =	shalt  }
0x78: {  	_ =	shalt  }
0x79: {  	_ =	shalt  }
0x7a: {  	_ =	shalt  }
0x7b: {  	_ =	shalt  }
0x7c: {  	_ =	shalt  }
0x7d: {  	_ =	shalt  }
0x7e: {  	_ =	shalt  }
0x7f: {  	_ =	shalt  }
0x80: {  	_ =	shalt  }
0x81: {  	_ =	shalt  }
0x82: {  	_ =	shalt  }
0x83: {  	_ =	shalt  }
0x84: {  	_ =	shalt  }
0x85: {  	_ =	shalt  }
0x86: {  	_ =	shalt  }
0x87: {  	_ =	shalt  }
.Lfunc_end0:
.L_simem_size_0:
called_computation.3_lowered:
.L_overlay_start_0:
0x88: {  	s2 =	sld [smem:$0x3FD9]  }
0x89: {  	s3 =	sld [smem:$0x3FFE];
	_ =	sdelay $0x1  }
0x8a: {  	s1 =	srdreg.scid  }
0x8b: {  	s0 =	sand.u32 $0x1, s1  }
0x8c: {  	s17 =	sshll.u32 s0, $0xA;
	s2 =	sadd.s32 s3, s2  }
0x8d: {  	s2 =	sadd.s32 s2, s17  }
0x8e: {  	[smem:$0x3FC2] =	sst s2  }
0x8f: {  	_ = 	snop  }
0x90: {  	s2 =	sld [smem:$0x3FD0];
	(tm) =	ssettm $0x1  }
0x91: {  	s18 =	sld [smem:$0x3FFB];
	_ =	sdelay $0x3  }
0x92: {  	_ =	strace s18  }
0x93: {  	s3 =	sld [smem:$0x3FFC];
	_ =	sdelay $0x3  }
0x94: {  	_ =	strace s3  }
0x95: {  	s3 =	sld [smem:$0x3FFD];
	_ =	sdelay $0x3  }
0x96: {  	_ =	strace s3  }
0x97: {  	_ =	strace $0x8FFFFFFF  }
0x98: {  	s19 =	sld [smem:$0x3FDB];
	_ =	sdelay $0x1  }
0x99: {  	s4 =	simm.s32 $_scs_section_size  }
0x9a: {  	s5 =	simm.s32 $_size__tile_overlayer_lowered;
	s6 =	simm.s32 $_tile_overlayer_lowered  }
0x9b: {  	s22 =	simm.s32 $0x1BFF;
	s21 =	sshll.u32 s6, $0x1;
	s3 =	sadd.s32 s4, s19  }
0x9c: {  	s7 =	simm.s32 $0x0;
	s20 =	sshll.u32 s5, $0x1;
	s5 =	sadd.s32 s21, s3  }
0x9d: {  	[timem:s7], [sflag:s22] =	dma.local [hbm:s5], s20  }
0x9e: {  	_ =	swait.ge [sflag:s22], s20  }
0x9f: {  	s4 =	ssub.s32 $0x0, s20;
	[sflag:s22] =	ssyncset.done $0x0  }
0xa0: {  	[sflag:s22] =	ssyncadd.s32 s4;
	_ =	sdelay $0x1  }
0xa1: {  	s23 =	simm.s32 $0x1B8B  }
0xa2: {  	_ =	swait.ge [sflag:s23], $0x1  }
0xa3: {  	[sflag:s23] =	ssyncset.done $0x0  }
0xa4: {  	s25 =	simm.s32 $0x1B8E;
	s24 =	sld [smem:$0x3FFE];
	[sflag:s23] =	ssyncadd.s32 $0xFFFFFFFF  }
0xa5: {  	s26 =	simm.s32 $execute0_lowered;
	[smem:$0x3FD2] =	sst s25  }
0xa6: {  	s5 =	sshll.u32 s26, $0x1;
	_ =	strace $0x8000004F;
	[dreg:$0x1] =	wrdreg $0xFFFFFFFF  }
0xa7: {  	s28 =	simm.s32 $_size_execute0_lowered;
	s3 =	sadd.s32 s3, s5;
	[dreg:$0x0] =	wrdreg $0x0  }
0xa8: {  	s5 =	sshll.u32 s28, $0x1;
	[dreg:$0x2] =	wrdreg s3  }
0xa9: {  	[dreg:$0x3] =	wrdreg s5  }
0xaa: {  	[dreg:$0x4] =	wrdreg $0xC0  }
0xab: {  	_ =	task [dreg:s7], $0x5FFFF  }
0xac: {  	[dreg:$0x1] =	wrdreg $0xFFFFFFFF  }
0xad: {  	[dreg:$0x0] =	wrdreg $0x60  }
0xae: {  	[dreg:$0x2] =	wrdreg s2  }
0xaf: {  	[dreg:$0x3] =	wrdreg s24  }
0xb0: {  	[dreg:$0x4] =	wrdreg $0x90000  }
0xb1: {  	[dreg:$0x5] =	wrdreg $0x9  }
0xb2: {  	_ =	task.clear_ibuf [dreg:s7], $0x6FFFF;
	_ =	strace $0x9000004F  }
0xb3: {  	s29 =	simm.s32 $0x9;
	_ =	strace $0x80000051  }
0xb4: {  	_ =	swait.ge [sflag:s29], $0x1  }
0xb5: {  	[sflag:s29] =	ssyncadd.s32 $0xFFFFFFFF  }
0xb6: {  	_ =	strace $0x90000051  }
0xb7: {  	_ =	sfence  }
0xb8: {  	s30 =	sld [smem:$0x0];
	_ =	sdelay $0x2  }
0xb9: {  	s31 =	sshll.u32 s1, $0xD;
	s1 =	sshrl.u32 s1, $0x2  }
0xba: {  	s3 =	sand.u32 $0x4000, s31;
	s1 =	sadd.s32 s1, s30  }
0xbb: {  	s0 =	sor.u32 s3, s0;
	s1 =	sshll.u32 s1, $0x11  }
0xbc: {  	s0 =	sor.u32 s1, s0  }
0xbd: {  	s0 =	sadd.s32 $0x8F2B, s0  }
0xbe: {  	[sflag:s0] =	ssyncadd.remote.s32 $0x1  }
0xbf: {  	_ =	sfence.sel $0xFFFF  }
0xc0: {  	[dreg:$0x0] =	wrdreg $0xFFFFFFFF;
	(pc) =	sbr.abs _section_cstart, $3  }
0xc1: {  	[dreg:$0x1] =	wrdreg $0xFFFFFFFF  }
0xc2: {  	_ =	task.clear_ibuf [dreg:s7], $0x2FFFF;
	_ =	strace $0x9FFFFFFF  }
0xc3: {  	(tm) =	ssettm $0x7FFFFFFF  }
tec
execute0_lowered:
.L_overlay_start_1:
0x0: {  	(tag) =	ssettag $0x1  }
0x1: {  	s1 =	rddreg [dreg:$0x0]  }
0x2: {  	s0 =	srdreg.scid;
	s9 =	rddreg [dreg:$0x1]  }
0x3: {  	s3 =	rddreg [dreg:$0x2];
	s4 =	simm.s32 $0x0;
	s13 =	simm.s32 $0x6CA00  }
0x4: {  	s15 =	simm.s32 $0x5000;
	s16 =	simm.s32 $0x1;
	s17 =	simm.s32 $0x0  }
0x5: {  	s6 =	sand.u32 $0x1, s0;
	s0 =	stileid.u32;
	[smem:$0x7FF] =	sst s4  }
0x6: {  	s2 =	sshll.u32 s6, $0x4;
	s7 =	smul.u32 $0x50000, s0;
	s8 =	ssub.s32 $0x2, s6  }
0x7: {  	s30 =	sshll.u32 s0, $0x6;
	p0 =	seq.s32 s6, $0x1;
	s14 =	smul.u32 $0x2800, s0  }
0x8: {  	s5 =	sor.u32 s0, s2;
	s2 =	rddreg [dreg:$0x3];
	_ =	strace $0x80000050  }
0x9: {  	s11 =	sshrl.u32 s8, $0x1;
	s6 =	sor.u32 $0x1C02, s30;
	s13 =	simm.s32 @!p0 $0x44A00  }
0xa: {  	s5 =	smul.u32 $0x500, s5;
	s7 =	sshrl.u32 s7, $0x2;
	s11 =	ssub.s32 s8, s11  }
0xb: {  	s31 =	sadd.s32 s13, s9;
	s13 =	simm.s32 $0x2800;
	s12 =	sadd.s32 s7, s3  }
0xc: {  	s10 =	sadd.s32 s5, s9;
	s5 =	sadd.s32 $0x42200, s9;
	s9 =	smax.u32 s11, $0x1  }
0xd: {  	s11 =	sshrl.u32 s12, $0x3;
	s12 =	simm.s32 $0x2;
	s7 =	sadd.s32 $0x11000, s10  }
0xe: {  	s8 =	sadd.s32 $0x7000, s10;
	s10 =	sadd.s32 s31, s14;
	s14 =	simm.s32 $0x7D  }
.LBB2_1:
0xf: {  	[spmem:s11], [sflag:s6] =	dma.local [hbm:s5], $0x2800  }
0x10: {  	_ =	swait.ge [sflag:s12], $0x2800  }
0x11: {  	[sflag:s12] =	ssyncset.done $0x0  }
0x12: {  	[sflag:s12] =	ssyncadd.s32 $0xFFFFD800  }
0x13: {  	[tilespmem:s4], [sflag:$0x2] =	stream.linear.gather [hbm4b:s7+s4], $0x2800, $0x38;
	[tilespmem:$0x1D000] =	vst v63  }
0x14: {  	_ =	swait.ge [sflag:s12], $0x2800  }
0x15: {  	[sflag:s12] =	ssyncset.done $0x0  }
0x16: {  	[sflag:s12] =	ssyncadd.s32 $0xFFFFD800  }
0x17: {  	[tilespmem:s13], [sflag:$0x2] =	stream.linear.gather [hbm4b:s8+s4], $0x2800, $0x38;
	[tilespmem:$0x1D000] =	vst v63  }
0x18: {  	_ =	swait.ge [sflag:s12], $0x2800  }
0x19: {  	[sflag:s12] =	ssyncset.done $0x0  }
0x1a: {  	[sflag:s12] =	ssyncadd.s32 $0xFFFFD800  }
0x1b: {  	s18 =	simm.s32 $0x0;
	[bflag:$0x0] =	sbarrier.arrive $0xFFFF  }
0x1c: {  	[tilespmem:s15], [sflag:$0x1] =	stream.indirect.gather [hbm4b:s1+s14], $0x80, s18, s14, $0xb8;
	[tilespmem:$0x1D000] =	vst v63  }
0x1d: {  	_ =	swait.ge [sflag:s16], $0x3E80  }
0x1e: {  	[sflag:s16] =	ssyncset.done $0x0  }
0x1f: {  	s31 =	simm.s32 $0x2800;
	[sflag:s16] =	ssyncadd.s32 $0xFFFFC180  }
0x20: {  	[spmem:s3] =	stream.indirect.scatter.add.f32 [tilespmem:s15], [sflag:$0x2], $0x80, s31, s14, $0xb8;
	[tilespmem:$0x1D000] =	vst v63  }
0x21: {  	_ =	swait.ge [sflag:s12], $0x3E80  }
0x22: {  	s19 =	simm.s32 $0x400;
	s18 =	simm.s32 $0x200;
	[sflag:s12] =	ssyncset.done $0x0  }
.LBB2_2:
0x23: {  	s20 =	sshra.s32 s18, $0x2  }
0x24: {  	[sflag:s12] =	ssyncadd.s32 $0xFFFFC180;
	s18 =	smov.u32 s19;
	s21 =	sadd.s32 $0x200, s19  }
0x25: {  	[tilespmem:s15], [sflag:$0x1] =	stream.indirect.gather [hbm4b:s1+s14], $0x80, s20, s14, $0xb8;
	[tilespmem:$0x1D000] =	vst v63  }
0x26: {  	p0 =	sne.s32 s19, $0x9E00;
	_ =	swait.ge [sflag:s16], $0x3E80  }
.Ltmp0:
0x27: {  	[sflag:s16] =	ssyncset.done $0x0;
	(pc) =	sbr.rel @p0 .LBB2_2-.Ltmp0, $4  }
0x28: {  	s19 =	sadd.s32 $0x2800, s20;
	[sflag:s16] =	ssyncadd.s32 $0xFFFFC180  }
0x29: {  	[spmem:s3] =	stream.indirect.scatter.add.f32 [tilespmem:s15], [sflag:$0x2], $0x80, s19, s14, $0xb8;
	[tilespmem:$0x1D000] =	vst v63  }
0x2a: {  	_ =	swait.ge [sflag:s12], $0x3E80  }
0x2b: {  	s19 =	smov.u32 s21;
	[sflag:s12] =	ssyncset.done $0x0  }
0x2c: {  	s18 =	sshra.s32 s18, $0x2;
	[sflag:s12] =	ssyncadd.s32 $0xFFFFC180  }
0x2d: {  	[tilespmem:s15], [sflag:$0x1] =	stream.indirect.gather [hbm4b:s1+s14], $0x80, s18, s14, $0xb8;
	[tilespmem:$0x1D000] =	vst v63  }
0x2e: {  	_ =	swait.ge [sflag:s16], $0x3E80  }
0x2f: {  	[sflag:s16] =	ssyncset.done $0x0  }
0x30: {  	s18 =	sadd.s32 $0x2800, s18;
	[sflag:s16] =	ssyncadd.s32 $0xFFFFC180  }
0x31: {  	[spmem:s3] =	stream.indirect.scatter.add.f32 [tilespmem:s15], [sflag:$0x2], $0x80, s18, s14, $0xb8;
	[tilespmem:$0x1D000] =	vst v63  }
0x32: {  	_ =	swait.ge [sflag:s12], $0x3E80  }
0x33: {  	s17 =	sadd.s32 $0x1, s17;
	[sflag:s12] =	ssyncset.done $0x0  }
0x34: {  	p0 =	sne.s32 s17, s9;
	[sflag:s12] =	ssyncadd.s32 $0xFFFFC180  }
.Ltmp1:
0x35: {  	[bflag:$0x0] =	sbarrier.arrive $0xFFFF;
	(pc) =	sbr.rel @p0 .LBB2_1-.Ltmp1, $4  }
0x36: {  	[hbm:s10], [sflag:s6] =	dma.local [spmem:s11], $0x2800  }
0x37: {  	_ =	swait.ge [sflag:s12], $0x2800  }
0x38: {  	[sflag:s12] =	ssyncset.done $0x0  }
0x39: {  	[sflag:s12] =	ssyncadd.s32 $0xFFFFD800  }
0x3a: {  	_ =	sfence.sel $0x180000  }
0x3b: {  	[bflag:$0x0] =	sbarrier.arrive $0xFFFF  }
0x3c: {  	p0 =	sne.s32 s0, $0x0;
	_ =	strace $0x90000050  }
0x3d: {  	s0 =	sadd.s32 @!p0 $0x100000, s2;
	[bflag:$0x2] =	sbarrier.arrive $0xFFFF  }
0x3e: {  	[sflag:s0] =	ssyncadd.tile.s32 @!p0 $0x1;
	_ =	shalt  }
.Lfunc_end2:
_tile_overlayer_lowered:
.L_overlay_start_2:
0x3f: {  	(tag) =	ssettag $0x2  }
0x40: {  	s0 =	rddreg [dreg:$0x0];
	s2 =	stileid.u32  }
0x41: {  	s1 =	rddreg [dreg:$0x1];
	p0 =	sne.s32 s2, $0x0  }
0x42: {  	s3 =	rddreg [dreg:$0x2];
	[bflag:$0x3] =	sbarrier.arrive $0xFFFF;
	s2 =	simm.s32 @!p0 $0x1C02  }
0x43: {  	[timem:s3], [sflag:s2] =	dma.local @!p0 [hbm:s0], s1  }
0x44: {  	s0 =	simm.s32 @!p0 $0x2  }
0x45: {  	_ =	swait.ge @!p0 [sflag:s0], s1  }
0x46: {  	s1 =	ssub.s32 @!p0 $0x0, s1;
	[sflag:s0] =	ssyncset.done @!p0 $0x0  }
0x47: {  	[sflag:s0] =	ssyncadd.s32 @!p0 s1  }
0x48: {  	[bflag:$0x3] =	sbarrier.arrive $0xFFFF  }
0x49: {  	_ =	shalt  }

// kernel: kernel.24.cloned.1.call-start
scs
__scs_entry_jumppad:
0x0: {  	(pc) =	sbr.rel $0x88, $3  }
0x1: {  	(tag) =	ssettag $0x0;
	lr =	simm.s32 $0x1  }
0x2: {  	[smem:$0x3F9B] =	sst lr;
	_ =	strace $0xD0000000  }
0x3: {  	_ = 	snop  }
0x4: {  	_ = 	snop  }
0x5: {  	_ = 	snop  }
0x6: {  	_ = 	snop  }
0x7: {  	_ = 	snop  }
__scs_overlays_trampoline_lowered:
0x8: {  	[smem:$0x3FAA] =	sst s0  }
0x9: {  	[smem:$0x3FAB] =	sst s1  }
0xa: {  	[smem:$0x3FAC] =	sst s2  }
0xb: {  	[smem:$0x3FAD] =	sst s3  }
0xc: {  	[smem:$0x3FAE] =	sst s4  }
0xd: {  	[smem:$0x3FAF] =	sst s5  }
0xe: {  	[smem:$0x3FB0] =	sst s6  }
0xf: {  	[smem:$0x3FB1] =	sst s7  }
0x10: {  	[smem:$0x3FB2] =	sst s8  }
0x11: {  	[smem:$0x3FB3] =	sst s9;
	s0 =	simm.s32 @!p0 $0x0  }
0x12: {  	s1 =	sld [smem:$0x3F99];
	s0 =	simm.s32 @p0 $0x1  }
0x13: {  	[smem:$0x3FB4] =	sst s0;
	s0 =	simm.s32 @!p1 $0x0  }
0x14: {  	s2 =	sld [smem:$0x3F98];
	s0 =	simm.s32 @p1 $0x1  }
0x15: {  	[smem:$0x3FB5] =	sst s0;
	s0 =	simm.s32 @!p2 $0x0  }
0x16: {  	s3 =	sld [smem:$0x3FDB];
	s0 =	simm.s32 @p2 $0x1  }
0x17: {  	s4 =	simm.s32 $0x1BF5;
	[smem:$0x3FB7] =	sst s0  }
0x18: {  	s0 =	sld [smem:$0x3F9A];
	_ =	swait.ge [sflag:s4], $0x0  }
0x19: {  	s7 =	sld [smem:$0x3F9B]  }
0x1a: {  	s8 =	sadd.s32 $0xFFFFE003, lr  }
0x1b: {  	s9 =	sadd.s32 $0xFFFFFEF7, lr;
	s5 =	simm.s32 $0xFFFFFFFF;
	p2 =	slt.u32 s8, $0xFFFFF086  }
0x1c: {  	p1 =	slt.u32 s9, $0xF7A;
	s5 =	simm.s32 @!p2 $0x0  }
0x1d: {  	s5 =	simm.s32 @p1 $0x1;
	p0 =	seq.s32 s7, s2  }
0x1e: {  	s7 =	smul.u32 @!p0 $0xF7A, s2;
	p2 =	seq.s32 @!p0 s5, $0x0  }
0x1f: {  	s9 =	smul.u32 $0xF7A, s1;
	s8 =	simm.s32 @!p0 $0x1BF5;
	p2 =	por !p2, p0  }
0x20: {  	[sflag:s8] =	ssyncset.s32 @!p0 $0xFFFFF086;
	s6 =	sadd.s32 @!p0 s3, s7;
	s7 =	simm.s32 @!p0 $0x108  }
0x21: {  	s3 =	sadd.s32 s3, s9;
	s6 =	sadd.s32 @!p0 $0x88, s6;
	s7 =	simm.s32 @p2 $0x1082  }
0x22: {  	[simem:s7], [sflag:s8] =	dma.local @!p0 [hbm:s6], $0xF7A  }
0x23: {  	s9 =	sor.u32 $0xD0000000, s2;
	s6 =	simm.s32 $0x108;
	_ =	swait.ge @!p0 [sflag:s8], $0x0  }
0x24: {  	s3 =	sadd.s32 $0x88, s3;
	s6 =	simm.s32 @!p1 $0x1082;
	[sflag:s4] =	ssyncset.s32 $0xFFFFF086  }
0x25: {  	[simem:s6], [sflag:s4] =	dma.local [hbm:s3], $0xF7A  }
0x26: {  	[smem:$0x3F9B] =	sst s1;
	(tag) =	ssettag s2;
	_ =	strace s9  }
0x27: {  	s1 =	sld [smem:$0x3FAB]  }
0x28: {  	s2 =	sld [smem:$0x3FAC]  }
0x29: {  	s4 =	sld [smem:$0x3FAE]  }
0x2a: {  	p0 =	seq.s32 s5, $0x0;
	s5 =	sld [smem:$0x3FAF]  }
0x2b: {  	s6 =	sld [smem:$0x3FB0]  }
0x2c: {  	s7 =	sld [smem:$0x3FB1]  }
0x2d: {  	s3 =	simm.s32 $0x108;
	s8 =	sld [smem:$0x3FB2]  }
0x2e: {  	s3 =	simm.s32 @!p0 $0x1082;
	s9 =	sld [smem:$0x3FB3]  }
0x2f: {  	lr =	sadd.s32 s0, s3;
	s0 =	sld [smem:$0x3FAA]  }
0x30: {  	s3 =	sld [smem:$0x3FAD]  }
0x31: {  	[smem:$0x3FB6] =	sst s10  }
0x32: {  	s10 =	sld [smem:$0x3FB4];
	_ =	sdelay $0x3  }
0x33: {  	p0 =	seq.s32 s10, $0x1;
	s10 =	sld [smem:$0x3FB6];
	_ =	sdelay $0x3  }
0x34: {  	[smem:$0x3FB6] =	sst s10  }
0x35: {  	s10 =	sld [smem:$0x3FB5];
	_ =	sdelay $0x3  }
0x36: {  	p1 =	seq.s32 s10, $0x1;
	s10 =	sld [smem:$0x3FB6];
	_ =	sdelay $0x3  }
0x37: {  	[smem:$0x3FB6] =	sst s10  }
0x38: {  	s10 =	sld [smem:$0x3FB7]  }
0x39: {  	_ = 	snop;
	(pc) =	sbr.ind lr, $3  }
0x3a: {  	_ = 	snop  }
0x3b: {  	_ = 	snop  }
0x3c: {  	p2 =	seq.s32 s10, $0x1;
	s10 =	sld [smem:$0x3FB6]  }
0x3d: {  	_ =	shalt  }
0x3e: {  	_ =	shalt  }
0x3f: {  	_ =	shalt  }
0x40: {  	_ =	shalt  }
0x41: {  	_ =	shalt  }
0x42: {  	_ =	shalt  }
0x43: {  	_ =	shalt  }
0x44: {  	_ =	shalt  }
0x45: {  	_ =	shalt  }
0x46: {  	_ =	shalt  }
0x47: {  	_ =	shalt  }
0x48: {  	_ =	shalt  }
0x49: {  	_ =	shalt  }
0x4a: {  	_ =	shalt  }
0x4b: {  	_ =	shalt  }
0x4c: {  	_ =	shalt  }
0x4d: {  	_ =	shalt  }
0x4e: {  	_ =	shalt  }
0x4f: {  	_ =	shalt  }
0x50: {  	_ =	shalt  }
0x51: {  	_ =	shalt  }
0x52: {  	_ =	shalt  }
0x53: {  	_ =	shalt  }
0x54: {  	_ =	shalt  }
0x55: {  	_ =	shalt  }
0x56: {  	_ =	shalt  }
0x57: {  	_ =	shalt  }
0x58: {  	_ =	shalt  }
0x59: {  	_ =	shalt  }
0x5a: {  	_ =	shalt  }
0x5b: {  	_ =	shalt  }
0x5c: {  	_ =	shalt  }
0x5d: {  	_ =	shalt  }
0x5e: {  	_ =	shalt  }
0x5f: {  	_ =	shalt  }
0x60: {  	_ =	shalt  }
0x61: {  	_ =	shalt  }
0x62: {  	_ =	shalt  }
0x63: {  	_ =	shalt  }
0x64: {  	_ =	shalt  }
0x65: {  	_ =	shalt  }
0x66: {  	_ =	shalt  }
0x67: {  	_ =	shalt  }
0x68: {  	_ =	shalt  }
0x69: {  	_ =	shalt  }
0x6a: {  	_ =	shalt  }
0x6b: {  	_ =	shalt  }
0x6c: {  	_ =	shalt  }
0x6d: {  	_ =	shalt  }
0x6e: {  	_ =	shalt  }
0x6f: {  	_ =	shalt  }
0x70: {  	_ =	shalt  }
0x71: {  	_ =	shalt  }
0x72: {  	_ =	shalt  }
0x73: {  	_ =	shalt  }
0x74: {  	_ =	shalt  }
0x75: {  	_ =	shalt  }
0x76: {  	_ =	shalt  }
0x77: {  	_ =	shalt  }
0x78: {  	_ =	shalt  }
0x79: {  	_ =	shalt  }
0x7a: {  	_ =	shalt  }
0x7b: {  	_ =	shalt  }
0x7c: {  	_ =	shalt  }
0x7d: {  	_ =	shalt  }
0x7e: {  	_ =	shalt  }
0x7f: {  	_ =	shalt  }
0x80: {  	_ =	shalt  }
0x81: {  	_ =	shalt  }
0x82: {  	_ =	shalt  }
0x83: {  	_ =	shalt  }
0x84: {  	_ =	shalt  }
0x85: {  	_ =	shalt  }
0x86: {  	_ =	shalt  }
0x87: {  	_ =	shalt  }
.Lfunc_end0:
.L_simem_size_0:
called_computation.4_lowered:
.L_overlay_start_0:
0x88: {  	s2 =	sld [smem:$0x3FD9]  }
0x89: {  	s3 =	sld [smem:$0x3FFE];
	_ =	sdelay $0x1  }
0x8a: {  	s1 =	srdreg.scid  }
0x8b: {  	s0 =	sand.u32 $0x1, s1  }
0x8c: {  	s17 =	sshll.u32 s0, $0xA;
	s2 =	sadd.s32 s3, s2  }
0x8d: {  	s2 =	sadd.s32 s2, s17  }
0x8e: {  	[smem:$0x3FC2] =	sst s2  }
0x8f: {  	_ = 	snop  }
0x90: {  	s2 =	sld [smem:$0x3FD0];
	(tm) =	ssettm $0x1  }
0x91: {  	s18 =	sld [smem:$0x3FFB];
	_ =	sdelay $0x3  }
0x92: {  	_ =	strace s18  }
0x93: {  	s3 =	sld [smem:$0x3FFC];
	_ =	sdelay $0x3  }
0x94: {  	_ =	strace s3  }
0x95: {  	s3 =	sld [smem:$0x3FFD];
	_ =	sdelay $0x3  }
0x96: {  	_ =	strace s3  }
0x97: {  	_ =	strace $0x8FFFFFFF  }
0x98: {  	s19 =	sld [smem:$0x3FDB];
	_ =	sdelay $0x1  }
0x99: {  	s4 =	simm.s32 $_scs_section_size  }
0x9a: {  	s5 =	simm.s32 $_size__tile_overlayer_lowered;
	s6 =	simm.s32 $_tile_overlayer_lowered  }
0x9b: {  	s22 =	simm.s32 $0x1BFF;
	s21 =	sshll.u32 s6, $0x1;
	s3 =	sadd.s32 s4, s19  }
0x9c: {  	s7 =	simm.s32 $0x0;
	s20 =	sshll.u32 s5, $0x1;
	s5 =	sadd.s32 s21, s3  }
0x9d: {  	[timem:s7], [sflag:s22] =	dma.local [hbm:s5], s20  }
0x9e: {  	_ =	swait.ge [sflag:s22], s20  }
0x9f: {  	s4 =	ssub.s32 $0x0, s20;
	[sflag:s22] =	ssyncset.done $0x0  }
0xa0: {  	[sflag:s22] =	ssyncadd.s32 s4;
	_ =	sdelay $0x1  }
0xa1: {  	s23 =	simm.s32 $0x1B8B  }
0xa2: {  	_ =	swait.ge [sflag:s23], $0x1  }
0xa3: {  	[sflag:s23] =	ssyncset.done $0x0  }
0xa4: {  	s25 =	simm.s32 $0x1B8E;
	s24 =	sld [smem:$0x3FFE];
	[sflag:s23] =	ssyncadd.s32 $0xFFFFFFFF  }
0xa5: {  	s26 =	simm.s32 $execute0_lowered;
	[smem:$0x3FD2] =	sst s25  }
0xa6: {  	s5 =	sshll.u32 s26, $0x1;
	_ =	strace $0x80000052;
	[dreg:$0x1] =	wrdreg $0xFFFFFFFF  }
0xa7: {  	s28 =	simm.s32 $_size_execute0_lowered;
	s3 =	sadd.s32 s3, s5;
	[dreg:$0x0] =	wrdreg $0x0  }
0xa8: {  	s5 =	sshll.u32 s28, $0x1;
	[dreg:$0x2] =	wrdreg s3  }
0xa9: {  	[dreg:$0x3] =	wrdreg s5  }
0xaa: {  	[dreg:$0x4] =	wrdreg $0xC0  }
0xab: {  	_ =	task [dreg:s7], $0x5FFFF  }
0xac: {  	[dreg:$0x1] =	wrdreg $0xFFFFFFFF  }
0xad: {  	[dreg:$0x0] =	wrdreg $0x60  }
0xae: {  	[dreg:$0x2] =	wrdreg s2  }
0xaf: {  	[dreg:$0x3] =	wrdreg s24  }
0xb0: {  	[dreg:$0x4] =	wrdreg $0x90000  }
0xb1: {  	[dreg:$0x5] =	wrdreg $0x9  }
0xb2: {  	_ =	task.clear_ibuf [dreg:s7], $0x6FFFF;
	_ =	strace $0x90000052  }
0xb3: {  	s29 =	simm.s32 $0x9;
	_ =	strace $0x80000054  }
0xb4: {  	_ =	swait.ge [sflag:s29], $0x1  }
0xb5: {  	[sflag:s29] =	ssyncadd.s32 $0xFFFFFFFF  }
0xb6: {  	_ =	strace $0x90000054  }
0xb7: {  	_ =	sfence  }
0xb8: {  	s30 =	sld [smem:$0x0];
	_ =	sdelay $0x2  }
0xb9: {  	s31 =	sshll.u32 s1, $0xD;
	s1 =	sshrl.u32 s1, $0x2  }
0xba: {  	s3 =	sand.u32 $0x4000, s31;
	s1 =	sadd.s32 s1, s30  }
0xbb: {  	s0 =	sor.u32 s3, s0;
	s1 =	sshll.u32 s1, $0x11  }
0xbc: {  	s0 =	sor.u32 s1, s0  }
0xbd: {  	s0 =	sadd.s32 $0x8F2B, s0  }
0xbe: {  	[sflag:s0] =	ssyncadd.remote.s32 $0x1  }
0xbf: {  	_ =	sfence.sel $0xFFFF  }
0xc0: {  	[dreg:$0x0] =	wrdreg $0xFFFFFFFF;
	(pc) =	sbr.abs _section_cstart, $3  }
0xc1: {  	[dreg:$0x1] =	wrdreg $0xFFFFFFFF  }
0xc2: {  	_ =	task.clear_ibuf [dreg:s7], $0x2FFFF;
	_ =	strace $0x9FFFFFFF  }
0xc3: {  	(tm) =	ssettm $0x7FFFFFFF  }
tec
execute0_lowered:
.L_overlay_start_1:
0x0: {  	(tag) =	ssettag $0x1  }
0x1: {  	s1 =	rddreg [dreg:$0x0]  }
0x2: {  	s0 =	srdreg.scid;
	s9 =	rddreg [dreg:$0x1]  }
0x3: {  	s3 =	rddreg [dreg:$0x2];
	s4 =	simm.s32 $0x0;
	s13 =	simm.s32 $0x6CA00  }
0x4: {  	s15 =	simm.s32 $0x5000;
	s16 =	simm.s32 $0x1;
	s17 =	simm.s32 $0x0  }
0x5: {  	s6 =	sand.u32 $0x1, s0;
	s0 =	stileid.u32;
	[smem:$0x7FF] =	sst s4  }
0x6: {  	s2 =	sshll.u32 s6, $0x4;
	s7 =	smul.u32 $0x50000, s0;
	s8 =	ssub.s32 $0x2, s6  }
0x7: {  	s30 =	sshll.u32 s0, $0x6;
	p0 =	seq.s32 s6, $0x1;
	s14 =	smul.u32 $0x2800, s0  }
0x8: {  	s5 =	sor.u32 s0, s2;
	s2 =	rddreg [dreg:$0x3];
	_ =	strace $0x80000053  }
0x9: {  	s11 =	sshrl.u32 s8, $0x1;
	s6 =	sor.u32 $0x1C02, s30;
	s13 =	simm.s32 @!p0 $0x44A00  }
0xa: {  	s5 =	smul.u32 $0x500, s5;
	s7 =	sshrl.u32 s7, $0x2;
	s11 =	ssub.s32 s8, s11  }
0xb: {  	s31 =	sadd.s32 s13, s9;
	s13 =	simm.s32 $0x2800;
	s12 =	sadd.s32 s7, s3  }
0xc: {  	s10 =	sadd.s32 s5, s9;
	s5 =	sadd.s32 $0x42200, s9;
	s9 =	smax.u32 s11, $0x1  }
0xd: {  	s11 =	sshrl.u32 s12, $0x3;
	s12 =	simm.s32 $0x2;
	s7 =	sadd.s32 $0x11000, s10  }
0xe: {  	s8 =	sadd.s32 $0x7000, s10;
	s10 =	sadd.s32 s31, s14;
	s14 =	simm.s32 $0x7D  }
.LBB2_1:
0xf: {  	[spmem:s11], [sflag:s6] =	dma.local [hbm:s5], $0x2800  }
0x10: {  	_ =	swait.ge [sflag:s12], $0x2800  }
0x11: {  	[sflag:s12] =	ssyncset.done $0x0  }
0x12: {  	[sflag:s12] =	ssyncadd.s32 $0xFFFFD800  }
0x13: {  	[tilespmem:s4], [sflag:$0x2] =	stream.linear.gather [hbm4b:s7+s4], $0x2800, $0x38;
	[tilespmem:$0x1D000] =	vst v63  }
0x14: {  	_ =	swait.ge [sflag:s12], $0x2800  }
0x15: {  	[sflag:s12] =	ssyncset.done $0x0  }
0x16: {  	[sflag:s12] =	ssyncadd.s32 $0xFFFFD800  }
0x17: {  	[tilespmem:s13], [sflag:$0x2] =	stream.linear.gather [hbm4b:s8+s4], $0x2800, $0x38;
	[tilespmem:$0x1D000] =	vst v63  }
0x18: {  	_ =	swait.ge [sflag:s12], $0x2800  }
0x19: {  	[sflag:s12] =	ssyncset.done $0x0  }
0x1a: {  	[sflag:s12] =	ssyncadd.s32 $0xFFFFD800  }
0x1b: {  	s18 =	simm.s32 $0x0;
	[bflag:$0x0] =	sbarrier.arrive $0xFFFF  }
0x1c: {  	[tilespmem:s15], [sflag:$0x1] =	stream.indirect.gather [hbm4b:s1+s14], $0x80, s18, s14, $0xb8;
	[tilespmem:$0x1D000] =	vst v63  }
0x1d: {  	_ =	swait.ge [sflag:s16], $0x3E80  }
0x1e: {  	[sflag:s16] =	ssyncset.done $0x0  }
0x1f: {  	s31 =	simm.s32 $0x2800;
	[sflag:s16] =	ssyncadd.s32 $0xFFFFC180  }
0x20: {  	[spmem:s3] =	stream.indirect.scatter.add.f32 [tilespmem:s15], [sflag:$0x2], $0x80, s31, s14, $0xb8;
	[tilespmem:$0x1D000] =	vst v63  }
0x21: {  	_ =	swait.ge [sflag:s12], $0x3E80  }
0x22: {  	s19 =	simm.s32 $0x400;
	s18 =	simm.s32 $0x200;
	[sflag:s12] =	ssyncset.done $0x0  }
.LBB2_2:
0x23: {  	s20 =	sshra.s32 s18, $0x2  }
0x24: {  	[sflag:s12] =	ssyncadd.s32 $0xFFFFC180;
	s18 =	smov.u32 s19;
	s21 =	sadd.s32 $0x200, s19  }
0x25: {  	[tilespmem:s15], [sflag:$0x1] =	stream.indirect.gather [hbm4b:s1+s14], $0x80, s20, s14, $0xb8;
	[tilespmem:$0x1D000] =	vst v63  }
0x26: {  	p0 =	sne.s32 s19, $0x9E00;
	_ =	swait.ge [sflag:s16], $0x3E80  }
.Ltmp0:
0x27: {  	[sflag:s16] =	ssyncset.done $0x0;
	(pc) =	sbr.rel @p0 .LBB2_2-.Ltmp0, $4  }
0x28: {  	s19 =	sadd.s32 $0x2800, s20;
	[sflag:s16] =	ssyncadd.s32 $0xFFFFC180  }
0x29: {  	[spmem:s3] =	stream.indirect.scatter.add.f32 [tilespmem:s15], [sflag:$0x2], $0x80, s19, s14, $0xb8;
	[tilespmem:$0x1D000] =	vst v63  }
0x2a: {  	_ =	swait.ge [sflag:s12], $0x3E80  }
0x2b: {  	s19 =	smov.u32 s21;
	[sflag:s12] =	ssyncset.done $0x0  }
0x2c: {  	s18 =	sshra.s32 s18, $0x2;
	[sflag:s12] =	ssyncadd.s32 $0xFFFFC180  }
0x2d: {  	[tilespmem:s15], [sflag:$0x1] =	stream.indirect.gather [hbm4b:s1+s14], $0x80, s18, s14, $0xb8;
	[tilespmem:$0x1D000] =	vst v63  }
0x2e: {  	_ =	swait.ge [sflag:s16], $0x3E80  }
0x2f: {  	[sflag:s16] =	ssyncset.done $0x0  }
0x30: {  	s18 =	sadd.s32 $0x2800, s18;
	[sflag:s16] =	ssyncadd.s32 $0xFFFFC180  }
0x31: {  	[spmem:s3] =	stream.indirect.scatter.add.f32 [tilespmem:s15], [sflag:$0x2], $0x80, s18, s14, $0xb8;
	[tilespmem:$0x1D000] =	vst v63  }
0x32: {  	_ =	swait.ge [sflag:s12], $0x3E80  }
0x33: {  	s17 =	sadd.s32 $0x1, s17;
	[sflag:s12] =	ssyncset.done $0x0  }
0x34: {  	p0 =	sne.s32 s17, s9;
	[sflag:s12] =	ssyncadd.s32 $0xFFFFC180  }
.Ltmp1:
0x35: {  	[bflag:$0x0] =	sbarrier.arrive $0xFFFF;
	(pc) =	sbr.rel @p0 .LBB2_1-.Ltmp1, $4  }
0x36: {  	[hbm:s10], [sflag:s6] =	dma.local [spmem:s11], $0x2800  }
0x37: {  	_ =	swait.ge [sflag:s12], $0x2800  }
0x38: {  	[sflag:s12] =	ssyncset.done $0x0  }
0x39: {  	[sflag:s12] =	ssyncadd.s32 $0xFFFFD800  }
0x3a: {  	_ =	sfence.sel $0x180000  }
0x3b: {  	[bflag:$0x0] =	sbarrier.arrive $0xFFFF  }
0x3c: {  	p0 =	sne.s32 s0, $0x0;
	_ =	strace $0x90000053  }
0x3d: {  	s0 =	sadd.s32 @!p0 $0x100000, s2;
	[bflag:$0x2] =	sbarrier.arrive $0xFFFF  }
0x3e: {  	[sflag:s0] =	ssyncadd.tile.s32 @!p0 $0x1;
	_ =	shalt  }
.Lfunc_end2:
_tile_overlayer_lowered:
.L_overlay_start_2:
0x3f: {  	(tag) =	ssettag $0x2  }
0x40: {  	s0 =	rddreg [dreg:$0x0];
	s2 =	stileid.u32  }
0x41: {  	s1 =	rddreg [dreg:$0x1];
	p0 =	sne.s32 s2, $0x0  }
0x42: {  	s3 =	rddreg [dreg:$0x2];
	[bflag:$0x3] =	sbarrier.arrive $0xFFFF;
	s2 =	simm.s32 @!p0 $0x1C02  }
0x43: {  	[timem:s3], [sflag:s2] =	dma.local @!p0 [hbm:s0], s1  }
0x44: {  	s0 =	simm.s32 @!p0 $0x2  }
0x45: {  	_ =	swait.ge @!p0 [sflag:s0], s1  }
0x46: {  	s1 =	ssub.s32 @!p0 $0x0, s1;
	[sflag:s0] =	ssyncset.done @!p0 $0x0  }
0x47: {  	[sflag:s0] =	ssyncadd.s32 @!p0 s1  }
0x48: {  	[bflag:$0x3] =	sbarrier.arrive $0xFFFF  }
0x49: {  	_ =	shalt  }

</sc_bundles>
